<compile_context>
chip_gen: v7x
topology: tpu7x:2x2x1
jax: 0.10.2.dev20260603
libtpu: 0.0.44.dev20260713+nightly
codegen_flags: <defaults>
</compile_context>

<pallas_src>
import functools

import jax
import jax.numpy as jnp
from jax import lax
from jax.experimental import pallas as pl
from jax.experimental.pallas import tpu as pltpu
from jax.experimental.pallas import tpu_sc as plsc

N = 10000
FIN = 128
HID = 64
NCLS = 40
E = 320000

NC = 2
NS = 16
NW = NC * NS

CH = 128
NCHA = 80
EPW = NCHA * CH
EPAD = EPW * NW
MPAD = 10240
VPT = MPAD // NS
RPT = MPAD // NS
ZR = 128

_sc_mesh = plsc.VectorSubcoreMesh(core_axis_name="c", subcore_axis_name="s")


@functools.partial(
    pl.kernel,
    out_type=jax.ShapeDtypeStruct((NC * MPAD,), jnp.float32),
    mesh=_sc_mesh,
    compiler_params=pltpu.CompilerParams(use_tc_tiling_on_sc=False),
    scratch_types=[
        pltpu.VMEM((NCHA, CH), jnp.int32),
        pltpu.VMEM((CH,), jnp.float32),
        pltpu.VMEM((VPT,), jnp.float32),
        pltpu.VMEM_SHARED((MPAD,), jnp.float32),
        pltpu.SemaphoreType.DMA,
    ],
)
def _sc_deg(dst_hbm, out_hbm, didx, ones, buf, dacc, sem):
    c = lax.axis_index("c")
    s = lax.axis_index("s")
    w = c * NS + s

    for j in range(CH // 16):
        ones[pl.ds(j * 16, 16)] = jnp.full((16,), 1.0, jnp.float32)

    def zero(j, carry):
        buf[pl.ds(j * 16, 16)] = jnp.zeros((16,), jnp.float32)
        return carry

    lax.fori_loop(0, VPT // 16, zero, 0)
    pltpu.sync_copy(buf, dacc.at[pl.ds(s * VPT, VPT)])
    pltpu.sync_copy(dst_hbm.at[w], didx)
    plsc.subcore_barrier()

    def grp(g, carry):
        base = g * 8
        for k in range(8):
            pltpu.async_copy(ones, dacc.at[didx.at[base + k]], sem, add=True)
        for k in range(8):
            pltpu.make_async_copy(ones, dacc.at[didx.at[base]], sem).wait()
        return carry

    lax.fori_loop(0, NCHA // 8, grp, 0)
    plsc.subcore_barrier()
    pltpu.sync_copy(dacc.at[pl.ds(s * VPT, VPT)],
                    out_hbm.at[pl.ds(c * MPAD + s * VPT, VPT)])


@functools.partial(
    pl.kernel,
    out_type=jax.ShapeDtypeStruct((NC * MPAD, HID), jnp.float32),
    mesh=_sc_mesh,
    compiler_params=pltpu.CompilerParams(use_tc_tiling_on_sc=False),
    scratch_types=[
        pltpu.VMEM((NCHA, CH), jnp.int32),
        pltpu.VMEM((NCHA, CH), jnp.int32),
        pltpu.VMEM((CH, HID), jnp.float32),
        pltpu.VMEM((CH, HID), jnp.float32),
        pltpu.VMEM((ZR, HID), jnp.float32),
        pltpu.VMEM_SHARED((MPAD, HID), jnp.float32),
        pltpu.VMEM_SHARED((MPAD, HID), jnp.float32),
        [pltpu.SemaphoreType.DMA] * 2,
        [pltpu.SemaphoreType.DMA] * 2,
    ],
)
def _sc_agg(mp_hbm, src_hbm, dst_hbm, out_hbm, sidx, didx, rows0, rows1, zbuf,
            mps, acc, gsems, ssems):
    c = lax.axis_index("c")
    s = lax.axis_index("s")
    w = c * NS + s
    bufs = (rows0, rows1)

    def zero(t, carry):
        for j in range(HID // 16):
            zbuf[t, pl.ds(j * 16, 16)] = jnp.zeros((16,), jnp.float32)
        return carry

    pltpu.async_copy(src_hbm.at[w], sidx, gsems[0])
    pltpu.async_copy(dst_hbm.at[w], didx, gsems[1])
    pltpu.async_copy(mp_hbm.at[pl.ds(s * RPT, RPT)],
                     mps.at[pl.ds(s * RPT, RPT)], ssems[0])
    lax.fori_loop(0, ZR, zero, 0)
    for k in range(RPT // ZR):
        pltpu.async_copy(zbuf, acc.at[pl.ds(s * RPT + k * ZR, ZR)], ssems[1])
    pltpu.make_async_copy(src_hbm.at[w], sidx, gsems[0]).wait()
    pltpu.make_async_copy(dst_hbm.at[w], didx, gsems[1]).wait()
    pltpu.make_async_copy(mp_hbm.at[pl.ds(s * RPT, RPT)],
                          mps.at[pl.ds(s * RPT, RPT)], ssems[0]).wait()
    for k in range(RPT // ZR):
        pltpu.make_async_copy(zbuf, acc.at[pl.ds(s * RPT + k * ZR, ZR)],
                              ssems[1]).wait()
    plsc.subcore_barrier()

    def g_start(i, b):
        pltpu.async_copy(mps.at[sidx.at[i]], bufs[b], gsems[b])

    def g_wait(i, b):
        pltpu.make_async_copy(mps.at[sidx.at[i]], bufs[b], gsems[b]).wait()

    def s_start(i, b):
        pltpu.async_copy(bufs[b], acc.at[didx.at[i]], ssems[b], add=True)

    def s_wait(i, b):
        pltpu.make_async_copy(bufs[b], acc.at[didx.at[i]], ssems[b]).wait()

    g_start(0, 0)
    g_wait(0, 0)
    s_start(0, 0)
    g_start(1, 1)

    def body2(j, carry):
        for k in range(2):
            i = 2 * j + 1 + k
            b = (1 + k) % 2
            g_wait(i, b)
            s_start(i, b)
            s_wait(i - 1, 1 - b)
            g_start(i + 1, 1 - b)
        return carry

    lax.fori_loop(0, (NCHA - 2) // 2, body2, 0)
    g_wait(NCHA - 1, 1)
    s_start(NCHA - 1, 1)
    s_wait(NCHA - 2, 0)
    s_wait(NCHA - 1, 1)

    plsc.subcore_barrier()
    pltpu.sync_copy(acc.at[pl.ds(s * RPT, RPT)],
                    out_hbm.at[pl.ds(c * MPAD + s * RPT, RPT)])


def _tc_first_body(x_ref, w_ref, deg_ref, o_ref):
    dinv = lax.rsqrt(deg_ref[:N] + deg_ref[MPAD:MPAD + N] + 1.0)
    o_ref[:N] = (
        jnp.dot(x_ref[...], w_ref[...], preferred_element_type=jnp.float32) * dinv
    )
    o_ref[N:] = jnp.zeros((MPAD - N, HID), jnp.float32)


def _tc_mid_body(p_ref, mp_ref, deg_ref, b_ref, w_ref, o_ref):
    dinv = lax.rsqrt(deg_ref[:MPAD] + deg_ref[MPAD:] + 1.0)
    t = (p_ref[:MPAD] + p_ref[MPAD:] + mp_ref[...]) * dinv + b_ref[...]
    h = jnp.maximum(t, 0.0)
    o_ref[...] = (
        jnp.dot(h, w_ref[...], preferred_element_type=jnp.float32) * dinv
    )


def _tc_final_body(p_ref, mp_ref, deg_ref, b3_ref, wl1_ref, bl1_ref, wl2_ref,
                   bl2_ref, o_ref):
    dinv = lax.rsqrt(deg_ref[:MPAD] + deg_ref[MPAD:] + 1.0)
    t = (p_ref[:MPAD] + p_ref[MPAD:] + mp_ref[...]) * dinv + b3_ref[...]
    h = jnp.maximum(t, 0.0)
    h = jnp.maximum(
        jnp.dot(h, wl1_ref[...], preferred_element_type=jnp.float32) + bl1_ref[...],
        0.0,
    )
    lg = jnp.dot(h, wl2_ref[...], preferred_element_type=jnp.float32) + bl2_ref[...]
    m = jnp.max(lg, axis=-1, keepdims=True)
    lse = jnp.log(jnp.sum(jnp.exp(lg - m), axis=-1, keepdims=True)) + m
    o_ref[...] = lg - lse


def kernel(x, edge_index, W1, b1, W2, b2, W3, b3, Wl1, bl1, Wl2, bl2):
    src = edge_index[0]
    dst = edge_index[1]
    srcp = jnp.concatenate(
        [src, jnp.zeros((EPAD - E,), jnp.int32)]).reshape(NW, NCHA, CH)
    dstp = jnp.concatenate(
        [dst, jnp.full((EPAD - E,), N, jnp.int32)]).reshape(NW, NCHA, CH)
    deg = _sc_deg(dstp).reshape(NC * MPAD, 1)

    mp1 = pl.pallas_call(
        _tc_first_body,
        out_shape=jax.ShapeDtypeStruct((MPAD, HID), jnp.float32),
    )(x, W1, deg)
    p1 = _sc_agg(mp1, srcp, dstp)
    mp2 = pl.pallas_call(
        _tc_mid_body,
        out_shape=jax.ShapeDtypeStruct((MPAD, HID), jnp.float32),
    )(p1, mp1, deg, b1.reshape(1, HID), W2)
    p2 = _sc_agg(mp2, srcp, dstp)
    mp3 = pl.pallas_call(
        _tc_mid_body,
        out_shape=jax.ShapeDtypeStruct((MPAD, HID), jnp.float32),
    )(p2, mp2, deg, b2.reshape(1, HID), W3)
    p3 = _sc_agg(mp3, srcp, dstp)
    out = pl.pallas_call(
        _tc_final_body,
        out_shape=jax.ShapeDtypeStruct((MPAD, NCLS), jnp.float32),
    )(p3, mp3, deg, b3.reshape(1, HID), Wl1, bl1.reshape(1, HID),
      Wl2, bl2.reshape(1, NCLS))
    return out[:N]

# --- scband reference (transcript-rebuilt; emitter-appended) ---
"""Pipeline reference for scband-gcn-18038862643867 (READ-ONLY COPY).

The authoritative reference and input builder live on the scoring server;
editing this copy changes nothing except your own understanding.
"""

import jax, jax.numpy as jnp
import numpy as np

N_NODES = 10000
N_EDGES = 320000
D_FEAT = 128
N_HIDDEN = 64
N_CLASSES = 40


def _glorot(key, shape):
    fan_in = shape[0]
    return jax.random.normal(key, shape, dtype=jnp.float32) * (1.0 / np.sqrt(fan_in))


def setup_inputs(seed: int = 0) -> dict:
    key = jax.random.key(seed)
    ks = jax.random.split(key, 12)
    x = jax.random.normal(ks[0], (N_NODES, D_FEAT), dtype=jnp.float32)
    edge_index = jax.random.randint(ks[1], (2, N_EDGES), 0, N_NODES, dtype=jnp.int32)
    W1 = _glorot(ks[2], (D_FEAT, N_HIDDEN))
    b1 = jnp.zeros((N_HIDDEN,), dtype=jnp.float32)
    W2 = _glorot(ks[3], (N_HIDDEN, N_HIDDEN))
    b2 = jnp.zeros((N_HIDDEN,), dtype=jnp.float32)
    W3 = _glorot(ks[4], (N_HIDDEN, N_HIDDEN))
    b3 = jnp.zeros((N_HIDDEN,), dtype=jnp.float32)
    Wl1 = _glorot(ks[5], (N_HIDDEN, N_HIDDEN))
    bl1 = jnp.zeros((N_HIDDEN,), dtype=jnp.float32)
    Wl2 = _glorot(ks[6], (N_HIDDEN, N_CLASSES))
    bl2 = jnp.zeros((N_CLASSES,), dtype=jnp.float32)
    return {"x": x, "edge_index": edge_index, "W1": W1, "b1": b1, "W2": W2,
            "b2": b2, "W3": W3, "b3": b3, "Wl1": Wl1, "bl1": bl1,
            "Wl2": Wl2, "bl2": bl2}


def _gcn_conv(h, src, dst, norm, W, b):
    # GCNConv: transform then propagate with symmetric normalization (self-loops included)
    n = h.shape[0]
    m = h @ W
    msg = m[src] * norm[:, None]
    out = jnp.zeros((n, m.shape[1]), dtype=m.dtype).at[dst].add(msg)
    return out + b


def reference(x, edge_index, W1, b1, W2, b2, W3, b3, Wl1, bl1, Wl2, bl2):
    n = x.shape[0]
    loops = jnp.arange(n, dtype=edge_index.dtype)
    src = jnp.concatenate([edge_index[0], loops])
    dst = jnp.concatenate([edge_index[1], loops])
    deg = jnp.zeros((n,), dtype=x.dtype).at[dst].add(1.0)
    dinv = jnp.where(deg > 0, deg ** -0.5, 0.0)
    norm = dinv[src] * dinv[dst]
    h = jax.nn.relu(_gcn_conv(x, src, dst, norm, W1, b1))
    h = jax.nn.relu(_gcn_conv(h, src, dst, norm, W2, b2))
    h = jax.nn.relu(_gcn_conv(h, src, dst, norm, W3, b3))
    h = jax.nn.relu(h @ Wl1 + bl1)
    # dropout is identity in eval mode
    h = h @ Wl2 + bl2
    return jax.nn.log_softmax(h, axis=-1)

if __name__ == "__main__":
    import jax
    _d = setup_inputs()
    print(jax.jit(kernel)(*tuple(_d.values())))

</pallas_src>

<mosaic_0001>
#map = affine_map<(d0, d1) -> (0, 0, 0)>
#map1 = affine_map<(d0, d1) -> (0)>
module attributes {stable_mosaic.version = 14 : i64} {
  func.func @_sc_deg(%arg0: i32, %arg1: i32, %arg2: memref<32x80x128xi32, #tpu.memory_space<hbm>>, %arg3: memref<20480xf32, #tpu.memory_space<hbm>>, %arg4: memref<80x128xi32, #tpu.memory_space<vmem>>, %arg5: memref<128xf32, #tpu.memory_space<vmem>>, %arg6: memref<640xf32, #tpu.memory_space<vmem>>, %arg7: memref<10240xf32, #tpu.memory_space<vmem_shared>>, %arg8: memref<!tpu.dma_semaphore, #tpu.memory_space<semaphore_mem>>) attributes {dimension_semantics = [#tpu.dimension_semantics<core_parallel>, #tpu.dimension_semantics<subcore_parallel>], iteration_bounds = array<i64: 2, 16>, scalar_prefetch = 0 : i64, scratch_operands = 5 : i64, tpu.core_type = #tpu.core_type<sc_vector_subcore>, window_params = [{transform_indices = #map}, {transform_indices = #map1}]} {
    %mul3A = arith.constant 16 : i32
    %mul3A_0 = arith.muli %arg0, %mul3A : i32
    %add3A = arith.addi %mul3A_0, %arg1 : i32
    %broadcast_in_dim3A = arith.constant 1.000000e+00 : f32
    %broadcast_in_dim3A_1 = vector.broadcast %broadcast_in_dim3A : f32 to vector<16xf32>
    %swap3A = arith.constant 0 : index
    %swap3A_2 = tpu.vector_load %arg5[%swap3A] {strides = array<i32>} : memref<128xf32, #tpu.memory_space<vmem>>, vector<16xf32>,
    %swap3A_3 = vector.shape_cast %swap3A_2 : vector<16xf32> to vector<16xf32>
    %swap3A_4 = vector.shape_cast %broadcast_in_dim3A_1 : vector<16xf32> to vector<16xf32>
    tpu.vector_store %arg5[%swap3A], %swap3A_4 {strides = array<i32>} : memref<128xf32, #tpu.memory_space<vmem>>, vector<16xf32>,
    %broadcast_in_dim3A_5 = arith.constant 1.000000e+00 : f32
    %broadcast_in_dim3A_6 = vector.broadcast %broadcast_in_dim3A_5 : f32 to vector<16xf32>
    %swap3A_7 = arith.constant 16 : index
    %swap3A_8 = tpu.vector_load %arg5[%swap3A_7] {strides = array<i32>} : memref<128xf32, #tpu.memory_space<vmem>>, vector<16xf32>,
    %swap3A_9 = vector.shape_cast %swap3A_8 : vector<16xf32> to vector<16xf32>
    %swap3A_10 = vector.shape_cast %broadcast_in_dim3A_6 : vector<16xf32> to vector<16xf32>
    tpu.vector_store %arg5[%swap3A_7], %swap3A_10 {strides = array<i32>} : memref<128xf32, #tpu.memory_space<vmem>>, vector<16xf32>,
    %broadcast_in_dim3A_11 = arith.constant 1.000000e+00 : f32
    %broadcast_in_dim3A_12 = vector.broadcast %broadcast_in_dim3A_11 : f32 to vector<16xf32>
    %swap3A_13 = arith.constant 32 : index
    %swap3A_14 = tpu.vector_load %arg5[%swap3A_13] {strides = array<i32>} : memref<128xf32, #tpu.memory_space<vmem>>, vector<16xf32>,
    %swap3A_15 = vector.shape_cast %swap3A_14 : vector<16xf32> to vector<16xf32>
    %swap3A_16 = vector.shape_cast %broadcast_in_dim3A_12 : vector<16xf32> to vector<16xf32>
    tpu.vector_store %arg5[%swap3A_13], %swap3A_16 {strides = array<i32>} : memref<128xf32, #tpu.memory_space<vmem>>, vector<16xf32>,
    %broadcast_in_dim3A_17 = arith.constant 1.000000e+00 : f32
    %broadcast_in_dim3A_18 = vector.broadcast %broadcast_in_dim3A_17 : f32 to vector<16xf32>
    %swap3A_19 = arith.constant 48 : index
    %swap3A_20 = tpu.vector_load %arg5[%swap3A_19] {strides = array<i32>} : memref<128xf32, #tpu.memory_space<vmem>>, vector<16xf32>,
    %swap3A_21 = vector.shape_cast %swap3A_20 : vector<16xf32> to vector<16xf32>
    %swap3A_22 = vector.shape_cast %broadcast_in_dim3A_18 : vector<16xf32> to vector<16xf32>
    tpu.vector_store %arg5[%swap3A_19], %swap3A_22 {strides = array<i32>} : memref<128xf32, #tpu.memory_space<vmem>>, vector<16xf32>,
    %broadcast_in_dim3A_23 = arith.constant 1.000000e+00 : f32
    %broadcast_in_dim3A_24 = vector.broadcast %broadcast_in_dim3A_23 : f32 to vector<16xf32>
    %swap3A_25 = arith.constant 64 : index
    %swap3A_26 = tpu.vector_load %arg5[%swap3A_25] {strides = array<i32>} : memref<128xf32, #tpu.memory_space<vmem>>, vector<16xf32>,
    %swap3A_27 = vector.shape_cast %swap3A_26 : vector<16xf32> to vector<16xf32>
    %swap3A_28 = vector.shape_cast %broadcast_in_dim3A_24 : vector<16xf32> to vector<16xf32>
    tpu.vector_store %arg5[%swap3A_25], %swap3A_28 {strides = array<i32>} : memref<128xf32, #tpu.memory_space<vmem>>, vector<16xf32>,
    %broadcast_in_dim3A_29 = arith.constant 1.000000e+00 : f32
    %broadcast_in_dim3A_30 = vector.broadcast %broadcast_in_dim3A_29 : f32 to vector<16xf32>
    %swap3A_31 = arith.constant 80 : index
    %swap3A_32 = tpu.vector_load %arg5[%swap3A_31] {strides = array<i32>} : memref<128xf32, #tpu.memory_space<vmem>>, vector<16xf32>,
    %swap3A_33 = vector.shape_cast %swap3A_32 : vector<16xf32> to vector<16xf32>
    %swap3A_34 = vector.shape_cast %broadcast_in_dim3A_30 : vector<16xf32> to vector<16xf32>
    tpu.vector_store %arg5[%swap3A_31], %swap3A_34 {strides = array<i32>} : memref<128xf32, #tpu.memory_space<vmem>>, vector<16xf32>,
    %broadcast_in_dim3A_35 = arith.constant 1.000000e+00 : f32
    %broadcast_in_dim3A_36 = vector.broadcast %broadcast_in_dim3A_35 : f32 to vector<16xf32>
    %swap3A_37 = arith.constant 96 : index
    %swap3A_38 = tpu.vector_load %arg5[%swap3A_37] {strides = array<i32>} : memref<128xf32, #tpu.memory_space<vmem>>, vector<16xf32>,
    %swap3A_39 = vector.shape_cast %swap3A_38 : vector<16xf32> to vector<16xf32>
    %swap3A_40 = vector.shape_cast %broadcast_in_dim3A_36 : vector<16xf32> to vector<16xf32>
    tpu.vector_store %arg5[%swap3A_37], %swap3A_40 {strides = array<i32>} : memref<128xf32, #tpu.memory_space<vmem>>, vector<16xf32>,
    %broadcast_in_dim3A_41 = arith.constant 1.000000e+00 : f32
    %broadcast_in_dim3A_42 = vector.broadcast %broadcast_in_dim3A_41 : f32 to vector<16xf32>
    %swap3A_43 = arith.constant 112 : index
    %swap3A_44 = tpu.vector_load %arg5[%swap3A_43] {strides = array<i32>} : memref<128xf32, #tpu.memory_space<vmem>>, vector<16xf32>,
    %swap3A_45 = vector.shape_cast %swap3A_44 : vector<16xf32> to vector<16xf32>
    %swap3A_46 = vector.shape_cast %broadcast_in_dim3A_42 : vector<16xf32> to vector<16xf32>
    tpu.vector_store %arg5[%swap3A_43], %swap3A_46 {strides = array<i32>} : memref<128xf32, #tpu.memory_space<vmem>>, vector<16xf32>,
    %scan3A = arith.constant 0 : i32
    %scan3A_47 = arith.constant 0 : i32
    %scan3A_48 = arith.constant 40 : i32
    %scan3A_49 = arith.addi %scan3A_47, %scan3A_48 : i32
    %scan3A_50 = arith.constant 1 : i32
    scf.for %scan3A_68 = %scan3A_47 to %scan3A_49 step %scan3A_50  : i32 {
      %broadcast_in_dim3A_69 = arith.constant 0.000000e+00 : f32
      %broadcast_in_dim3A_70 = vector.broadcast %broadcast_in_dim3A_69 : f32 to vector<16xf32>
      %mul3A_71 = arith.constant 16 : i32
      %mul3A_72 = arith.muli %scan3A_68, %mul3A_71 : i32
      %swap3A_73 = arith.index_cast %mul3A_72 : i32 to index
      %swap3A_74 = tpu.vector_load %arg6[%swap3A_73] {strides = array<i32>} : memref<640xf32, #tpu.memory_space<vmem>>, vector<16xf32>,
      %swap3A_75 = vector.shape_cast %swap3A_74 : vector<16xf32> to vector<16xf32>
      %swap3A_76 = vector.shape_cast %broadcast_in_dim3A_70 : vector<16xf32> to vector<16xf32>
      tpu.vector_store %arg6[%swap3A_73], %swap3A_76 {strides = array<i32>} : memref<640xf32, #tpu.memory_space<vmem>>, vector<16xf32>,
    }
    %scan3A_51 = arith.constant 40 : i32
    %mul3A_52 = arith.constant 640 : i32
    %mul3A_53 = arith.muli %arg1, %mul3A_52 : i32
    "tpu.region"() ({
      %run_scoped3A = tpu.sem_alloc : memref<!tpu.dma_semaphore, #tpu.memory_space<semaphore_mem>>
      %dma_start3A = tpu.memref_slice %arg7[%mul3A_53] : memref<10240xf32, #tpu.memory_space<vmem_shared>> -> memref<640xf32, #tpu.memory_space<vmem_shared>>
      %dma_start3A_68 = tpu.memref_slice %arg7[%mul3A_53] : memref<10240xf32, #tpu.memory_space<vmem_shared>> -> memref<640xf32, #tpu.memory_space<vmem_shared>>
      tpu.enqueue_dma source(%arg6 : memref<640xf32, #tpu.memory_space<vmem>>) target(%dma_start3A_68 : memref<640xf32, #tpu.memory_space<vmem_shared>>) target_semaphore(%run_scoped3A : memref<!tpu.dma_semaphore, #tpu.memory_space<semaphore_mem>>)
      %dma_wait3A = tpu.memref_slice %arg7[%mul3A_53] : memref<10240xf32, #tpu.memory_space<vmem_shared>> -> memref<640xf32, #tpu.memory_space<vmem_shared>>
      %dma_wait3A_69 = tpu.memref_slice %arg7[%mul3A_53] : memref<10240xf32, #tpu.memory_space<vmem_shared>> -> memref<640xf32, #tpu.memory_space<vmem_shared>>
      tpu.wait_dma2 semaphore(%run_scoped3A : memref<!tpu.dma_semaphore, #tpu.memory_space<semaphore_mem>>) src(%arg6 : memref<640xf32, #tpu.memory_space<vmem>>) dst(%dma_wait3A_69 : memref<640xf32, #tpu.memory_space<vmem_shared>>)
      tpu.yield
    }) : () -> ()
    "tpu.region"() ({
      %run_scoped3A = tpu.sem_alloc : memref<!tpu.dma_semaphore, #tpu.memory_space<semaphore_mem>>
      %dma_start3A = arith.constant 0 : i32
      %dma_start3A_68 = arith.constant 0 : i32
      %dma_start3A_69 = tpu.memref_slice %arg2[%add3A, %dma_start3A, %dma_start3A_68] : memref<32x80x128xi32, #tpu.memory_space<hbm>> -> memref<1x80x128xi32, #tpu.memory_space<hbm>>
      %dma_start3A_70 = tpu.memref_squeeze %dma_start3A_69 : memref<1x80x128xi32, #tpu.memory_space<hbm>> -> memref<80x128xi32, #tpu.memory_space<hbm>>
      %dma_start3A_71 = arith.constant 0 : i32
      %dma_start3A_72 = arith.constant 0 : i32
      %dma_start3A_73 = tpu.memref_slice %arg2[%add3A, %dma_start3A_71, %dma_start3A_72] : memref<32x80x128xi32, #tpu.memory_space<hbm>> -> memref<1x80x128xi32, #tpu.memory_space<hbm>>
      %dma_start3A_74 = tpu.memref_squeeze %dma_start3A_73 : memref<1x80x128xi32, #tpu.memory_space<hbm>> -> memref<80x128xi32, #tpu.memory_space<hbm>>
      tpu.enqueue_dma source(%dma_start3A_74 : memref<80x128xi32, #tpu.memory_space<hbm>>) target(%arg4 : memref<80x128xi32, #tpu.memory_space<vmem>>) target_semaphore(%run_scoped3A : memref<!tpu.dma_semaphore, #tpu.memory_space<semaphore_mem>>)
      %dma_wait3A = arith.constant 0 : i32
      %dma_wait3A_75 = arith.constant 0 : i32
      %dma_wait3A_76 = tpu.memref_slice %arg2[%add3A, %dma_wait3A, %dma_wait3A_75] : memref<32x80x128xi32, #tpu.memory_space<hbm>> -> memref<1x80x128xi32, #tpu.memory_space<hbm>>
      %dma_wait3A_77 = tpu.memref_squeeze %dma_wait3A_76 : memref<1x80x128xi32, #tpu.memory_space<hbm>> -> memref<80x128xi32, #tpu.memory_space<hbm>>
      %dma_wait3A_78 = arith.constant 0 : i32
      %dma_wait3A_79 = arith.constant 0 : i32
      %dma_wait3A_80 = tpu.memref_slice %arg2[%add3A, %dma_wait3A_78, %dma_wait3A_79] : memref<32x80x128xi32, #tpu.memory_space<hbm>> -> memref<1x80x128xi32, #tpu.memory_space<hbm>>
      %dma_wait3A_81 = tpu.memref_squeeze %dma_wait3A_80 : memref<1x80x128xi32, #tpu.memory_space<hbm>> -> memref<80x128xi32, #tpu.memory_space<hbm>>
      tpu.wait_dma2 semaphore(%run_scoped3A : memref<!tpu.dma_semaphore, #tpu.memory_space<semaphore_mem>>) src(%dma_wait3A_81 : memref<80x128xi32, #tpu.memory_space<hbm>>) dst(%arg4 : memref<80x128xi32, #tpu.memory_space<vmem>>)
      tpu.yield
    }) : () -> ()
    %barrier3A = arith.constant 0 : index
    tpu.barrier barrier_id(%barrier3A)
    %scan3A_54 = arith.constant 0 : i32
    %scan3A_55 = arith.constant 0 : i32
    %scan3A_56 = arith.constant 10 : i32
    %scan3A_57 = arith.addi %scan3A_55, %scan3A_56 : i32
    %scan3A_58 = arith.constant 1 : i32
    scf.for %scan3A_68 = %scan3A_55 to %scan3A_57 step %scan3A_58  : i32 {
      %mul3A_69 = arith.constant 8 : i32
      %mul3A_70 = arith.muli %scan3A_68, %mul3A_69 : i32
      %add3A_71 = arith.constant 0 : i32
      %add3A_72 = arith.addi %mul3A_70, %add3A_71 : i32
      %dma_start3A = arith.constant 0 : i32
      %dma_start3A_73 = tpu.memref_slice %arg4[%add3A_72, %dma_start3A] : memref<80x128xi32, #tpu.memory_space<vmem>> -> memref<1x128xi32, #tpu.memory_space<vmem>>
      %dma_start3A_74 = tpu.memref_squeeze %dma_start3A_73 : memref<1x128xi32, #tpu.memory_space<vmem>> -> memref<128xi32, #tpu.memory_space<vmem>>
      %dma_start3A_75 = arith.constant 0 : i32
      %dma_start3A_76 = tpu.memref_slice %arg7[%dma_start3A_75] : memref<10240xf32, #tpu.memory_space<vmem_shared>> -> memref<10240xf32, #tpu.memory_space<vmem_shared>>
      tpu.enqueue_indirect_dma source(%arg5 : memref<128xf32, #tpu.memory_space<vmem>>) target(%dma_start3A_76 : memref<10240xf32, #tpu.memory_space<vmem_shared>>) offsets(%dma_start3A_74 : memref<128xi32, #tpu.memory_space<vmem>>) semaphore(%arg8 : memref<!tpu.dma_semaphore, #tpu.memory_space<semaphore_mem>>) {add = true}
      %add3A_77 = arith.constant 1 : i32
      %add3A_78 = arith.addi %mul3A_70, %add3A_77 : i32
      %dma_start3A_79 = arith.constant 0 : i32
      %dma_start3A_80 = tpu.memref_slice %arg4[%add3A_78, %dma_start3A_79] : memref<80x128xi32, #tpu.memory_space<vmem>> -> memref<1x128xi32, #tpu.memory_space<vmem>>
      %dma_start3A_81 = tpu.memref_squeeze %dma_start3A_80 : memref<1x128xi32, #tpu.memory_space<vmem>> -> memref<128xi32, #tpu.memory_space<vmem>>
      %dma_start3A_82 = arith.constant 0 : i32
      %dma_start3A_83 = tpu.memref_slice %arg7[%dma_start3A_82] : memref<10240xf32, #tpu.memory_space<vmem_shared>> -> memref<10240xf32, #tpu.memory_space<vmem_shared>>
      tpu.enqueue_indirect_dma source(%arg5 : memref<128xf32, #tpu.memory_space<vmem>>) target(%dma_start3A_83 : memref<10240xf32, #tpu.memory_space<vmem_shared>>) offsets(%dma_start3A_81 : memref<128xi32, #tpu.memory_space<vmem>>) semaphore(%arg8 : memref<!tpu.dma_semaphore, #tpu.memory_space<semaphore_mem>>) {add = true}
      %add3A_84 = arith.constant 2 : i32
      %add3A_85 = arith.addi %mul3A_70, %add3A_84 : i32
      %dma_start3A_86 = arith.constant 0 : i32
      %dma_start3A_87 = tpu.memref_slice %arg4[%add3A_85, %dma_start3A_86] : memref<80x128xi32, #tpu.memory_space<vmem>> -> memref<1x128xi32, #tpu.memory_space<vmem>>
      %dma_start3A_88 = tpu.memref_squeeze %dma_start3A_87 : memref<1x128xi32, #tpu.memory_space<vmem>> -> memref<128xi32, #tpu.memory_space<vmem>>
      %dma_start3A_89 = arith.constant 0 : i32
      %dma_start3A_90 = tpu.memref_slice %arg7[%dma_start3A_89] : memref<10240xf32, #tpu.memory_space<vmem_shared>> -> memref<10240xf32, #tpu.memory_space<vmem_shared>>
      tpu.enqueue_indirect_dma source(%arg5 : memref<128xf32, #tpu.memory_space<vmem>>) target(%dma_start3A_90 : memref<10240xf32, #tpu.memory_space<vmem_shared>>) offsets(%dma_start3A_88 : memref<128xi32, #tpu.memory_space<vmem>>) semaphore(%arg8 : memref<!tpu.dma_semaphore, #tpu.memory_space<semaphore_mem>>) {add = true}
      %add3A_91 = arith.constant 3 : i32
      %add3A_92 = arith.addi %mul3A_70, %add3A_91 : i32
      %dma_start3A_93 = arith.constant 0 : i32
      %dma_start3A_94 = tpu.memref_slice %arg4[%add3A_92, %dma_start3A_93] : memref<80x128xi32, #tpu.memory_space<vmem>> -> memref<1x128xi32, #tpu.memory_space<vmem>>
      %dma_start3A_95 = tpu.memref_squeeze %dma_start3A_94 : memref<1x128xi32, #tpu.memory_space<vmem>> -> memref<128xi32, #tpu.memory_space<vmem>>
      %dma_start3A_96 = arith.constant 0 : i32
      %dma_start3A_97 = tpu.memref_slice %arg7[%dma_start3A_96] : memref<10240xf32, #tpu.memory_space<vmem_shared>> -> memref<10240xf32, #tpu.memory_space<vmem_shared>>
      tpu.enqueue_indirect_dma source(%arg5 : memref<128xf32, #tpu.memory_space<vmem>>) target(%dma_start3A_97 : memref<10240xf32, #tpu.memory_space<vmem_shared>>) offsets(%dma_start3A_95 : memref<128xi32, #tpu.memory_space<vmem>>) semaphore(%arg8 : memref<!tpu.dma_semaphore, #tpu.memory_space<semaphore_mem>>) {add = true}
      %add3A_98 = arith.constant 4 : i32
      %add3A_99 = arith.addi %mul3A_70, %add3A_98 : i32
      %dma_start3A_100 = arith.constant 0 : i32
      %dma_start3A_101 = tpu.memref_slice %arg4[%add3A_99, %dma_start3A_100] : memref<80x128xi32, #tpu.memory_space<vmem>> -> memref<1x128xi32, #tpu.memory_space<vmem>>
      %dma_start3A_102 = tpu.memref_squeeze %dma_start3A_101 : memref<1x128xi32, #tpu.memory_space<vmem>> -> memref<128xi32, #tpu.memory_space<vmem>>
      %dma_start3A_103 = arith.constant 0 : i32
      %dma_start3A_104 = tpu.memref_slice %arg7[%dma_start3A_103] : memref<10240xf32, #tpu.memory_space<vmem_shared>> -> memref<10240xf32, #tpu.memory_space<vmem_shared>>
      tpu.enqueue_indirect_dma source(%arg5 : memref<128xf32, #tpu.memory_space<vmem>>) target(%dma_start3A_104 : memref<10240xf32, #tpu.memory_space<vmem_shared>>) offsets(%dma_start3A_102 : memref<128xi32, #tpu.memory_space<vmem>>) semaphore(%arg8 : memref<!tpu.dma_semaphore, #tpu.memory_space<semaphore_mem>>) {add = true}
      %add3A_105 = arith.constant 5 : i32
      %add3A_106 = arith.addi %mul3A_70, %add3A_105 : i32
      %dma_start3A_107 = arith.constant 0 : i32
      %dma_start3A_108 = tpu.memref_slice %arg4[%add3A_106, %dma_start3A_107] : memref<80x128xi32, #tpu.memory_space<vmem>> -> memref<1x128xi32, #tpu.memory_space<vmem>>
      %dma_start3A_109 = tpu.memref_squeeze %dma_start3A_108 : memref<1x128xi32, #tpu.memory_space<vmem>> -> memref<128xi32, #tpu.memory_space<vmem>>
      %dma_start3A_110 = arith.constant 0 : i32
      %dma_start3A_111 = tpu.memref_slice %arg7[%dma_start3A_110] : memref<10240xf32, #tpu.memory_space<vmem_shared>> -> memref<10240xf32, #tpu.memory_space<vmem_shared>>
      tpu.enqueue_indirect_dma source(%arg5 : memref<128xf32, #tpu.memory_space<vmem>>) target(%dma_start3A_111 : memref<10240xf32, #tpu.memory_space<vmem_shared>>) offsets(%dma_start3A_109 : memref<128xi32, #tpu.memory_space<vmem>>) semaphore(%arg8 : memref<!tpu.dma_semaphore, #tpu.memory_space<semaphore_mem>>) {add = true}
      %add3A_112 = arith.constant 6 : i32
      %add3A_113 = arith.addi %mul3A_70, %add3A_112 : i32
      %dma_start3A_114 = arith.constant 0 : i32
      %dma_start3A_115 = tpu.memref_slice %arg4[%add3A_113, %dma_start3A_114] : memref<80x128xi32, #tpu.memory_space<vmem>> -> memref<1x128xi32, #tpu.memory_space<vmem>>
      %dma_start3A_116 = tpu.memref_squeeze %dma_start3A_115 : memref<1x128xi32, #tpu.memory_space<vmem>> -> memref<128xi32, #tpu.memory_space<vmem>>
      %dma_start3A_117 = arith.constant 0 : i32
      %dma_start3A_118 = tpu.memref_slice %arg7[%dma_start3A_117] : memref<10240xf32, #tpu.memory_space<vmem_shared>> -> memref<10240xf32, #tpu.memory_space<vmem_shared>>
      tpu.enqueue_indirect_dma source(%arg5 : memref<128xf32, #tpu.memory_space<vmem>>) target(%dma_start3A_118 : memref<10240xf32, #tpu.memory_space<vmem_shared>>) offsets(%dma_start3A_116 : memref<128xi32, #tpu.memory_space<vmem>>) semaphore(%arg8 : memref<!tpu.dma_semaphore, #tpu.memory_space<semaphore_mem>>) {add = true}
      %add3A_119 = arith.constant 7 : i32
      %add3A_120 = arith.addi %mul3A_70, %add3A_119 : i32
      %dma_start3A_121 = arith.constant 0 : i32
      %dma_start3A_122 = tpu.memref_slice %arg4[%add3A_120, %dma_start3A_121] : memref<80x128xi32, #tpu.memory_space<vmem>> -> memref<1x128xi32, #tpu.memory_space<vmem>>
      %dma_start3A_123 = tpu.memref_squeeze %dma_start3A_122 : memref<1x128xi32, #tpu.memory_space<vmem>> -> memref<128xi32, #tpu.memory_space<vmem>>
      %dma_start3A_124 = arith.constant 0 : i32
      %dma_start3A_125 = tpu.memref_slice %arg7[%dma_start3A_124] : memref<10240xf32, #tpu.memory_space<vmem_shared>> -> memref<10240xf32, #tpu.memory_space<vmem_shared>>
      tpu.enqueue_indirect_dma source(%arg5 : memref<128xf32, #tpu.memory_space<vmem>>) target(%dma_start3A_125 : memref<10240xf32, #tpu.memory_space<vmem_shared>>) offsets(%dma_start3A_123 : memref<128xi32, #tpu.memory_space<vmem>>) semaphore(%arg8 : memref<!tpu.dma_semaphore, #tpu.memory_space<semaphore_mem>>) {add = true}
      %dma_wait3A = arith.constant 0 : i32
      %dma_wait3A_126 = tpu.memref_slice %arg4[%mul3A_70, %dma_wait3A] : memref<80x128xi32, #tpu.memory_space<vmem>> -> memref<1x128xi32, #tpu.memory_space<vmem>>
      %dma_wait3A_127 = tpu.memref_squeeze %dma_wait3A_126 : memref<1x128xi32, #tpu.memory_space<vmem>> -> memref<128xi32, #tpu.memory_space<vmem>>
      %dma_wait3A_128 = arith.constant 0 : i32
      %dma_wait3A_129 = tpu.memref_slice %arg7[%dma_wait3A_128] : memref<10240xf32, #tpu.memory_space<vmem_shared>> -> memref<10240xf32, #tpu.memory_space<vmem_shared>>
      tpu.wait_indirect_dma semaphore(%arg8 : memref<!tpu.dma_semaphore, #tpu.memory_space<semaphore_mem>>) src(%arg5 : memref<128xf32, #tpu.memory_space<vmem>>) dst(%dma_wait3A_129 : memref<10240xf32, #tpu.memory_space<vmem_shared>>)
      %dma_wait3A_130 = arith.constant 0 : i32
      %dma_wait3A_131 = tpu.memref_slice %arg4[%mul3A_70, %dma_wait3A_130] : memref<80x128xi32, #tpu.memory_space<vmem>> -> memref<1x128xi32, #tpu.memory_space<vmem>>
      %dma_wait3A_132 = tpu.memref_squeeze %dma_wait3A_131 : memref<1x128xi32, #tpu.memory_space<vmem>> -> memref<128xi32, #tpu.memory_space<vmem>>
      %dma_wait3A_133 = arith.constant 0 : i32
      %dma_wait3A_134 = tpu.memref_slice %arg7[%dma_wait3A_133] : memref<10240xf32, #tpu.memory_space<vmem_shared>> -> memref<10240xf32, #tpu.memory_space<vmem_shared>>
      tpu.wait_indirect_dma semaphore(%arg8 : memref<!tpu.dma_semaphore, #tpu.memory_space<semaphore_mem>>) src(%arg5 : memref<128xf32, #tpu.memory_space<vmem>>) dst(%dma_wait3A_134 : memref<10240xf32, #tpu.memory_space<vmem_shared>>)
      %dma_wait3A_135 = arith.constant 0 : i32
      %dma_wait3A_136 = tpu.memref_slice %arg4[%mul3A_70, %dma_wait3A_135] : memref<80x128xi32, #tpu.memory_space<vmem>> -> memref<1x128xi32, #tpu.memory_space<vmem>>
      %dma_wait3A_137 = tpu.memref_squeeze %dma_wait3A_136 : memref<1x128xi32, #tpu.memory_space<vmem>> -> memref<128xi32, #tpu.memory_space<vmem>>
      %dma_wait3A_138 = arith.constant 0 : i32
      %dma_wait3A_139 = tpu.memref_slice %arg7[%dma_wait3A_138] : memref<10240xf32, #tpu.memory_space<vmem_shared>> -> memref<10240xf32, #tpu.memory_space<vmem_shared>>
      tpu.wait_indirect_dma semaphore(%arg8 : memref<!tpu.dma_semaphore, #tpu.memory_space<semaphore_mem>>) src(%arg5 : memref<128xf32, #tpu.memory_space<vmem>>) dst(%dma_wait3A_139 : memref<10240xf32, #tpu.memory_space<vmem_shared>>)
      %dma_wait3A_140 = arith.constant 0 : i32
      %dma_wait3A_141 = tpu.memref_slice %arg4[%mul3A_70, %dma_wait3A_140] : memref<80x128xi32, #tpu.memory_space<vmem>> -> memref<1x128xi32, #tpu.memory_space<vmem>>
      %dma_wait3A_142 = tpu.memref_squeeze %dma_wait3A_141 : memref<1x128xi32, #tpu.memory_space<vmem>> -> memref<128xi32, #tpu.memory_space<vmem>>
      %dma_wait3A_143 = arith.constant 0 : i32
      %dma_wait3A_144 = tpu.memref_slice %arg7[%dma_wait3A_143] : memref<10240xf32, #tpu.memory_space<vmem_shared>> -> memref<10240xf32, #tpu.memory_space<vmem_shared>>
      tpu.wait_indirect_dma semaphore(%arg8 : memref<!tpu.dma_semaphore, #tpu.memory_space<semaphore_mem>>) src(%arg5 : memref<128xf32, #tpu.memory_space<vmem>>) dst(%dma_wait3A_144 : memref<10240xf32, #tpu.memory_space<vmem_shared>>)
      %dma_wait3A_145 = arith.constant 0 : i32
      %dma_wait3A_146 = tpu.memref_slice %arg4[%mul3A_70, %dma_wait3A_145] : memref<80x128xi32, #tpu.memory_space<vmem>> -> memref<1x128xi32, #tpu.memory_space<vmem>>
      %dma_wait3A_147 = tpu.memref_squeeze %dma_wait3A_146 : memref<1x128xi32, #tpu.memory_space<vmem>> -> memref<128xi32, #tpu.memory_space<vmem>>
      %dma_wait3A_148 = arith.constant 0 : i32
      %dma_wait3A_149 = tpu.memref_slice %arg7[%dma_wait3A_148] : memref<10240xf32, #tpu.memory_space<vmem_shared>> -> memref<10240xf32, #tpu.memory_space<vmem_shared>>
      tpu.wait_indirect_dma semaphore(%arg8 : memref<!tpu.dma_semaphore, #tpu.memory_space<semaphore_mem>>) src(%arg5 : memref<128xf32, #tpu.memory_space<vmem>>) dst(%dma_wait3A_149 : memref<10240xf32, #tpu.memory_space<vmem_shared>>)
      %dma_wait3A_150 = arith.constant 0 : i32
      %dma_wait3A_151 = tpu.memref_slice %arg4[%mul3A_70, %dma_wait3A_150] : memref<80x128xi32, #tpu.memory_space<vmem>> -> memref<1x128xi32, #tpu.memory_space<vmem>>
      %dma_wait3A_152 = tpu.memref_squeeze %dma_wait3A_151 : memref<1x128xi32, #tpu.memory_space<vmem>> -> memref<128xi32, #tpu.memory_space<vmem>>
      %dma_wait3A_153 = arith.constant 0 : i32
      %dma_wait3A_154 = tpu.memref_slice %arg7[%dma_wait3A_153] : memref<10240xf32, #tpu.memory_space<vmem_shared>> -> memref<10240xf32, #tpu.memory_space<vmem_shared>>
      tpu.wait_indirect_dma semaphore(%arg8 : memref<!tpu.dma_semaphore, #tpu.memory_space<semaphore_mem>>) src(%arg5 : memref<128xf32, #tpu.memory_space<vmem>>) dst(%dma_wait3A_154 : memref<10240xf32, #tpu.memory_space<vmem_shared>>)
      %dma_wait3A_155 = arith.constant 0 : i32
      %dma_wait3A_156 = tpu.memref_slice %arg4[%mul3A_70, %dma_wait3A_155] : memref<80x128xi32, #tpu.memory_space<vmem>> -> memref<1x128xi32, #tpu.memory_space<vmem>>
      %dma_wait3A_157 = tpu.memref_squeeze %dma_wait3A_156 : memref<1x128xi32, #tpu.memory_space<vmem>> -> memref<128xi32, #tpu.memory_space<vmem>>
      %dma_wait3A_158 = arith.constant 0 : i32
      %dma_wait3A_159 = tpu.memref_slice %arg7[%dma_wait3A_158] : memref<10240xf32, #tpu.memory_space<vmem_shared>> -> memref<10240xf32, #tpu.memory_space<vmem_shared>>
      tpu.wait_indirect_dma semaphore(%arg8 : memref<!tpu.dma_semaphore, #tpu.memory_space<semaphore_mem>>) src(%arg5 : memref<128xf32, #tpu.memory_space<vmem>>) dst(%dma_wait3A_159 : memref<10240xf32, #tpu.memory_space<vmem_shared>>)
      %dma_wait3A_160 = arith.constant 0 : i32
      %dma_wait3A_161 = tpu.memref_slice %arg4[%mul3A_70, %dma_wait3A_160] : memref<80x128xi32, #tpu.memory_space<vmem>> -> memref<1x128xi32, #tpu.memory_space<vmem>>
      %dma_wait3A_162 = tpu.memref_squeeze %dma_wait3A_161 : memref<1x128xi32, #tpu.memory_space<vmem>> -> memref<128xi32, #tpu.memory_space<vmem>>
      %dma_wait3A_163 = arith.constant 0 : i32
      %dma_wait3A_164 = tpu.memref_slice %arg7[%dma_wait3A_163] : memref<10240xf32, #tpu.memory_space<vmem_shared>> -> memref<10240xf32, #tpu.memory_space<vmem_shared>>
      tpu.wait_indirect_dma semaphore(%arg8 : memref<!tpu.dma_semaphore, #tpu.memory_space<semaphore_mem>>) src(%arg5 : memref<128xf32, #tpu.memory_space<vmem>>) dst(%dma_wait3A_164 : memref<10240xf32, #tpu.memory_space<vmem_shared>>)
    }
    %scan3A_59 = arith.constant 10 : i32
    %barrier3A_60 = arith.constant 0 : index
    tpu.barrier barrier_id(%barrier3A_60)
    %mul3A_61 = arith.constant 640 : i32
    %mul3A_62 = arith.muli %arg1, %mul3A_61 : i32
    %mul3A_63 = arith.constant 10240 : i32
    %mul3A_64 = arith.muli %arg0, %mul3A_63 : i32
    %mul3A_65 = arith.constant 640 : i32
    %mul3A_66 = arith.muli %arg1, %mul3A_65 : i32
    %add3A_67 = arith.addi %mul3A_64, %mul3A_66 : i32
    "tpu.region"() ({
      %run_scoped3A = tpu.sem_alloc : memref<!tpu.dma_semaphore, #tpu.memory_space<semaphore_mem>>
      %dma_start3A = tpu.memref_slice %arg3[%add3A_67] : memref<20480xf32, #tpu.memory_space<hbm>> -> memref<640xf32, #tpu.memory_space<hbm>>
      %dma_start3A_68 = tpu.memref_slice %arg7[%mul3A_62] : memref<10240xf32, #tpu.memory_space<vmem_shared>> -> memref<640xf32, #tpu.memory_space<vmem_shared>>
      tpu.enqueue_dma source(%dma_start3A_68 : memref<640xf32, #tpu.memory_space<vmem_shared>>) target(%dma_start3A : memref<640xf32, #tpu.memory_space<hbm>>) target_semaphore(%run_scoped3A : memref<!tpu.dma_semaphore, #tpu.memory_space<semaphore_mem>>)
      %dma_wait3A = tpu.memref_slice %arg3[%add3A_67] : memref<20480xf32, #tpu.memory_space<hbm>> -> memref<640xf32, #tpu.memory_space<hbm>>
      %dma_wait3A_69 = tpu.memref_slice %arg7[%mul3A_62] : memref<10240xf32, #tpu.memory_space<vmem_shared>> -> memref<640xf32, #tpu.memory_space<vmem_shared>>
      tpu.wait_dma2 semaphore(%run_scoped3A : memref<!tpu.dma_semaphore, #tpu.memory_space<semaphore_mem>>) src(%dma_wait3A_69 : memref<640xf32, #tpu.memory_space<vmem_shared>>) dst(%dma_wait3A : memref<640xf32, #tpu.memory_space<hbm>>)
      tpu.yield
    }) : () -> ()
    return
  }
}

#map = affine_map<(d0, d1) -> (0, 0)>
#map1 = affine_map<(d0, d1) -> (0, 0, 0)>
module attributes {stable_mosaic.version = 14 : i64} {
  func.func @_sc_agg(%arg0: i32, %arg1: i32, %arg2: memref<10240x64xf32, #tpu.memory_space<hbm>>, %arg3: memref<32x80x128xi32, #tpu.memory_space<hbm>>, %arg4: memref<32x80x128xi32, #tpu.memory_space<hbm>>, %arg5: memref<20480x64xf32, #tpu.memory_space<hbm>>, %arg6: memref<80x128xi32, #tpu.memory_space<vmem>>, %arg7: memref<80x128xi32, #tpu.memory_space<vmem>>, %arg8: memref<128x64xf32, #tpu.memory_space<vmem>>, %arg9: memref<128x64xf32, #tpu.memory_space<vmem>>, %arg10: memref<128x64xf32, #tpu.memory_space<vmem>>, %arg11: memref<10240x64xf32, #tpu.memory_space<vmem_shared>>, %arg12: memref<10240x64xf32, #tpu.memory_space<vmem_shared>>, %arg13: memref<!tpu.dma_semaphore, #tpu.memory_space<semaphore_mem>>, %arg14: memref<!tpu.dma_semaphore, #tpu.memory_space<semaphore_mem>>, %arg15: memref<!tpu.dma_semaphore, #tpu.memory_space<semaphore_mem>>, %arg16: memref<!tpu.dma_semaphore, #tpu.memory_space<semaphore_mem>>) attributes {dimension_semantics = [#tpu.dimension_semantics<core_parallel>, #tpu.dimension_semantics<subcore_parallel>], iteration_bounds = array<i64: 2, 16>, scalar_prefetch = 0 : i64, scratch_operands = 11 : i64, tpu.core_type = #tpu.core_type<sc_vector_subcore>, window_params = [{transform_indices = #map}, {transform_indices = #map1}, {transform_indices = #map1}, {transform_indices = #map}]} {
    %mul3A = arith.constant 16 : i32
    %mul3A_0 = arith.muli %arg0, %mul3A : i32
    %add3A = arith.addi %mul3A_0, %arg1 : i32
    %dma_start3A = arith.constant 0 : i32
    %dma_start3A_1 = arith.constant 0 : i32
    %dma_start3A_2 = tpu.memref_slice %arg3[%add3A, %dma_start3A, %dma_start3A_1] : memref<32x80x128xi32, #tpu.memory_space<hbm>> -> memref<1x80x128xi32, #tpu.memory_space<hbm>>
    %dma_start3A_3 = tpu.memref_squeeze %dma_start3A_2 : memref<1x80x128xi32, #tpu.memory_space<hbm>> -> memref<80x128xi32, #tpu.memory_space<hbm>>
    %dma_start3A_4 = arith.constant 0 : i32
    %dma_start3A_5 = arith.constant 0 : i32
    %dma_start3A_6 = tpu.memref_slice %arg3[%add3A, %dma_start3A_4, %dma_start3A_5] : memref<32x80x128xi32, #tpu.memory_space<hbm>> -> memref<1x80x128xi32, #tpu.memory_space<hbm>>
    %dma_start3A_7 = tpu.memref_squeeze %dma_start3A_6 : memref<1x80x128xi32, #tpu.memory_space<hbm>> -> memref<80x128xi32, #tpu.memory_space<hbm>>
    tpu.enqueue_dma source(%dma_start3A_7 : memref<80x128xi32, #tpu.memory_space<hbm>>) target(%arg6 : memref<80x128xi32, #tpu.memory_space<vmem>>) target_semaphore(%arg13 : memref<!tpu.dma_semaphore, #tpu.memory_space<semaphore_mem>>)
    %dma_start3A_8 = arith.constant 0 : i32
    %dma_start3A_9 = arith.constant 0 : i32
    %dma_start3A_10 = tpu.memref_slice %arg4[%add3A, %dma_start3A_8, %dma_start3A_9] : memref<32x80x128xi32, #tpu.memory_space<hbm>> -> memref<1x80x128xi32, #tpu.memory_space<hbm>>
    %dma_start3A_11 = tpu.memref_squeeze %dma_start3A_10 : memref<1x80x128xi32, #tpu.memory_space<hbm>> -> memref<80x128xi32, #tpu.memory_space<hbm>>
    %dma_start3A_12 = arith.constant 0 : i32
    %dma_start3A_13 = arith.constant 0 : i32
    %dma_start3A_14 = tpu.memref_slice %arg4[%add3A, %dma_start3A_12, %dma_start3A_13] : memref<32x80x128xi32, #tpu.memory_space<hbm>> -> memref<1x80x128xi32, #tpu.memory_space<hbm>>
    %dma_start3A_15 = tpu.memref_squeeze %dma_start3A_14 : memref<1x80x128xi32, #tpu.memory_space<hbm>> -> memref<80x128xi32, #tpu.memory_space<hbm>>
    tpu.enqueue_dma source(%dma_start3A_15 : memref<80x128xi32, #tpu.memory_space<hbm>>) target(%arg7 : memref<80x128xi32, #tpu.memory_space<vmem>>) target_semaphore(%arg14 : memref<!tpu.dma_semaphore, #tpu.memory_space<semaphore_mem>>)
    %mul3A_16 = arith.constant 640 : i32
    %mul3A_17 = arith.muli %arg1, %mul3A_16 : i32
    %mul3A_18 = arith.constant 640 : i32
    %mul3A_19 = arith.muli %arg1, %mul3A_18 : i32
    %dma_start3A_20 = arith.constant 0 : i32
    %dma_start3A_21 = tpu.memref_slice %arg11[%mul3A_19, %dma_start3A_20] : memref<10240x64xf32, #tpu.memory_space<vmem_shared>> -> memref<640x64xf32, #tpu.memory_space<vmem_shared>>
    %dma_start3A_22 = arith.constant 0 : i32
    %dma_start3A_23 = tpu.memref_slice %arg2[%mul3A_17, %dma_start3A_22] : memref<10240x64xf32, #tpu.memory_space<hbm>> -> memref<640x64xf32, #tpu.memory_space<hbm>>
    tpu.enqueue_dma source(%dma_start3A_23 : memref<640x64xf32, #tpu.memory_space<hbm>>) target(%dma_start3A_21 : memref<640x64xf32, #tpu.memory_space<vmem_shared>>) target_semaphore(%arg15 : memref<!tpu.dma_semaphore, #tpu.memory_space<semaphore_mem>>)
    %scan3A = arith.constant 0 : i32
    %scan3A_24 = arith.constant 0 : i32
    %scan3A_25 = arith.constant 128 : i32
    %scan3A_26 = arith.addi %scan3A_24, %scan3A_25 : i32
    %scan3A_27 = arith.constant 1 : i32
    scf.for %scan3A_202 = %scan3A_24 to %scan3A_26 step %scan3A_27  : i32 {
      %broadcast_in_dim3A = arith.constant 0.000000e+00 : f32
      %broadcast_in_dim3A_203 = vector.broadcast %broadcast_in_dim3A : f32 to vector<16xf32>
      %swap3A = arith.index_cast %scan3A_202 : i32 to index
      %swap3A_204 = arith.constant 0 : index
      %swap3A_205 = tpu.vector_load %arg10[%swap3A, %swap3A_204] {strides = array<i32>} : memref<128x64xf32, #tpu.memory_space<vmem>>, vector<1x16xf32>,
      %swap3A_206 = vector.shape_cast %swap3A_205 : vector<1x16xf32> to vector<16xf32>
      %swap3A_207 = vector.shape_cast %broadcast_in_dim3A_203 : vector<16xf32> to vector<1x16xf32>
      tpu.vector_store %arg10[%swap3A, %swap3A_204], %swap3A_207 {strides = array<i32>} : memref<128x64xf32, #tpu.memory_space<vmem>>, vector<1x16xf32>,
      %broadcast_in_dim3A_208 = arith.constant 0.000000e+00 : f32
      %broadcast_in_dim3A_209 = vector.broadcast %broadcast_in_dim3A_208 : f32 to vector<16xf32>
      %swap3A_210 = arith.index_cast %scan3A_202 : i32 to index
      %swap3A_211 = arith.constant 16 : index
      %swap3A_212 = tpu.vector_load %arg10[%swap3A_210, %swap3A_211] {strides = array<i32>} : memref<128x64xf32, #tpu.memory_space<vmem>>, vector<1x16xf32>,
      %swap3A_213 = vector.shape_cast %swap3A_212 : vector<1x16xf32> to vector<16xf32>
      %swap3A_214 = vector.shape_cast %broadcast_in_dim3A_209 : vector<16xf32> to vector<1x16xf32>
      tpu.vector_store %arg10[%swap3A_210, %swap3A_211], %swap3A_214 {strides = array<i32>} : memref<128x64xf32, #tpu.memory_space<vmem>>, vector<1x16xf32>,
      %broadcast_in_dim3A_215 = arith.constant 0.000000e+00 : f32
      %broadcast_in_dim3A_216 = vector.broadcast %broadcast_in_dim3A_215 : f32 to vector<16xf32>
      %swap3A_217 = arith.index_cast %scan3A_202 : i32 to index
      %swap3A_218 = arith.constant 32 : index
      %swap3A_219 = tpu.vector_load %arg10[%swap3A_217, %swap3A_218] {strides = array<i32>} : memref<128x64xf32, #tpu.memory_space<vmem>>, vector<1x16xf32>,
      %swap3A_220 = vector.shape_cast %swap3A_219 : vector<1x16xf32> to vector<16xf32>
      %swap3A_221 = vector.shape_cast %broadcast_in_dim3A_216 : vector<16xf32> to vector<1x16xf32>
      tpu.vector_store %arg10[%swap3A_217, %swap3A_218], %swap3A_221 {strides = array<i32>} : memref<128x64xf32, #tpu.memory_space<vmem>>, vector<1x16xf32>,
      %broadcast_in_dim3A_222 = arith.constant 0.000000e+00 : f32
      %broadcast_in_dim3A_223 = vector.broadcast %broadcast_in_dim3A_222 : f32 to vector<16xf32>
      %swap3A_224 = arith.index_cast %scan3A_202 : i32 to index
      %swap3A_225 = arith.constant 48 : index
      %swap3A_226 = tpu.vector_load %arg10[%swap3A_224, %swap3A_225] {strides = array<i32>} : memref<128x64xf32, #tpu.memory_space<vmem>>, vector<1x16xf32>,
      %swap3A_227 = vector.shape_cast %swap3A_226 : vector<1x16xf32> to vector<16xf32>
      %swap3A_228 = vector.shape_cast %broadcast_in_dim3A_223 : vector<16xf32> to vector<1x16xf32>
      tpu.vector_store %arg10[%swap3A_224, %swap3A_225], %swap3A_228 {strides = array<i32>} : memref<128x64xf32, #tpu.memory_space<vmem>>, vector<1x16xf32>,
    }
    %scan3A_28 = arith.constant 128 : i32
    %mul3A_29 = arith.constant 640 : i32
    %mul3A_30 = arith.muli %arg1, %mul3A_29 : i32
    %add3A_31 = arith.constant 0 : i32
    %add3A_32 = arith.addi %mul3A_30, %add3A_31 : i32
    %dma_start3A_33 = arith.constant 0 : i32
    %dma_start3A_34 = tpu.memref_slice %arg12[%add3A_32, %dma_start3A_33] : memref<10240x64xf32, #tpu.memory_space<vmem_shared>> -> memref<128x64xf32, #tpu.memory_space<vmem_shared>>
    %dma_start3A_35 = arith.constant 0 : i32
    %dma_start3A_36 = tpu.memref_slice %arg12[%add3A_32, %dma_start3A_35] : memref<10240x64xf32, #tpu.memory_space<vmem_shared>> -> memref<128x64xf32, #tpu.memory_space<vmem_shared>>
    tpu.enqueue_dma source(%arg10 : memref<128x64xf32, #tpu.memory_space<vmem>>) target(%dma_start3A_36 : memref<128x64xf32, #tpu.memory_space<vmem_shared>>) target_semaphore(%arg16 : memref<!tpu.dma_semaphore, #tpu.memory_space<semaphore_mem>>)
    %mul3A_37 = arith.constant 640 : i32
    %mul3A_38 = arith.muli %arg1, %mul3A_37 : i32
    %add3A_39 = arith.constant 128 : i32
    %add3A_40 = arith.addi %mul3A_38, %add3A_39 : i32
    %dma_start3A_41 = arith.constant 0 : i32
    %dma_start3A_42 = tpu.memref_slice %arg12[%add3A_40, %dma_start3A_41] : memref<10240x64xf32, #tpu.memory_space<vmem_shared>> -> memref<128x64xf32, #tpu.memory_space<vmem_shared>>
    %dma_start3A_43 = arith.constant 0 : i32
    %dma_start3A_44 = tpu.memref_slice %arg12[%add3A_40, %dma_start3A_43] : memref<10240x64xf32, #tpu.memory_space<vmem_shared>> -> memref<128x64xf32, #tpu.memory_space<vmem_shared>>
    tpu.enqueue_dma source(%arg10 : memref<128x64xf32, #tpu.memory_space<vmem>>) target(%dma_start3A_44 : memref<128x64xf32, #tpu.memory_space<vmem_shared>>) target_semaphore(%arg16 : memref<!tpu.dma_semaphore, #tpu.memory_space<semaphore_mem>>)
    %mul3A_45 = arith.constant 640 : i32
    %mul3A_46 = arith.muli %arg1, %mul3A_45 : i32
    %add3A_47 = arith.constant 256 : i32
    %add3A_48 = arith.addi %mul3A_46, %add3A_47 : i32
    %dma_start3A_49 = arith.constant 0 : i32
    %dma_start3A_50 = tpu.memref_slice %arg12[%add3A_48, %dma_start3A_49] : memref<10240x64xf32, #tpu.memory_space<vmem_shared>> -> memref<128x64xf32, #tpu.memory_space<vmem_shared>>
    %dma_start3A_51 = arith.constant 0 : i32
    %dma_start3A_52 = tpu.memref_slice %arg12[%add3A_48, %dma_start3A_51] : memref<10240x64xf32, #tpu.memory_space<vmem_shared>> -> memref<128x64xf32, #tpu.memory_space<vmem_shared>>
    tpu.enqueue_dma source(%arg10 : memref<128x64xf32, #tpu.memory_space<vmem>>) target(%dma_start3A_52 : memref<128x64xf32, #tpu.memory_space<vmem_shared>>) target_semaphore(%arg16 : memref<!tpu.dma_semaphore, #tpu.memory_space<semaphore_mem>>)
    %mul3A_53 = arith.constant 640 : i32
    %mul3A_54 = arith.muli %arg1, %mul3A_53 : i32
    %add3A_55 = arith.constant 384 : i32
    %add3A_56 = arith.addi %mul3A_54, %add3A_55 : i32
    %dma_start3A_57 = arith.constant 0 : i32
    %dma_start3A_58 = tpu.memref_slice %arg12[%add3A_56, %dma_start3A_57] : memref<10240x64xf32, #tpu.memory_space<vmem_shared>> -> memref<128x64xf32, #tpu.memory_space<vmem_shared>>
    %dma_start3A_59 = arith.constant 0 : i32
    %dma_start3A_60 = tpu.memref_slice %arg12[%add3A_56, %dma_start3A_59] : memref<10240x64xf32, #tpu.memory_space<vmem_shared>> -> memref<128x64xf32, #tpu.memory_space<vmem_shared>>
    tpu.enqueue_dma source(%arg10 : memref<128x64xf32, #tpu.memory_space<vmem>>) target(%dma_start3A_60 : memref<128x64xf32, #tpu.memory_space<vmem_shared>>) target_semaphore(%arg16 : memref<!tpu.dma_semaphore, #tpu.memory_space<semaphore_mem>>)
    %mul3A_61 = arith.constant 640 : i32
    %mul3A_62 = arith.muli %arg1, %mul3A_61 : i32
    %add3A_63 = arith.constant 512 : i32
    %add3A_64 = arith.addi %mul3A_62, %add3A_63 : i32
    %dma_start3A_65 = arith.constant 0 : i32
    %dma_start3A_66 = tpu.memref_slice %arg12[%add3A_64, %dma_start3A_65] : memref<10240x64xf32, #tpu.memory_space<vmem_shared>> -> memref<128x64xf32, #tpu.memory_space<vmem_shared>>
    %dma_start3A_67 = arith.constant 0 : i32
    %dma_start3A_68 = tpu.memref_slice %arg12[%add3A_64, %dma_start3A_67] : memref<10240x64xf32, #tpu.memory_space<vmem_shared>> -> memref<128x64xf32, #tpu.memory_space<vmem_shared>>
    tpu.enqueue_dma source(%arg10 : memref<128x64xf32, #tpu.memory_space<vmem>>) target(%dma_start3A_68 : memref<128x64xf32, #tpu.memory_space<vmem_shared>>) target_semaphore(%arg16 : memref<!tpu.dma_semaphore, #tpu.memory_space<semaphore_mem>>)
    %dma_wait3A = arith.constant 0 : i32
    %dma_wait3A_69 = arith.constant 0 : i32
    %dma_wait3A_70 = tpu.memref_slice %arg3[%add3A, %dma_wait3A, %dma_wait3A_69] : memref<32x80x128xi32, #tpu.memory_space<hbm>> -> memref<1x80x128xi32, #tpu.memory_space<hbm>>
    %dma_wait3A_71 = tpu.memref_squeeze %dma_wait3A_70 : memref<1x80x128xi32, #tpu.memory_space<hbm>> -> memref<80x128xi32, #tpu.memory_space<hbm>>
    %dma_wait3A_72 = arith.constant 0 : i32
    %dma_wait3A_73 = arith.constant 0 : i32
    %dma_wait3A_74 = tpu.memref_slice %arg3[%add3A, %dma_wait3A_72, %dma_wait3A_73] : memref<32x80x128xi32, #tpu.memory_space<hbm>> -> memref<1x80x128xi32, #tpu.memory_space<hbm>>
    %dma_wait3A_75 = tpu.memref_squeeze %dma_wait3A_74 : memref<1x80x128xi32, #tpu.memory_space<hbm>> -> memref<80x128xi32, #tpu.memory_space<hbm>>
    tpu.wait_dma2 semaphore(%arg13 : memref<!tpu.dma_semaphore, #tpu.memory_space<semaphore_mem>>) src(%dma_wait3A_75 : memref<80x128xi32, #tpu.memory_space<hbm>>) dst(%arg6 : memref<80x128xi32, #tpu.memory_space<vmem>>)
    %dma_wait3A_76 = arith.constant 0 : i32
    %dma_wait3A_77 = arith.constant 0 : i32
    %dma_wait3A_78 = tpu.memref_slice %arg4[%add3A, %dma_wait3A_76, %dma_wait3A_77] : memref<32x80x128xi32, #tpu.memory_space<hbm>> -> memref<1x80x128xi32, #tpu.memory_space<hbm>>
    %dma_wait3A_79 = tpu.memref_squeeze %dma_wait3A_78 : memref<1x80x128xi32, #tpu.memory_space<hbm>> -> memref<80x128xi32, #tpu.memory_space<hbm>>
    %dma_wait3A_80 = arith.constant 0 : i32
    %dma_wait3A_81 = arith.constant 0 : i32
    %dma_wait3A_82 = tpu.memref_slice %arg4[%add3A, %dma_wait3A_80, %dma_wait3A_81] : memref<32x80x128xi32, #tpu.memory_space<hbm>> -> memref<1x80x128xi32, #tpu.memory_space<hbm>>
    %dma_wait3A_83 = tpu.memref_squeeze %dma_wait3A_82 : memref<1x80x128xi32, #tpu.memory_space<hbm>> -> memref<80x128xi32, #tpu.memory_space<hbm>>
    tpu.wait_dma2 semaphore(%arg14 : memref<!tpu.dma_semaphore, #tpu.memory_space<semaphore_mem>>) src(%dma_wait3A_83 : memref<80x128xi32, #tpu.memory_space<hbm>>) dst(%arg7 : memref<80x128xi32, #tpu.memory_space<vmem>>)
    %mul3A_84 = arith.constant 640 : i32
    %mul3A_85 = arith.muli %arg1, %mul3A_84 : i32
    %mul3A_86 = arith.constant 640 : i32
    %mul3A_87 = arith.muli %arg1, %mul3A_86 : i32
    %dma_wait3A_88 = arith.constant 0 : i32
    %dma_wait3A_89 = tpu.memref_slice %arg11[%mul3A_87, %dma_wait3A_88] : memref<10240x64xf32, #tpu.memory_space<vmem_shared>> -> memref<640x64xf32, #tpu.memory_space<vmem_shared>>
    %dma_wait3A_90 = arith.constant 0 : i32
    %dma_wait3A_91 = tpu.memref_slice %arg2[%mul3A_85, %dma_wait3A_90] : memref<10240x64xf32, #tpu.memory_space<hbm>> -> memref<640x64xf32, #tpu.memory_space<hbm>>
    tpu.wait_dma2 semaphore(%arg15 : memref<!tpu.dma_semaphore, #tpu.memory_space<semaphore_mem>>) src(%dma_wait3A_91 : memref<640x64xf32, #tpu.memory_space<hbm>>) dst(%dma_wait3A_89 : memref<640x64xf32, #tpu.memory_space<vmem_shared>>)
    %mul3A_92 = arith.constant 640 : i32
    %mul3A_93 = arith.muli %arg1, %mul3A_92 : i32
    %add3A_94 = arith.constant 0 : i32
    %add3A_95 = arith.addi %mul3A_93, %add3A_94 : i32
    %dma_wait3A_96 = arith.constant 0 : i32
    %dma_wait3A_97 = tpu.memref_slice %arg12[%add3A_95, %dma_wait3A_96] : memref<10240x64xf32, #tpu.memory_space<vmem_shared>> -> memref<128x64xf32, #tpu.memory_space<vmem_shared>>
    %dma_wait3A_98 = arith.constant 0 : i32
    %dma_wait3A_99 = tpu.memref_slice %arg12[%add3A_95, %dma_wait3A_98] : memref<10240x64xf32, #tpu.memory_space<vmem_shared>> -> memref<128x64xf32, #tpu.memory_space<vmem_shared>>
    tpu.wait_dma2 semaphore(%arg16 : memref<!tpu.dma_semaphore, #tpu.memory_space<semaphore_mem>>) src(%arg10 : memref<128x64xf32, #tpu.memory_space<vmem>>) dst(%dma_wait3A_99 : memref<128x64xf32, #tpu.memory_space<vmem_shared>>)
    %mul3A_100 = arith.constant 640 : i32
    %mul3A_101 = arith.muli %arg1, %mul3A_100 : i32
    %add3A_102 = arith.constant 128 : i32
    %add3A_103 = arith.addi %mul3A_101, %add3A_102 : i32
    %dma_wait3A_104 = arith.constant 0 : i32
    %dma_wait3A_105 = tpu.memref_slice %arg12[%add3A_103, %dma_wait3A_104] : memref<10240x64xf32, #tpu.memory_space<vmem_shared>> -> memref<128x64xf32, #tpu.memory_space<vmem_shared>>
    %dma_wait3A_106 = arith.constant 0 : i32
    %dma_wait3A_107 = tpu.memref_slice %arg12[%add3A_103, %dma_wait3A_106] : memref<10240x64xf32, #tpu.memory_space<vmem_shared>> -> memref<128x64xf32, #tpu.memory_space<vmem_shared>>
    tpu.wait_dma2 semaphore(%arg16 : memref<!tpu.dma_semaphore, #tpu.memory_space<semaphore_mem>>) src(%arg10 : memref<128x64xf32, #tpu.memory_space<vmem>>) dst(%dma_wait3A_107 : memref<128x64xf32, #tpu.memory_space<vmem_shared>>)
    %mul3A_108 = arith.constant 640 : i32
    %mul3A_109 = arith.muli %arg1, %mul3A_108 : i32
    %add3A_110 = arith.constant 256 : i32
    %add3A_111 = arith.addi %mul3A_109, %add3A_110 : i32
    %dma_wait3A_112 = arith.constant 0 : i32
    %dma_wait3A_113 = tpu.memref_slice %arg12[%add3A_111, %dma_wait3A_112] : memref<10240x64xf32, #tpu.memory_space<vmem_shared>> -> memref<128x64xf32, #tpu.memory_space<vmem_shared>>
    %dma_wait3A_114 = arith.constant 0 : i32
    %dma_wait3A_115 = tpu.memref_slice %arg12[%add3A_111, %dma_wait3A_114] : memref<10240x64xf32, #tpu.memory_space<vmem_shared>> -> memref<128x64xf32, #tpu.memory_space<vmem_shared>>
    tpu.wait_dma2 semaphore(%arg16 : memref<!tpu.dma_semaphore, #tpu.memory_space<semaphore_mem>>) src(%arg10 : memref<128x64xf32, #tpu.memory_space<vmem>>) dst(%dma_wait3A_115 : memref<128x64xf32, #tpu.memory_space<vmem_shared>>)
    %mul3A_116 = arith.constant 640 : i32
    %mul3A_117 = arith.muli %arg1, %mul3A_116 : i32
    %add3A_118 = arith.constant 384 : i32
    %add3A_119 = arith.addi %mul3A_117, %add3A_118 : i32
    %dma_wait3A_120 = arith.constant 0 : i32
    %dma_wait3A_121 = tpu.memref_slice %arg12[%add3A_119, %dma_wait3A_120] : memref<10240x64xf32, #tpu.memory_space<vmem_shared>> -> memref<128x64xf32, #tpu.memory_space<vmem_shared>>
    %dma_wait3A_122 = arith.constant 0 : i32
    %dma_wait3A_123 = tpu.memref_slice %arg12[%add3A_119, %dma_wait3A_122] : memref<10240x64xf32, #tpu.memory_space<vmem_shared>> -> memref<128x64xf32, #tpu.memory_space<vmem_shared>>
    tpu.wait_dma2 semaphore(%arg16 : memref<!tpu.dma_semaphore, #tpu.memory_space<semaphore_mem>>) src(%arg10 : memref<128x64xf32, #tpu.memory_space<vmem>>) dst(%dma_wait3A_123 : memref<128x64xf32, #tpu.memory_space<vmem_shared>>)
    %mul3A_124 = arith.constant 640 : i32
    %mul3A_125 = arith.muli %arg1, %mul3A_124 : i32
    %add3A_126 = arith.constant 512 : i32
    %add3A_127 = arith.addi %mul3A_125, %add3A_126 : i32
    %dma_wait3A_128 = arith.constant 0 : i32
    %dma_wait3A_129 = tpu.memref_slice %arg12[%add3A_127, %dma_wait3A_128] : memref<10240x64xf32, #tpu.memory_space<vmem_shared>> -> memref<128x64xf32, #tpu.memory_space<vmem_shared>>
    %dma_wait3A_130 = arith.constant 0 : i32
    %dma_wait3A_131 = tpu.memref_slice %arg12[%add3A_127, %dma_wait3A_130] : memref<10240x64xf32, #tpu.memory_space<vmem_shared>> -> memref<128x64xf32, #tpu.memory_space<vmem_shared>>
    tpu.wait_dma2 semaphore(%arg16 : memref<!tpu.dma_semaphore, #tpu.memory_space<semaphore_mem>>) src(%arg10 : memref<128x64xf32, #tpu.memory_space<vmem>>) dst(%dma_wait3A_131 : memref<128x64xf32, #tpu.memory_space<vmem_shared>>)
    %barrier3A = arith.constant 0 : index
    tpu.barrier barrier_id(%barrier3A)
    %dma_start3A_132 = arith.constant 0 : i32
    %dma_start3A_133 = arith.constant 0 : i32
    %dma_start3A_134 = tpu.memref_slice %arg6[%dma_start3A_132, %dma_start3A_133] : memref<80x128xi32, #tpu.memory_space<vmem>> -> memref<1x128xi32, #tpu.memory_space<vmem>>
    %dma_start3A_135 = tpu.memref_squeeze %dma_start3A_134 : memref<1x128xi32, #tpu.memory_space<vmem>> -> memref<128xi32, #tpu.memory_space<vmem>>
    %dma_start3A_136 = arith.constant 0 : i32
    %dma_start3A_137 = arith.constant 0 : i32
    %dma_start3A_138 = tpu.memref_slice %arg11[%dma_start3A_136, %dma_start3A_137] : memref<10240x64xf32, #tpu.memory_space<vmem_shared>> -> memref<10240x64xf32, #tpu.memory_space<vmem_shared>>
    tpu.enqueue_indirect_dma source(%dma_start3A_138 : memref<10240x64xf32, #tpu.memory_space<vmem_shared>>) target(%arg8 : memref<128x64xf32, #tpu.memory_space<vmem>>) offsets(%dma_start3A_135 : memref<128xi32, #tpu.memory_space<vmem>>) semaphore(%arg13 : memref<!tpu.dma_semaphore, #tpu.memory_space<semaphore_mem>>)
    %dma_wait3A_139 = arith.constant 0 : i32
    %dma_wait3A_140 = arith.constant 0 : i32
    %dma_wait3A_141 = tpu.memref_slice %arg6[%dma_wait3A_139, %dma_wait3A_140] : memref<80x128xi32, #tpu.memory_space<vmem>> -> memref<1x128xi32, #tpu.memory_space<vmem>>
    %dma_wait3A_142 = tpu.memref_squeeze %dma_wait3A_141 : memref<1x128xi32, #tpu.memory_space<vmem>> -> memref<128xi32, #tpu.memory_space<vmem>>
    %dma_wait3A_143 = arith.constant 0 : i32
    %dma_wait3A_144 = arith.constant 0 : i32
    %dma_wait3A_145 = tpu.memref_slice %arg11[%dma_wait3A_143, %dma_wait3A_144] : memref<10240x64xf32, #tpu.memory_space<vmem_shared>> -> memref<10240x64xf32, #tpu.memory_space<vmem_shared>>
    tpu.wait_indirect_dma semaphore(%arg13 : memref<!tpu.dma_semaphore, #tpu.memory_space<semaphore_mem>>) src(%dma_wait3A_145 : memref<10240x64xf32, #tpu.memory_space<vmem_shared>>) dst(%arg8 : memref<128x64xf32, #tpu.memory_space<vmem>>)
    %dma_start3A_146 = arith.constant 0 : i32
    %dma_start3A_147 = arith.constant 0 : i32
    %dma_start3A_148 = tpu.memref_slice %arg7[%dma_start3A_146, %dma_start3A_147] : memref<80x128xi32, #tpu.memory_space<vmem>> -> memref<1x128xi32, #tpu.memory_space<vmem>>
    %dma_start3A_149 = tpu.memref_squeeze %dma_start3A_148 : memref<1x128xi32, #tpu.memory_space<vmem>> -> memref<128xi32, #tpu.memory_space<vmem>>
    %dma_start3A_150 = arith.constant 0 : i32
    %dma_start3A_151 = arith.constant 0 : i32
    %dma_start3A_152 = tpu.memref_slice %arg12[%dma_start3A_150, %dma_start3A_151] : memref<10240x64xf32, #tpu.memory_space<vmem_shared>> -> memref<10240x64xf32, #tpu.memory_space<vmem_shared>>
    tpu.enqueue_indirect_dma source(%arg8 : memref<128x64xf32, #tpu.memory_space<vmem>>) target(%dma_start3A_152 : memref<10240x64xf32, #tpu.memory_space<vmem_shared>>) offsets(%dma_start3A_149 : memref<128xi32, #tpu.memory_space<vmem>>) semaphore(%arg15 : memref<!tpu.dma_semaphore, #tpu.memory_space<semaphore_mem>>) {add = true}
    %dma_start3A_153 = arith.constant 1 : i32
    %dma_start3A_154 = arith.constant 0 : i32
    %dma_start3A_155 = tpu.memref_slice %arg6[%dma_start3A_153, %dma_start3A_154] : memref<80x128xi32, #tpu.memory_space<vmem>> -> memref<1x128xi32, #tpu.memory_space<vmem>>
    %dma_start3A_156 = tpu.memref_squeeze %dma_start3A_155 : memref<1x128xi32, #tpu.memory_space<vmem>> -> memref<128xi32, #tpu.memory_space<vmem>>
    %dma_start3A_157 = arith.constant 0 : i32
    %dma_start3A_158 = arith.constant 0 : i32
    %dma_start3A_159 = tpu.memref_slice %arg11[%dma_start3A_157, %dma_start3A_158] : memref<10240x64xf32, #tpu.memory_space<vmem_shared>> -> memref<10240x64xf32, #tpu.memory_space<vmem_shared>>
    tpu.enqueue_indirect_dma source(%dma_start3A_159 : memref<10240x64xf32, #tpu.memory_space<vmem_shared>>) target(%arg9 : memref<128x64xf32, #tpu.memory_space<vmem>>) offsets(%dma_start3A_156 : memref<128xi32, #tpu.memory_space<vmem>>) semaphore(%arg14 : memref<!tpu.dma_semaphore, #tpu.memory_space<semaphore_mem>>)
    %scan3A_160 = arith.constant 0 : i32
    %scan3A_161 = arith.constant 0 : i32
    %scan3A_162 = arith.constant 39 : i32
    %scan3A_163 = arith.addi %scan3A_161, %scan3A_162 : i32
    %scan3A_164 = arith.constant 1 : i32
    scf.for %scan3A_202 = %scan3A_161 to %scan3A_163 step %scan3A_164  : i32 {
      %mul3A_203 = arith.constant 2 : i32
      %mul3A_204 = arith.muli %mul3A_203, %scan3A_202 : i32
      %add3A_205 = arith.constant 1 : i32
      %add3A_206 = arith.addi %mul3A_204, %add3A_205 : i32
      %add3A_207 = arith.constant 0 : i32
      %add3A_208 = arith.addi %add3A_206, %add3A_207 : i32
      %dma_wait3A_209 = arith.constant 0 : i32
      %dma_wait3A_210 = tpu.memref_slice %arg6[%add3A_208, %dma_wait3A_209] : memref<80x128xi32, #tpu.memory_space<vmem>> -> memref<1x128xi32, #tpu.memory_space<vmem>>
      %dma_wait3A_211 = tpu.memref_squeeze %dma_wait3A_210 : memref<1x128xi32, #tpu.memory_space<vmem>> -> memref<128xi32, #tpu.memory_space<vmem>>
      %dma_wait3A_212 = arith.constant 0 : i32
      %dma_wait3A_213 = arith.constant 0 : i32
      %dma_wait3A_214 = tpu.memref_slice %arg11[%dma_wait3A_212, %dma_wait3A_213] : memref<10240x64xf32, #tpu.memory_space<vmem_shared>> -> memref<10240x64xf32, #tpu.memory_space<vmem_shared>>
      tpu.wait_indirect_dma semaphore(%arg14 : memref<!tpu.dma_semaphore, #tpu.memory_space<semaphore_mem>>) src(%dma_wait3A_214 : memref<10240x64xf32, #tpu.memory_space<vmem_shared>>) dst(%arg9 : memref<128x64xf32, #tpu.memory_space<vmem>>)
      %dma_start3A_215 = arith.constant 0 : i32
      %dma_start3A_216 = tpu.memref_slice %arg7[%add3A_208, %dma_start3A_215] : memref<80x128xi32, #tpu.memory_space<vmem>> -> memref<1x128xi32, #tpu.memory_space<vmem>>
      %dma_start3A_217 = tpu.memref_squeeze %dma_start3A_216 : memref<1x128xi32, #tpu.memory_space<vmem>> -> memref<128xi32, #tpu.memory_space<vmem>>
      %dma_start3A_218 = arith.constant 0 : i32
      %dma_start3A_219 = arith.constant 0 : i32
      %dma_start3A_220 = tpu.memref_slice %arg12[%dma_start3A_218, %dma_start3A_219] : memref<10240x64xf32, #tpu.memory_space<vmem_shared>> -> memref<10240x64xf32, #tpu.memory_space<vmem_shared>>
      tpu.enqueue_indirect_dma source(%arg9 : memref<128x64xf32, #tpu.memory_space<vmem>>) target(%dma_start3A_220 : memref<10240x64xf32, #tpu.memory_space<vmem_shared>>) offsets(%dma_start3A_217 : memref<128xi32, #tpu.memory_space<vmem>>) semaphore(%arg16 : memref<!tpu.dma_semaphore, #tpu.memory_space<semaphore_mem>>) {add = true}
      %sub3A = arith.constant 1 : i32
      %sub3A_221 = arith.subi %add3A_208, %sub3A : i32
      %dma_wait3A_222 = arith.constant 0 : i32
      %dma_wait3A_223 = tpu.memref_slice %arg7[%sub3A_221, %dma_wait3A_222] : memref<80x128xi32, #tpu.memory_space<vmem>> -> memref<1x128xi32, #tpu.memory_space<vmem>>
      %dma_wait3A_224 = tpu.memref_squeeze %dma_wait3A_223 : memref<1x128xi32, #tpu.memory_space<vmem>> -> memref<128xi32, #tpu.memory_space<vmem>>
      %dma_wait3A_225 = arith.constant 0 : i32
      %dma_wait3A_226 = arith.constant 0 : i32
      %dma_wait3A_227 = tpu.memref_slice %arg12[%dma_wait3A_225, %dma_wait3A_226] : memref<10240x64xf32, #tpu.memory_space<vmem_shared>> -> memref<10240x64xf32, #tpu.memory_space<vmem_shared>>
      tpu.wait_indirect_dma semaphore(%arg15 : memref<!tpu.dma_semaphore, #tpu.memory_space<semaphore_mem>>) src(%arg8 : memref<128x64xf32, #tpu.memory_space<vmem>>) dst(%dma_wait3A_227 : memref<10240x64xf32, #tpu.memory_space<vmem_shared>>)
      %add3A_228 = arith.constant 1 : i32
      %add3A_229 = arith.addi %add3A_208, %add3A_228 : i32
      %dma_start3A_230 = arith.constant 0 : i32
      %dma_start3A_231 = tpu.memref_slice %arg6[%add3A_229, %dma_start3A_230] : memref<80x128xi32, #tpu.memory_space<vmem>> -> memref<1x128xi32, #tpu.memory_space<vmem>>
      %dma_start3A_232 = tpu.memref_squeeze %dma_start3A_231 : memref<1x128xi32, #tpu.memory_space<vmem>> -> memref<128xi32, #tpu.memory_space<vmem>>
      %dma_start3A_233 = arith.constant 0 : i32
      %dma_start3A_234 = arith.constant 0 : i32
      %dma_start3A_235 = tpu.memref_slice %arg11[%dma_start3A_233, %dma_start3A_234] : memref<10240x64xf32, #tpu.memory_space<vmem_shared>> -> memref<10240x64xf32, #tpu.memory_space<vmem_shared>>
      tpu.enqueue_indirect_dma source(%dma_start3A_235 : memref<10240x64xf32, #tpu.memory_space<vmem_shared>>) target(%arg8 : memref<128x64xf32, #tpu.memory_space<vmem>>) offsets(%dma_start3A_232 : memref<128xi32, #tpu.memory_space<vmem>>) semaphore(%arg13 : memref<!tpu.dma_semaphore, #tpu.memory_space<semaphore_mem>>)
      %mul3A_236 = arith.constant 2 : i32
      %mul3A_237 = arith.muli %mul3A_236, %scan3A_202 : i32
      %add3A_238 = arith.constant 1 : i32
      %add3A_239 = arith.addi %mul3A_237, %add3A_238 : i32
      %add3A_240 = arith.constant 1 : i32
      %add3A_241 = arith.addi %add3A_239, %add3A_240 : i32
      %dma_wait3A_242 = arith.constant 0 : i32
      %dma_wait3A_243 = tpu.memref_slice %arg6[%add3A_241, %dma_wait3A_242] : memref<80x128xi32, #tpu.memory_space<vmem>> -> memref<1x128xi32, #tpu.memory_space<vmem>>
      %dma_wait3A_244 = tpu.memref_squeeze %dma_wait3A_243 : memref<1x128xi32, #tpu.memory_space<vmem>> -> memref<128xi32, #tpu.memory_space<vmem>>
      %dma_wait3A_245 = arith.constant 0 : i32
      %dma_wait3A_246 = arith.constant 0 : i32
      %dma_wait3A_247 = tpu.memref_slice %arg11[%dma_wait3A_245, %dma_wait3A_246] : memref<10240x64xf32, #tpu.memory_space<vmem_shared>> -> memref<10240x64xf32, #tpu.memory_space<vmem_shared>>
      tpu.wait_indirect_dma semaphore(%arg13 : memref<!tpu.dma_semaphore, #tpu.memory_space<semaphore_mem>>) src(%dma_wait3A_247 : memref<10240x64xf32, #tpu.memory_space<vmem_shared>>) dst(%arg8 : memref<128x64xf32, #tpu.memory_space<vmem>>)
      %dma_start3A_248 = arith.constant 0 : i32
      %dma_start3A_249 = tpu.memref_slice %arg7[%add3A_241, %dma_start3A_248] : memref<80x128xi32, #tpu.memory_space<vmem>> -> memref<1x128xi32, #tpu.memory_space<vmem>>
      %dma_start3A_250 = tpu.memref_squeeze %dma_start3A_249 : memref<1x128xi32, #tpu.memory_space<vmem>> -> memref<128xi32, #tpu.memory_space<vmem>>
      %dma_start3A_251 = arith.constant 0 : i32
      %dma_start3A_252 = arith.constant 0 : i32
      %dma_start3A_253 = tpu.memref_slice %arg12[%dma_start3A_251, %dma_start3A_252] : memref<10240x64xf32, #tpu.memory_space<vmem_shared>> -> memref<10240x64xf32, #tpu.memory_space<vmem_shared>>
      tpu.enqueue_indirect_dma source(%arg8 : memref<128x64xf32, #tpu.memory_space<vmem>>) target(%dma_start3A_253 : memref<10240x64xf32, #tpu.memory_space<vmem_shared>>) offsets(%dma_start3A_250 : memref<128xi32, #tpu.memory_space<vmem>>) semaphore(%arg15 : memref<!tpu.dma_semaphore, #tpu.memory_space<semaphore_mem>>) {add = true}
      %sub3A_254 = arith.constant 1 : i32
      %sub3A_255 = arith.subi %add3A_241, %sub3A_254 : i32
      %dma_wait3A_256 = arith.constant 0 : i32
      %dma_wait3A_257 = tpu.memref_slice %arg7[%sub3A_255, %dma_wait3A_256] : memref<80x128xi32, #tpu.memory_space<vmem>> -> memref<1x128xi32, #tpu.memory_space<vmem>>
      %dma_wait3A_258 = tpu.memref_squeeze %dma_wait3A_257 : memref<1x128xi32, #tpu.memory_space<vmem>> -> memref<128xi32, #tpu.memory_space<vmem>>
      %dma_wait3A_259 = arith.constant 0 : i32
      %dma_wait3A_260 = arith.constant 0 : i32
      %dma_wait3A_261 = tpu.memref_slice %arg12[%dma_wait3A_259, %dma_wait3A_260] : memref<10240x64xf32, #tpu.memory_space<vmem_shared>> -> memref<10240x64xf32, #tpu.memory_space<vmem_shared>>
      tpu.wait_indirect_dma semaphore(%arg16 : memref<!tpu.dma_semaphore, #tpu.memory_space<semaphore_mem>>) src(%arg9 : memref<128x64xf32, #tpu.memory_space<vmem>>) dst(%dma_wait3A_261 : memref<10240x64xf32, #tpu.memory_space<vmem_shared>>)
      %add3A_262 = arith.constant 1 : i32
      %add3A_263 = arith.addi %add3A_241, %add3A_262 : i32
      %dma_start3A_264 = arith.constant 0 : i32
      %dma_start3A_265 = tpu.memref_slice %arg6[%add3A_263, %dma_start3A_264] : memref<80x128xi32, #tpu.memory_space<vmem>> -> memref<1x128xi32, #tpu.memory_space<vmem>>
      %dma_start3A_266 = tpu.memref_squeeze %dma_start3A_265 : memref<1x128xi32, #tpu.memory_space<vmem>> -> memref<128xi32, #tpu.memory_space<vmem>>
      %dma_start3A_267 = arith.constant 0 : i32
      %dma_start3A_268 = arith.constant 0 : i32
      %dma_start3A_269 = tpu.memref_slice %arg11[%dma_start3A_267, %dma_start3A_268] : memref<10240x64xf32, #tpu.memory_space<vmem_shared>> -> memref<10240x64xf32, #tpu.memory_space<vmem_shared>>
      tpu.enqueue_indirect_dma source(%dma_start3A_269 : memref<10240x64xf32, #tpu.memory_space<vmem_shared>>) target(%arg9 : memref<128x64xf32, #tpu.memory_space<vmem>>) offsets(%dma_start3A_266 : memref<128xi32, #tpu.memory_space<vmem>>) semaphore(%arg14 : memref<!tpu.dma_semaphore, #tpu.memory_space<semaphore_mem>>)
    }
    %scan3A_165 = arith.constant 39 : i32
    %dma_wait3A_166 = arith.constant 79 : i32
    %dma_wait3A_167 = arith.constant 0 : i32
    %dma_wait3A_168 = tpu.memref_slice %arg6[%dma_wait3A_166, %dma_wait3A_167] : memref<80x128xi32, #tpu.memory_space<vmem>> -> memref<1x128xi32, #tpu.memory_space<vmem>>
    %dma_wait3A_169 = tpu.memref_squeeze %dma_wait3A_168 : memref<1x128xi32, #tpu.memory_space<vmem>> -> memref<128xi32, #tpu.memory_space<vmem>>
    %dma_wait3A_170 = arith.constant 0 : i32
    %dma_wait3A_171 = arith.constant 0 : i32
    %dma_wait3A_172 = tpu.memref_slice %arg11[%dma_wait3A_170, %dma_wait3A_171] : memref<10240x64xf32, #tpu.memory_space<vmem_shared>> -> memref<10240x64xf32, #tpu.memory_space<vmem_shared>>
    tpu.wait_indirect_dma semaphore(%arg14 : memref<!tpu.dma_semaphore, #tpu.memory_space<semaphore_mem>>) src(%dma_wait3A_172 : memref<10240x64xf32, #tpu.memory_space<vmem_shared>>) dst(%arg9 : memref<128x64xf32, #tpu.memory_space<vmem>>)
    %dma_start3A_173 = arith.constant 79 : i32
    %dma_start3A_174 = arith.constant 0 : i32
    %dma_start3A_175 = tpu.memref_slice %arg7[%dma_start3A_173, %dma_start3A_174] : memref<80x128xi32, #tpu.memory_space<vmem>> -> memref<1x128xi32, #tpu.memory_space<vmem>>
    %dma_start3A_176 = tpu.memref_squeeze %dma_start3A_175 : memref<1x128xi32, #tpu.memory_space<vmem>> -> memref<128xi32, #tpu.memory_space<vmem>>
    %dma_start3A_177 = arith.constant 0 : i32
    %dma_start3A_178 = arith.constant 0 : i32
    %dma_start3A_179 = tpu.memref_slice %arg12[%dma_start3A_177, %dma_start3A_178] : memref<10240x64xf32, #tpu.memory_space<vmem_shared>> -> memref<10240x64xf32, #tpu.memory_space<vmem_shared>>
    tpu.enqueue_indirect_dma source(%arg9 : memref<128x64xf32, #tpu.memory_space<vmem>>) target(%dma_start3A_179 : memref<10240x64xf32, #tpu.memory_space<vmem_shared>>) offsets(%dma_start3A_176 : memref<128xi32, #tpu.memory_space<vmem>>) semaphore(%arg16 : memref<!tpu.dma_semaphore, #tpu.memory_space<semaphore_mem>>) {add = true}
    %dma_wait3A_180 = arith.constant 78 : i32
    %dma_wait3A_181 = arith.constant 0 : i32
    %dma_wait3A_182 = tpu.memref_slice %arg7[%dma_wait3A_180, %dma_wait3A_181] : memref<80x128xi32, #tpu.memory_space<vmem>> -> memref<1x128xi32, #tpu.memory_space<vmem>>
    %dma_wait3A_183 = tpu.memref_squeeze %dma_wait3A_182 : memref<1x128xi32, #tpu.memory_space<vmem>> -> memref<128xi32, #tpu.memory_space<vmem>>
    %dma_wait3A_184 = arith.constant 0 : i32
    %dma_wait3A_185 = arith.constant 0 : i32
    %dma_wait3A_186 = tpu.memref_slice %arg12[%dma_wait3A_184, %dma_wait3A_185] : memref<10240x64xf32, #tpu.memory_space<vmem_shared>> -> memref<10240x64xf32, #tpu.memory_space<vmem_shared>>
    tpu.wait_indirect_dma semaphore(%arg15 : memref<!tpu.dma_semaphore, #tpu.memory_space<semaphore_mem>>) src(%arg8 : memref<128x64xf32, #tpu.memory_space<vmem>>) dst(%dma_wait3A_186 : memref<10240x64xf32, #tpu.memory_space<vmem_shared>>)
    %dma_wait3A_187 = arith.constant 79 : i32
    %dma_wait3A_188 = arith.constant 0 : i32
    %dma_wait3A_189 = tpu.memref_slice %arg7[%dma_wait3A_187, %dma_wait3A_188] : memref<80x128xi32, #tpu.memory_space<vmem>> -> memref<1x128xi32, #tpu.memory_space<vmem>>
    %dma_wait3A_190 = tpu.memref_squeeze %dma_wait3A_189 : memref<1x128xi32, #tpu.memory_space<vmem>> -> memref<128xi32, #tpu.memory_space<vmem>>
    %dma_wait3A_191 = arith.constant 0 : i32
    %dma_wait3A_192 = arith.constant 0 : i32
    %dma_wait3A_193 = tpu.memref_slice %arg12[%dma_wait3A_191, %dma_wait3A_192] : memref<10240x64xf32, #tpu.memory_space<vmem_shared>> -> memref<10240x64xf32, #tpu.memory_space<vmem_shared>>
    tpu.wait_indirect_dma semaphore(%arg16 : memref<!tpu.dma_semaphore, #tpu.memory_space<semaphore_mem>>) src(%arg9 : memref<128x64xf32, #tpu.memory_space<vmem>>) dst(%dma_wait3A_193 : memref<10240x64xf32, #tpu.memory_space<vmem_shared>>)
    %barrier3A_194 = arith.constant 0 : index
    tpu.barrier barrier_id(%barrier3A_194)
    %mul3A_195 = arith.constant 640 : i32
    %mul3A_196 = arith.muli %arg1, %mul3A_195 : i32
    %mul3A_197 = arith.constant 10240 : i32
    %mul3A_198 = arith.muli %arg0, %mul3A_197 : i32
    %mul3A_199 = arith.constant 640 : i32
    %mul3A_200 = arith.muli %arg1, %mul3A_199 : i32
    %add3A_201 = arith.addi %mul3A_198, %mul3A_200 : i32
    "tpu.region"() ({
      %run_scoped3A = tpu.sem_alloc : memref<!tpu.dma_semaphore, #tpu.memory_space<semaphore_mem>>
      %dma_start3A_202 = arith.constant 0 : i32
      %dma_start3A_203 = tpu.memref_slice %arg5[%add3A_201, %dma_start3A_202] : memref<20480x64xf32, #tpu.memory_space<hbm>> -> memref<640x64xf32, #tpu.memory_space<hbm>>
      %dma_start3A_204 = arith.constant 0 : i32
      %dma_start3A_205 = tpu.memref_slice %arg12[%mul3A_196, %dma_start3A_204] : memref<10240x64xf32, #tpu.memory_space<vmem_shared>> -> memref<640x64xf32, #tpu.memory_space<vmem_shared>>
      tpu.enqueue_dma source(%dma_start3A_205 : memref<640x64xf32, #tpu.memory_space<vmem_shared>>) target(%dma_start3A_203 : memref<640x64xf32, #tpu.memory_space<hbm>>) target_semaphore(%run_scoped3A : memref<!tpu.dma_semaphore, #tpu.memory_space<semaphore_mem>>)
      %dma_wait3A_206 = arith.constant 0 : i32
      %dma_wait3A_207 = tpu.memref_slice %arg5[%add3A_201, %dma_wait3A_206] : memref<20480x64xf32, #tpu.memory_space<hbm>> -> memref<640x64xf32, #tpu.memory_space<hbm>>
      %dma_wait3A_208 = arith.constant 0 : i32
      %dma_wait3A_209 = tpu.memref_slice %arg12[%mul3A_196, %dma_wait3A_208] : memref<10240x64xf32, #tpu.memory_space<vmem_shared>> -> memref<640x64xf32, #tpu.memory_space<vmem_shared>>
      tpu.wait_dma2 semaphore(%run_scoped3A : memref<!tpu.dma_semaphore, #tpu.memory_space<semaphore_mem>>) src(%dma_wait3A_209 : memref<640x64xf32, #tpu.memory_space<vmem_shared>>) dst(%dma_wait3A_207 : memref<640x64xf32, #tpu.memory_space<hbm>>)
      tpu.yield
    }) : () -> ()
    return
  }
}

#map = affine_map<(d0, d1) -> (0, 0)>
#map1 = affine_map<(d0, d1) -> (0, 0, 0)>
module attributes {stable_mosaic.version = 14 : i64} {
  func.func @_sc_agg(%arg0: i32, %arg1: i32, %arg2: memref<10240x64xf32, #tpu.memory_space<hbm>>, %arg3: memref<32x80x128xi32, #tpu.memory_space<hbm>>, %arg4: memref<32x80x128xi32, #tpu.memory_space<hbm>>, %arg5: memref<20480x64xf32, #tpu.memory_space<hbm>>, %arg6: memref<80x128xi32, #tpu.memory_space<vmem>>, %arg7: memref<80x128xi32, #tpu.memory_space<vmem>>, %arg8: memref<128x64xf32, #tpu.memory_space<vmem>>, %arg9: memref<128x64xf32, #tpu.memory_space<vmem>>, %arg10: memref<128x64xf32, #tpu.memory_space<vmem>>, %arg11: memref<10240x64xf32, #tpu.memory_space<vmem_shared>>, %arg12: memref<10240x64xf32, #tpu.memory_space<vmem_shared>>, %arg13: memref<!tpu.dma_semaphore, #tpu.memory_space<semaphore_mem>>, %arg14: memref<!tpu.dma_semaphore, #tpu.memory_space<semaphore_mem>>, %arg15: memref<!tpu.dma_semaphore, #tpu.memory_space<semaphore_mem>>, %arg16: memref<!tpu.dma_semaphore, #tpu.memory_space<semaphore_mem>>) attributes {dimension_semantics = [#tpu.dimension_semantics<core_parallel>, #tpu.dimension_semantics<subcore_parallel>], iteration_bounds = array<i64: 2, 16>, scalar_prefetch = 0 : i64, scratch_operands = 11 : i64, tpu.core_type = #tpu.core_type<sc_vector_subcore>, window_params = [{transform_indices = #map}, {transform_indices = #map1}, {transform_indices = #map1}, {transform_indices = #map}]} {
    %mul3A = arith.constant 16 : i32
    %mul3A_0 = arith.muli %arg0, %mul3A : i32
    %add3A = arith.addi %mul3A_0, %arg1 : i32
    %dma_start3A = arith.constant 0 : i32
    %dma_start3A_1 = arith.constant 0 : i32
    %dma_start3A_2 = tpu.memref_slice %arg3[%add3A, %dma_start3A, %dma_start3A_1] : memref<32x80x128xi32, #tpu.memory_space<hbm>> -> memref<1x80x128xi32, #tpu.memory_space<hbm>>
    %dma_start3A_3 = tpu.memref_squeeze %dma_start3A_2 : memref<1x80x128xi32, #tpu.memory_space<hbm>> -> memref<80x128xi32, #tpu.memory_space<hbm>>
    %dma_start3A_4 = arith.constant 0 : i32
    %dma_start3A_5 = arith.constant 0 : i32
    %dma_start3A_6 = tpu.memref_slice %arg3[%add3A, %dma_start3A_4, %dma_start3A_5] : memref<32x80x128xi32, #tpu.memory_space<hbm>> -> memref<1x80x128xi32, #tpu.memory_space<hbm>>
    %dma_start3A_7 = tpu.memref_squeeze %dma_start3A_6 : memref<1x80x128xi32, #tpu.memory_space<hbm>> -> memref<80x128xi32, #tpu.memory_space<hbm>>
    tpu.enqueue_dma source(%dma_start3A_7 : memref<80x128xi32, #tpu.memory_space<hbm>>) target(%arg6 : memref<80x128xi32, #tpu.memory_space<vmem>>) target_semaphore(%arg13 : memref<!tpu.dma_semaphore, #tpu.memory_space<semaphore_mem>>)
    %dma_start3A_8 = arith.constant 0 : i32
    %dma_start3A_9 = arith.constant 0 : i32
    %dma_start3A_10 = tpu.memref_slice %arg4[%add3A, %dma_start3A_8, %dma_start3A_9] : memref<32x80x128xi32, #tpu.memory_space<hbm>> -> memref<1x80x128xi32, #tpu.memory_space<hbm>>
    %dma_start3A_11 = tpu.memref_squeeze %dma_start3A_10 : memref<1x80x128xi32, #tpu.memory_space<hbm>> -> memref<80x128xi32, #tpu.memory_space<hbm>>
    %dma_start3A_12 = arith.constant 0 : i32
    %dma_start3A_13 = arith.constant 0 : i32
    %dma_start3A_14 = tpu.memref_slice %arg4[%add3A, %dma_start3A_12, %dma_start3A_13] : memref<32x80x128xi32, #tpu.memory_space<hbm>> -> memref<1x80x128xi32, #tpu.memory_space<hbm>>
    %dma_start3A_15 = tpu.memref_squeeze %dma_start3A_14 : memref<1x80x128xi32, #tpu.memory_space<hbm>> -> memref<80x128xi32, #tpu.memory_space<hbm>>
    tpu.enqueue_dma source(%dma_start3A_15 : memref<80x128xi32, #tpu.memory_space<hbm>>) target(%arg7 : memref<80x128xi32, #tpu.memory_space<vmem>>) target_semaphore(%arg14 : memref<!tpu.dma_semaphore, #tpu.memory_space<semaphore_mem>>)
    %mul3A_16 = arith.constant 640 : i32
    %mul3A_17 = arith.muli %arg1, %mul3A_16 : i32
    %mul3A_18 = arith.constant 640 : i32
    %mul3A_19 = arith.muli %arg1, %mul3A_18 : i32
    %dma_start3A_20 = arith.constant 0 : i32
    %dma_start3A_21 = tpu.memref_slice %arg11[%mul3A_19, %dma_start3A_20] : memref<10240x64xf32, #tpu.memory_space<vmem_shared>> -> memref<640x64xf32, #tpu.memory_space<vmem_shared>>
    %dma_start3A_22 = arith.constant 0 : i32
    %dma_start3A_23 = tpu.memref_slice %arg2[%mul3A_17, %dma_start3A_22] : memref<10240x64xf32, #tpu.memory_space<hbm>> -> memref<640x64xf32, #tpu.memory_space<hbm>>
    tpu.enqueue_dma source(%dma_start3A_23 : memref<640x64xf32, #tpu.memory_space<hbm>>) target(%dma_start3A_21 : memref<640x64xf32, #tpu.memory_space<vmem_shared>>) target_semaphore(%arg15 : memref<!tpu.dma_semaphore, #tpu.memory_space<semaphore_mem>>)
    %scan3A = arith.constant 0 : i32
    %scan3A_24 = arith.constant 0 : i32
    %scan3A_25 = arith.constant 128 : i32
    %scan3A_26 = arith.addi %scan3A_24, %scan3A_25 : i32
    %scan3A_27 = arith.constant 1 : i32
    scf.for %scan3A_202 = %scan3A_24 to %scan3A_26 step %scan3A_27  : i32 {
      %broadcast_in_dim3A = arith.constant 0.000000e+00 : f32
      %broadcast_in_dim3A_203 = vector.broadcast %broadcast_in_dim3A : f32 to vector<16xf32>
      %swap3A = arith.index_cast %scan3A_202 : i32 to index
      %swap3A_204 = arith.constant 0 : index
      %swap3A_205 = tpu.vector_load %arg10[%swap3A, %swap3A_204] {strides = array<i32>} : memref<128x64xf32, #tpu.memory_space<vmem>>, vector<1x16xf32>,
      %swap3A_206 = vector.shape_cast %swap3A_205 : vector<1x16xf32> to vector<16xf32>
      %swap3A_207 = vector.shape_cast %broadcast_in_dim3A_203 : vector<16xf32> to vector<1x16xf32>
      tpu.vector_store %arg10[%swap3A, %swap3A_204], %swap3A_207 {strides = array<i32>} : memref<128x64xf32, #tpu.memory_space<vmem>>, vector<1x16xf32>,
      %broadcast_in_dim3A_208 = arith.constant 0.000000e+00 : f32
      %broadcast_in_dim3A_209 = vector.broadcast %broadcast_in_dim3A_208 : f32 to vector<16xf32>
      %swap3A_210 = arith.index_cast %scan3A_202 : i32 to index
      %swap3A_211 = arith.constant 16 : index
      %swap3A_212 = tpu.vector_load %arg10[%swap3A_210, %swap3A_211] {strides = array<i32>} : memref<128x64xf32, #tpu.memory_space<vmem>>, vector<1x16xf32>,
      %swap3A_213 = vector.shape_cast %swap3A_212 : vector<1x16xf32> to vector<16xf32>
      %swap3A_214 = vector.shape_cast %broadcast_in_dim3A_209 : vector<16xf32> to vector<1x16xf32>
      tpu.vector_store %arg10[%swap3A_210, %swap3A_211], %swap3A_214 {strides = array<i32>} : memref<128x64xf32, #tpu.memory_space<vmem>>, vector<1x16xf32>,
      %broadcast_in_dim3A_215 = arith.constant 0.000000e+00 : f32
      %broadcast_in_dim3A_216 = vector.broadcast %broadcast_in_dim3A_215 : f32 to vector<16xf32>
      %swap3A_217 = arith.index_cast %scan3A_202 : i32 to index
      %swap3A_218 = arith.constant 32 : index
      %swap3A_219 = tpu.vector_load %arg10[%swap3A_217, %swap3A_218] {strides = array<i32>} : memref<128x64xf32, #tpu.memory_space<vmem>>, vector<1x16xf32>,
      %swap3A_220 = vector.shape_cast %swap3A_219 : vector<1x16xf32> to vector<16xf32>
      %swap3A_221 = vector.shape_cast %broadcast_in_dim3A_216 : vector<16xf32> to vector<1x16xf32>
      tpu.vector_store %arg10[%swap3A_217, %swap3A_218], %swap3A_221 {strides = array<i32>} : memref<128x64xf32, #tpu.memory_space<vmem>>, vector<1x16xf32>,
      %broadcast_in_dim3A_222 = arith.constant 0.000000e+00 : f32
      %broadcast_in_dim3A_223 = vector.broadcast %broadcast_in_dim3A_222 : f32 to vector<16xf32>
      %swap3A_224 = arith.index_cast %scan3A_202 : i32 to index
      %swap3A_225 = arith.constant 48 : index
      %swap3A_226 = tpu.vector_load %arg10[%swap3A_224, %swap3A_225] {strides = array<i32>} : memref<128x64xf32, #tpu.memory_space<vmem>>, vector<1x16xf32>,
      %swap3A_227 = vector.shape_cast %swap3A_226 : vector<1x16xf32> to vector<16xf32>
      %swap3A_228 = vector.shape_cast %broadcast_in_dim3A_223 : vector<16xf32> to vector<1x16xf32>
      tpu.vector_store %arg10[%swap3A_224, %swap3A_225], %swap3A_228 {strides = array<i32>} : memref<128x64xf32, #tpu.memory_space<vmem>>, vector<1x16xf32>,
    }
    %scan3A_28 = arith.constant 128 : i32
    %mul3A_29 = arith.constant 640 : i32
    %mul3A_30 = arith.muli %arg1, %mul3A_29 : i32
    %add3A_31 = arith.constant 0 : i32
    %add3A_32 = arith.addi %mul3A_30, %add3A_31 : i32
    %dma_start3A_33 = arith.constant 0 : i32
    %dma_start3A_34 = tpu.memref_slice %arg12[%add3A_32, %dma_start3A_33] : memref<10240x64xf32, #tpu.memory_space<vmem_shared>> -> memref<128x64xf32, #tpu.memory_space<vmem_shared>>
    %dma_start3A_35 = arith.constant 0 : i32
    %dma_start3A_36 = tpu.memref_slice %arg12[%add3A_32, %dma_start3A_35] : memref<10240x64xf32, #tpu.memory_space<vmem_shared>> -> memref<128x64xf32, #tpu.memory_space<vmem_shared>>
    tpu.enqueue_dma source(%arg10 : memref<128x64xf32, #tpu.memory_space<vmem>>) target(%dma_start3A_36 : memref<128x64xf32, #tpu.memory_space<vmem_shared>>) target_semaphore(%arg16 : memref<!tpu.dma_semaphore, #tpu.memory_space<semaphore_mem>>)
    %mul3A_37 = arith.constant 640 : i32
    %mul3A_38 = arith.muli %arg1, %mul3A_37 : i32
    %add3A_39 = arith.constant 128 : i32
    %add3A_40 = arith.addi %mul3A_38, %add3A_39 : i32
    %dma_start3A_41 = arith.constant 0 : i32
    %dma_start3A_42 = tpu.memref_slice %arg12[%add3A_40, %dma_start3A_41] : memref<10240x64xf32, #tpu.memory_space<vmem_shared>> -> memref<128x64xf32, #tpu.memory_space<vmem_shared>>
    %dma_start3A_43 = arith.constant 0 : i32
    %dma_start3A_44 = tpu.memref_slice %arg12[%add3A_40, %dma_start3A_43] : memref<10240x64xf32, #tpu.memory_space<vmem_shared>> -> memref<128x64xf32, #tpu.memory_space<vmem_shared>>
    tpu.enqueue_dma source(%arg10 : memref<128x64xf32, #tpu.memory_space<vmem>>) target(%dma_start3A_44 : memref<128x64xf32, #tpu.memory_space<vmem_shared>>) target_semaphore(%arg16 : memref<!tpu.dma_semaphore, #tpu.memory_space<semaphore_mem>>)
    %mul3A_45 = arith.constant 640 : i32
    %mul3A_46 = arith.muli %arg1, %mul3A_45 : i32
    %add3A_47 = arith.constant 256 : i32
    %add3A_48 = arith.addi %mul3A_46, %add3A_47 : i32
    %dma_start3A_49 = arith.constant 0 : i32
    %dma_start3A_50 = tpu.memref_slice %arg12[%add3A_48, %dma_start3A_49] : memref<10240x64xf32, #tpu.memory_space<vmem_shared>> -> memref<128x64xf32, #tpu.memory_space<vmem_shared>>
    %dma_start3A_51 = arith.constant 0 : i32
    %dma_start3A_52 = tpu.memref_slice %arg12[%add3A_48, %dma_start3A_51] : memref<10240x64xf32, #tpu.memory_space<vmem_shared>> -> memref<128x64xf32, #tpu.memory_space<vmem_shared>>
    tpu.enqueue_dma source(%arg10 : memref<128x64xf32, #tpu.memory_space<vmem>>) target(%dma_start3A_52 : memref<128x64xf32, #tpu.memory_space<vmem_shared>>) target_semaphore(%arg16 : memref<!tpu.dma_semaphore, #tpu.memory_space<semaphore_mem>>)
    %mul3A_53 = arith.constant 640 : i32
    %mul3A_54 = arith.muli %arg1, %mul3A_53 : i32
    %add3A_55 = arith.constant 384 : i32
    %add3A_56 = arith.addi %mul3A_54, %add3A_55 : i32
    %dma_start3A_57 = arith.constant 0 : i32
    %dma_start3A_58 = tpu.memref_slice %arg12[%add3A_56, %dma_start3A_57] : memref<10240x64xf32, #tpu.memory_space<vmem_shared>> -> memref<128x64xf32, #tpu.memory_space<vmem_shared>>
    %dma_start3A_59 = arith.constant 0 : i32
    %dma_start3A_60 = tpu.memref_slice %arg12[%add3A_56, %dma_start3A_59] : memref<10240x64xf32, #tpu.memory_space<vmem_shared>> -> memref<128x64xf32, #tpu.memory_space<vmem_shared>>
    tpu.enqueue_dma source(%arg10 : memref<128x64xf32, #tpu.memory_space<vmem>>) target(%dma_start3A_60 : memref<128x64xf32, #tpu.memory_space<vmem_shared>>) target_semaphore(%arg16 : memref<!tpu.dma_semaphore, #tpu.memory_space<semaphore_mem>>)
    %mul3A_61 = arith.constant 640 : i32
    %mul3A_62 = arith.muli %arg1, %mul3A_61 : i32
    %add3A_63 = arith.constant 512 : i32
    %add3A_64 = arith.addi %mul3A_62, %add3A_63 : i32
    %dma_start3A_65 = arith.constant 0 : i32
    %dma_start3A_66 = tpu.memref_slice %arg12[%add3A_64, %dma_start3A_65] : memref<10240x64xf32, #tpu.memory_space<vmem_shared>> -> memref<128x64xf32, #tpu.memory_space<vmem_shared>>
    %dma_start3A_67 = arith.constant 0 : i32
    %dma_start3A_68 = tpu.memref_slice %arg12[%add3A_64, %dma_start3A_67] : memref<10240x64xf32, #tpu.memory_space<vmem_shared>> -> memref<128x64xf32, #tpu.memory_space<vmem_shared>>
    tpu.enqueue_dma source(%arg10 : memref<128x64xf32, #tpu.memory_space<vmem>>) target(%dma_start3A_68 : memref<128x64xf32, #tpu.memory_space<vmem_shared>>) target_semaphore(%arg16 : memref<!tpu.dma_semaphore, #tpu.memory_space<semaphore_mem>>)
    %dma_wait3A = arith.constant 0 : i32
    %dma_wait3A_69 = arith.constant 0 : i32
    %dma_wait3A_70 = tpu.memref_slice %arg3[%add3A, %dma_wait3A, %dma_wait3A_69] : memref<32x80x128xi32, #tpu.memory_space<hbm>> -> memref<1x80x128xi32, #tpu.memory_space<hbm>>
    %dma_wait3A_71 = tpu.memref_squeeze %dma_wait3A_70 : memref<1x80x128xi32, #tpu.memory_space<hbm>> -> memref<80x128xi32, #tpu.memory_space<hbm>>
    %dma_wait3A_72 = arith.constant 0 : i32
    %dma_wait3A_73 = arith.constant 0 : i32
    %dma_wait3A_74 = tpu.memref_slice %arg3[%add3A, %dma_wait3A_72, %dma_wait3A_73] : memref<32x80x128xi32, #tpu.memory_space<hbm>> -> memref<1x80x128xi32, #tpu.memory_space<hbm>>
    %dma_wait3A_75 = tpu.memref_squeeze %dma_wait3A_74 : memref<1x80x128xi32, #tpu.memory_space<hbm>> -> memref<80x128xi32, #tpu.memory_space<hbm>>
    tpu.wait_dma2 semaphore(%arg13 : memref<!tpu.dma_semaphore, #tpu.memory_space<semaphore_mem>>) src(%dma_wait3A_75 : memref<80x128xi32, #tpu.memory_space<hbm>>) dst(%arg6 : memref<80x128xi32, #tpu.memory_space<vmem>>)
    %dma_wait3A_76 = arith.constant 0 : i32
    %dma_wait3A_77 = arith.constant 0 : i32
    %dma_wait3A_78 = tpu.memref_slice %arg4[%add3A, %dma_wait3A_76, %dma_wait3A_77] : memref<32x80x128xi32, #tpu.memory_space<hbm>> -> memref<1x80x128xi32, #tpu.memory_space<hbm>>
    %dma_wait3A_79 = tpu.memref_squeeze %dma_wait3A_78 : memref<1x80x128xi32, #tpu.memory_space<hbm>> -> memref<80x128xi32, #tpu.memory_space<hbm>>
    %dma_wait3A_80 = arith.constant 0 : i32
    %dma_wait3A_81 = arith.constant 0 : i32
    %dma_wait3A_82 = tpu.memref_slice %arg4[%add3A, %dma_wait3A_80, %dma_wait3A_81] : memref<32x80x128xi32, #tpu.memory_space<hbm>> -> memref<1x80x128xi32, #tpu.memory_space<hbm>>
    %dma_wait3A_83 = tpu.memref_squeeze %dma_wait3A_82 : memref<1x80x128xi32, #tpu.memory_space<hbm>> -> memref<80x128xi32, #tpu.memory_space<hbm>>
    tpu.wait_dma2 semaphore(%arg14 : memref<!tpu.dma_semaphore, #tpu.memory_space<semaphore_mem>>) src(%dma_wait3A_83 : memref<80x128xi32, #tpu.memory_space<hbm>>) dst(%arg7 : memref<80x128xi32, #tpu.memory_space<vmem>>)
    %mul3A_84 = arith.constant 640 : i32
    %mul3A_85 = arith.muli %arg1, %mul3A_84 : i32
    %mul3A_86 = arith.constant 640 : i32
    %mul3A_87 = arith.muli %arg1, %mul3A_86 : i32
    %dma_wait3A_88 = arith.constant 0 : i32
    %dma_wait3A_89 = tpu.memref_slice %arg11[%mul3A_87, %dma_wait3A_88] : memref<10240x64xf32, #tpu.memory_space<vmem_shared>> -> memref<640x64xf32, #tpu.memory_space<vmem_shared>>
    %dma_wait3A_90 = arith.constant 0 : i32
    %dma_wait3A_91 = tpu.memref_slice %arg2[%mul3A_85, %dma_wait3A_90] : memref<10240x64xf32, #tpu.memory_space<hbm>> -> memref<640x64xf32, #tpu.memory_space<hbm>>
    tpu.wait_dma2 semaphore(%arg15 : memref<!tpu.dma_semaphore, #tpu.memory_space<semaphore_mem>>) src(%dma_wait3A_91 : memref<640x64xf32, #tpu.memory_space<hbm>>) dst(%dma_wait3A_89 : memref<640x64xf32, #tpu.memory_space<vmem_shared>>)
    %mul3A_92 = arith.constant 640 : i32
    %mul3A_93 = arith.muli %arg1, %mul3A_92 : i32
    %add3A_94 = arith.constant 0 : i32
    %add3A_95 = arith.addi %mul3A_93, %add3A_94 : i32
    %dma_wait3A_96 = arith.constant 0 : i32
    %dma_wait3A_97 = tpu.memref_slice %arg12[%add3A_95, %dma_wait3A_96] : memref<10240x64xf32, #tpu.memory_space<vmem_shared>> -> memref<128x64xf32, #tpu.memory_space<vmem_shared>>
    %dma_wait3A_98 = arith.constant 0 : i32
    %dma_wait3A_99 = tpu.memref_slice %arg12[%add3A_95, %dma_wait3A_98] : memref<10240x64xf32, #tpu.memory_space<vmem_shared>> -> memref<128x64xf32, #tpu.memory_space<vmem_shared>>
    tpu.wait_dma2 semaphore(%arg16 : memref<!tpu.dma_semaphore, #tpu.memory_space<semaphore_mem>>) src(%arg10 : memref<128x64xf32, #tpu.memory_space<vmem>>) dst(%dma_wait3A_99 : memref<128x64xf32, #tpu.memory_space<vmem_shared>>)
    %mul3A_100 = arith.constant 640 : i32
    %mul3A_101 = arith.muli %arg1, %mul3A_100 : i32
    %add3A_102 = arith.constant 128 : i32
    %add3A_103 = arith.addi %mul3A_101, %add3A_102 : i32
    %dma_wait3A_104 = arith.constant 0 : i32
    %dma_wait3A_105 = tpu.memref_slice %arg12[%add3A_103, %dma_wait3A_104] : memref<10240x64xf32, #tpu.memory_space<vmem_shared>> -> memref<128x64xf32, #tpu.memory_space<vmem_shared>>
    %dma_wait3A_106 = arith.constant 0 : i32
    %dma_wait3A_107 = tpu.memref_slice %arg12[%add3A_103, %dma_wait3A_106] : memref<10240x64xf32, #tpu.memory_space<vmem_shared>> -> memref<128x64xf32, #tpu.memory_space<vmem_shared>>
    tpu.wait_dma2 semaphore(%arg16 : memref<!tpu.dma_semaphore, #tpu.memory_space<semaphore_mem>>) src(%arg10 : memref<128x64xf32, #tpu.memory_space<vmem>>) dst(%dma_wait3A_107 : memref<128x64xf32, #tpu.memory_space<vmem_shared>>)
    %mul3A_108 = arith.constant 640 : i32
    %mul3A_109 = arith.muli %arg1, %mul3A_108 : i32
    %add3A_110 = arith.constant 256 : i32
    %add3A_111 = arith.addi %mul3A_109, %add3A_110 : i32
    %dma_wait3A_112 = arith.constant 0 : i32
    %dma_wait3A_113 = tpu.memref_slice %arg12[%add3A_111, %dma_wait3A_112] : memref<10240x64xf32, #tpu.memory_space<vmem_shared>> -> memref<128x64xf32, #tpu.memory_space<vmem_shared>>
    %dma_wait3A_114 = arith.constant 0 : i32
    %dma_wait3A_115 = tpu.memref_slice %arg12[%add3A_111, %dma_wait3A_114] : memref<10240x64xf32, #tpu.memory_space<vmem_shared>> -> memref<128x64xf32, #tpu.memory_space<vmem_shared>>
    tpu.wait_dma2 semaphore(%arg16 : memref<!tpu.dma_semaphore, #tpu.memory_space<semaphore_mem>>) src(%arg10 : memref<128x64xf32, #tpu.memory_space<vmem>>) dst(%dma_wait3A_115 : memref<128x64xf32, #tpu.memory_space<vmem_shared>>)
    %mul3A_116 = arith.constant 640 : i32
    %mul3A_117 = arith.muli %arg1, %mul3A_116 : i32
    %add3A_118 = arith.constant 384 : i32
    %add3A_119 = arith.addi %mul3A_117, %add3A_118 : i32
    %dma_wait3A_120 = arith.constant 0 : i32
    %dma_wait3A_121 = tpu.memref_slice %arg12[%add3A_119, %dma_wait3A_120] : memref<10240x64xf32, #tpu.memory_space<vmem_shared>> -> memref<128x64xf32, #tpu.memory_space<vmem_shared>>
    %dma_wait3A_122 = arith.constant 0 : i32
    %dma_wait3A_123 = tpu.memref_slice %arg12[%add3A_119, %dma_wait3A_122] : memref<10240x64xf32, #tpu.memory_space<vmem_shared>> -> memref<128x64xf32, #tpu.memory_space<vmem_shared>>
    tpu.wait_dma2 semaphore(%arg16 : memref<!tpu.dma_semaphore, #tpu.memory_space<semaphore_mem>>) src(%arg10 : memref<128x64xf32, #tpu.memory_space<vmem>>) dst(%dma_wait3A_123 : memref<128x64xf32, #tpu.memory_space<vmem_shared>>)
    %mul3A_124 = arith.constant 640 : i32
    %mul3A_125 = arith.muli %arg1, %mul3A_124 : i32
    %add3A_126 = arith.constant 512 : i32
    %add3A_127 = arith.addi %mul3A_125, %add3A_126 : i32
    %dma_wait3A_128 = arith.constant 0 : i32
    %dma_wait3A_129 = tpu.memref_slice %arg12[%add3A_127, %dma_wait3A_128] : memref<10240x64xf32, #tpu.memory_space<vmem_shared>> -> memref<128x64xf32, #tpu.memory_space<vmem_shared>>
    %dma_wait3A_130 = arith.constant 0 : i32
    %dma_wait3A_131 = tpu.memref_slice %arg12[%add3A_127, %dma_wait3A_130] : memref<10240x64xf32, #tpu.memory_space<vmem_shared>> -> memref<128x64xf32, #tpu.memory_space<vmem_shared>>
    tpu.wait_dma2 semaphore(%arg16 : memref<!tpu.dma_semaphore, #tpu.memory_space<semaphore_mem>>) src(%arg10 : memref<128x64xf32, #tpu.memory_space<vmem>>) dst(%dma_wait3A_131 : memref<128x64xf32, #tpu.memory_space<vmem_shared>>)
    %barrier3A = arith.constant 0 : index
    tpu.barrier barrier_id(%barrier3A)
    %dma_start3A_132 = arith.constant 0 : i32
    %dma_start3A_133 = arith.constant 0 : i32
    %dma_start3A_134 = tpu.memref_slice %arg6[%dma_start3A_132, %dma_start3A_133] : memref<80x128xi32, #tpu.memory_space<vmem>> -> memref<1x128xi32, #tpu.memory_space<vmem>>
    %dma_start3A_135 = tpu.memref_squeeze %dma_start3A_134 : memref<1x128xi32, #tpu.memory_space<vmem>> -> memref<128xi32, #tpu.memory_space<vmem>>
    %dma_start3A_136 = arith.constant 0 : i32
    %dma_start3A_137 = arith.constant 0 : i32
    %dma_start3A_138 = tpu.memref_slice %arg11[%dma_start3A_136, %dma_start3A_137] : memref<10240x64xf32, #tpu.memory_space<vmem_shared>> -> memref<10240x64xf32, #tpu.memory_space<vmem_shared>>
    tpu.enqueue_indirect_dma source(%dma_start3A_138 : memref<10240x64xf32, #tpu.memory_space<vmem_shared>>) target(%arg8 : memref<128x64xf32, #tpu.memory_space<vmem>>) offsets(%dma_start3A_135 : memref<128xi32, #tpu.memory_space<vmem>>) semaphore(%arg13 : memref<!tpu.dma_semaphore, #tpu.memory_space<semaphore_mem>>)
    %dma_wait3A_139 = arith.constant 0 : i32
    %dma_wait3A_140 = arith.constant 0 : i32
    %dma_wait3A_141 = tpu.memref_slice %arg6[%dma_wait3A_139, %dma_wait3A_140] : memref<80x128xi32, #tpu.memory_space<vmem>> -> memref<1x128xi32, #tpu.memory_space<vmem>>
    %dma_wait3A_142 = tpu.memref_squeeze %dma_wait3A_141 : memref<1x128xi32, #tpu.memory_space<vmem>> -> memref<128xi32, #tpu.memory_space<vmem>>
    %dma_wait3A_143 = arith.constant 0 : i32
    %dma_wait3A_144 = arith.constant 0 : i32
    %dma_wait3A_145 = tpu.memref_slice %arg11[%dma_wait3A_143, %dma_wait3A_144] : memref<10240x64xf32, #tpu.memory_space<vmem_shared>> -> memref<10240x64xf32, #tpu.memory_space<vmem_shared>>
    tpu.wait_indirect_dma semaphore(%arg13 : memref<!tpu.dma_semaphore, #tpu.memory_space<semaphore_mem>>) src(%dma_wait3A_145 : memref<10240x64xf32, #tpu.memory_space<vmem_shared>>) dst(%arg8 : memref<128x64xf32, #tpu.memory_space<vmem>>)
    %dma_start3A_146 = arith.constant 0 : i32
    %dma_start3A_147 = arith.constant 0 : i32
    %dma_start3A_148 = tpu.memref_slice %arg7[%dma_start3A_146, %dma_start3A_147] : memref<80x128xi32, #tpu.memory_space<vmem>> -> memref<1x128xi32, #tpu.memory_space<vmem>>
    %dma_start3A_149 = tpu.memref_squeeze %dma_start3A_148 : memref<1x128xi32, #tpu.memory_space<vmem>> -> memref<128xi32, #tpu.memory_space<vmem>>
    %dma_start3A_150 = arith.constant 0 : i32
    %dma_start3A_151 = arith.constant 0 : i32
    %dma_start3A_152 = tpu.memref_slice %arg12[%dma_start3A_150, %dma_start3A_151] : memref<10240x64xf32, #tpu.memory_space<vmem_shared>> -> memref<10240x64xf32, #tpu.memory_space<vmem_shared>>
    tpu.enqueue_indirect_dma source(%arg8 : memref<128x64xf32, #tpu.memory_space<vmem>>) target(%dma_start3A_152 : memref<10240x64xf32, #tpu.memory_space<vmem_shared>>) offsets(%dma_start3A_149 : memref<128xi32, #tpu.memory_space<vmem>>) semaphore(%arg15 : memref<!tpu.dma_semaphore, #tpu.memory_space<semaphore_mem>>) {add = true}
    %dma_start3A_153 = arith.constant 1 : i32
    %dma_start3A_154 = arith.constant 0 : i32
    %dma_start3A_155 = tpu.memref_slice %arg6[%dma_start3A_153, %dma_start3A_154] : memref<80x128xi32, #tpu.memory_space<vmem>> -> memref<1x128xi32, #tpu.memory_space<vmem>>
    %dma_start3A_156 = tpu.memref_squeeze %dma_start3A_155 : memref<1x128xi32, #tpu.memory_space<vmem>> -> memref<128xi32, #tpu.memory_space<vmem>>
    %dma_start3A_157 = arith.constant 0 : i32
    %dma_start3A_158 = arith.constant 0 : i32
    %dma_start3A_159 = tpu.memref_slice %arg11[%dma_start3A_157, %dma_start3A_158] : memref<10240x64xf32, #tpu.memory_space<vmem_shared>> -> memref<10240x64xf32, #tpu.memory_space<vmem_shared>>
    tpu.enqueue_indirect_dma source(%dma_start3A_159 : memref<10240x64xf32, #tpu.memory_space<vmem_shared>>) target(%arg9 : memref<128x64xf32, #tpu.memory_space<vmem>>) offsets(%dma_start3A_156 : memref<128xi32, #tpu.memory_space<vmem>>) semaphore(%arg14 : memref<!tpu.dma_semaphore, #tpu.memory_space<semaphore_mem>>)
    %scan3A_160 = arith.constant 0 : i32
    %scan3A_161 = arith.constant 0 : i32
    %scan3A_162 = arith.constant 39 : i32
    %scan3A_163 = arith.addi %scan3A_161, %scan3A_162 : i32
    %scan3A_164 = arith.constant 1 : i32
    scf.for %scan3A_202 = %scan3A_161 to %scan3A_163 step %scan3A_164  : i32 {
      %mul3A_203 = arith.constant 2 : i32
      %mul3A_204 = arith.muli %mul3A_203, %scan3A_202 : i32
      %add3A_205 = arith.constant 1 : i32
      %add3A_206 = arith.addi %mul3A_204, %add3A_205 : i32
      %add3A_207 = arith.constant 0 : i32
      %add3A_208 = arith.addi %add3A_206, %add3A_207 : i32
      %dma_wait3A_209 = arith.constant 0 : i32
      %dma_wait3A_210 = tpu.memref_slice %arg6[%add3A_208, %dma_wait3A_209] : memref<80x128xi32, #tpu.memory_space<vmem>> -> memref<1x128xi32, #tpu.memory_space<vmem>>
      %dma_wait3A_211 = tpu.memref_squeeze %dma_wait3A_210 : memref<1x128xi32, #tpu.memory_space<vmem>> -> memref<128xi32, #tpu.memory_space<vmem>>
      %dma_wait3A_212 = arith.constant 0 : i32
      %dma_wait3A_213 = arith.constant 0 : i32
      %dma_wait3A_214 = tpu.memref_slice %arg11[%dma_wait3A_212, %dma_wait3A_213] : memref<10240x64xf32, #tpu.memory_space<vmem_shared>> -> memref<10240x64xf32, #tpu.memory_space<vmem_shared>>
      tpu.wait_indirect_dma semaphore(%arg14 : memref<!tpu.dma_semaphore, #tpu.memory_space<semaphore_mem>>) src(%dma_wait3A_214 : memref<10240x64xf32, #tpu.memory_space<vmem_shared>>) dst(%arg9 : memref<128x64xf32, #tpu.memory_space<vmem>>)
      %dma_start3A_215 = arith.constant 0 : i32
      %dma_start3A_216 = tpu.memref_slice %arg7[%add3A_208, %dma_start3A_215] : memref<80x128xi32, #tpu.memory_space<vmem>> -> memref<1x128xi32, #tpu.memory_space<vmem>>
      %dma_start3A_217 = tpu.memref_squeeze %dma_start3A_216 : memref<1x128xi32, #tpu.memory_space<vmem>> -> memref<128xi32, #tpu.memory_space<vmem>>
      %dma_start3A_218 = arith.constant 0 : i32
      %dma_start3A_219 = arith.constant 0 : i32
      %dma_start3A_220 = tpu.memref_slice %arg12[%dma_start3A_218, %dma_start3A_219] : memref<10240x64xf32, #tpu.memory_space<vmem_shared>> -> memref<10240x64xf32, #tpu.memory_space<vmem_shared>>
      tpu.enqueue_indirect_dma source(%arg9 : memref<128x64xf32, #tpu.memory_space<vmem>>) target(%dma_start3A_220 : memref<10240x64xf32, #tpu.memory_space<vmem_shared>>) offsets(%dma_start3A_217 : memref<128xi32, #tpu.memory_space<vmem>>) semaphore(%arg16 : memref<!tpu.dma_semaphore, #tpu.memory_space<semaphore_mem>>) {add = true}
      %sub3A = arith.constant 1 : i32
      %sub3A_221 = arith.subi %add3A_208, %sub3A : i32
      %dma_wait3A_222 = arith.constant 0 : i32
      %dma_wait3A_223 = tpu.memref_slice %arg7[%sub3A_221, %dma_wait3A_222] : memref<80x128xi32, #tpu.memory_space<vmem>> -> memref<1x128xi32, #tpu.memory_space<vmem>>
      %dma_wait3A_224 = tpu.memref_squeeze %dma_wait3A_223 : memref<1x128xi32, #tpu.memory_space<vmem>> -> memref<128xi32, #tpu.memory_space<vmem>>
      %dma_wait3A_225 = arith.constant 0 : i32
      %dma_wait3A_226 = arith.constant 0 : i32
      %dma_wait3A_227 = tpu.memref_slice %arg12[%dma_wait3A_225, %dma_wait3A_226] : memref<10240x64xf32, #tpu.memory_space<vmem_shared>> -> memref<10240x64xf32, #tpu.memory_space<vmem_shared>>
      tpu.wait_indirect_dma semaphore(%arg15 : memref<!tpu.dma_semaphore, #tpu.memory_space<semaphore_mem>>) src(%arg8 : memref<128x64xf32, #tpu.memory_space<vmem>>) dst(%dma_wait3A_227 : memref<10240x64xf32, #tpu.memory_space<vmem_shared>>)
      %add3A_228 = arith.constant 1 : i32
      %add3A_229 = arith.addi %add3A_208, %add3A_228 : i32
      %dma_start3A_230 = arith.constant 0 : i32
      %dma_start3A_231 = tpu.memref_slice %arg6[%add3A_229, %dma_start3A_230] : memref<80x128xi32, #tpu.memory_space<vmem>> -> memref<1x128xi32, #tpu.memory_space<vmem>>
      %dma_start3A_232 = tpu.memref_squeeze %dma_start3A_231 : memref<1x128xi32, #tpu.memory_space<vmem>> -> memref<128xi32, #tpu.memory_space<vmem>>
      %dma_start3A_233 = arith.constant 0 : i32
      %dma_start3A_234 = arith.constant 0 : i32
      %dma_start3A_235 = tpu.memref_slice %arg11[%dma_start3A_233, %dma_start3A_234] : memref<10240x64xf32, #tpu.memory_space<vmem_shared>> -> memref<10240x64xf32, #tpu.memory_space<vmem_shared>>
      tpu.enqueue_indirect_dma source(%dma_start3A_235 : memref<10240x64xf32, #tpu.memory_space<vmem_shared>>) target(%arg8 : memref<128x64xf32, #tpu.memory_space<vmem>>) offsets(%dma_start3A_232 : memref<128xi32, #tpu.memory_space<vmem>>) semaphore(%arg13 : memref<!tpu.dma_semaphore, #tpu.memory_space<semaphore_mem>>)
      %mul3A_236 = arith.constant 2 : i32
      %mul3A_237 = arith.muli %mul3A_236, %scan3A_202 : i32
      %add3A_238 = arith.constant 1 : i32
      %add3A_239 = arith.addi %mul3A_237, %add3A_238 : i32
      %add3A_240 = arith.constant 1 : i32
      %add3A_241 = arith.addi %add3A_239, %add3A_240 : i32
      %dma_wait3A_242 = arith.constant 0 : i32
      %dma_wait3A_243 = tpu.memref_slice %arg6[%add3A_241, %dma_wait3A_242] : memref<80x128xi32, #tpu.memory_space<vmem>> -> memref<1x128xi32, #tpu.memory_space<vmem>>
      %dma_wait3A_244 = tpu.memref_squeeze %dma_wait3A_243 : memref<1x128xi32, #tpu.memory_space<vmem>> -> memref<128xi32, #tpu.memory_space<vmem>>
      %dma_wait3A_245 = arith.constant 0 : i32
      %dma_wait3A_246 = arith.constant 0 : i32
      %dma_wait3A_247 = tpu.memref_slice %arg11[%dma_wait3A_245, %dma_wait3A_246] : memref<10240x64xf32, #tpu.memory_space<vmem_shared>> -> memref<10240x64xf32, #tpu.memory_space<vmem_shared>>
      tpu.wait_indirect_dma semaphore(%arg13 : memref<!tpu.dma_semaphore, #tpu.memory_space<semaphore_mem>>) src(%dma_wait3A_247 : memref<10240x64xf32, #tpu.memory_space<vmem_shared>>) dst(%arg8 : memref<128x64xf32, #tpu.memory_space<vmem>>)
      %dma_start3A_248 = arith.constant 0 : i32
      %dma_start3A_249 = tpu.memref_slice %arg7[%add3A_241, %dma_start3A_248] : memref<80x128xi32, #tpu.memory_space<vmem>> -> memref<1x128xi32, #tpu.memory_space<vmem>>
      %dma_start3A_250 = tpu.memref_squeeze %dma_start3A_249 : memref<1x128xi32, #tpu.memory_space<vmem>> -> memref<128xi32, #tpu.memory_space<vmem>>
      %dma_start3A_251 = arith.constant 0 : i32
      %dma_start3A_252 = arith.constant 0 : i32
      %dma_start3A_253 = tpu.memref_slice %arg12[%dma_start3A_251, %dma_start3A_252] : memref<10240x64xf32, #tpu.memory_space<vmem_shared>> -> memref<10240x64xf32, #tpu.memory_space<vmem_shared>>
      tpu.enqueue_indirect_dma source(%arg8 : memref<128x64xf32, #tpu.memory_space<vmem>>) target(%dma_start3A_253 : memref<10240x64xf32, #tpu.memory_space<vmem_shared>>) offsets(%dma_start3A_250 : memref<128xi32, #tpu.memory_space<vmem>>) semaphore(%arg15 : memref<!tpu.dma_semaphore, #tpu.memory_space<semaphore_mem>>) {add = true}
      %sub3A_254 = arith.constant 1 : i32
      %sub3A_255 = arith.subi %add3A_241, %sub3A_254 : i32
      %dma_wait3A_256 = arith.constant 0 : i32
      %dma_wait3A_257 = tpu.memref_slice %arg7[%sub3A_255, %dma_wait3A_256] : memref<80x128xi32, #tpu.memory_space<vmem>> -> memref<1x128xi32, #tpu.memory_space<vmem>>
      %dma_wait3A_258 = tpu.memref_squeeze %dma_wait3A_257 : memref<1x128xi32, #tpu.memory_space<vmem>> -> memref<128xi32, #tpu.memory_space<vmem>>
      %dma_wait3A_259 = arith.constant 0 : i32
      %dma_wait3A_260 = arith.constant 0 : i32
      %dma_wait3A_261 = tpu.memref_slice %arg12[%dma_wait3A_259, %dma_wait3A_260] : memref<10240x64xf32, #tpu.memory_space<vmem_shared>> -> memref<10240x64xf32, #tpu.memory_space<vmem_shared>>
      tpu.wait_indirect_dma semaphore(%arg16 : memref<!tpu.dma_semaphore, #tpu.memory_space<semaphore_mem>>) src(%arg9 : memref<128x64xf32, #tpu.memory_space<vmem>>) dst(%dma_wait3A_261 : memref<10240x64xf32, #tpu.memory_space<vmem_shared>>)
      %add3A_262 = arith.constant 1 : i32
      %add3A_263 = arith.addi %add3A_241, %add3A_262 : i32
      %dma_start3A_264 = arith.constant 0 : i32
      %dma_start3A_265 = tpu.memref_slice %arg6[%add3A_263, %dma_start3A_264] : memref<80x128xi32, #tpu.memory_space<vmem>> -> memref<1x128xi32, #tpu.memory_space<vmem>>
      %dma_start3A_266 = tpu.memref_squeeze %dma_start3A_265 : memref<1x128xi32, #tpu.memory_space<vmem>> -> memref<128xi32, #tpu.memory_space<vmem>>
      %dma_start3A_267 = arith.constant 0 : i32
      %dma_start3A_268 = arith.constant 0 : i32
      %dma_start3A_269 = tpu.memref_slice %arg11[%dma_start3A_267, %dma_start3A_268] : memref<10240x64xf32, #tpu.memory_space<vmem_shared>> -> memref<10240x64xf32, #tpu.memory_space<vmem_shared>>
      tpu.enqueue_indirect_dma source(%dma_start3A_269 : memref<10240x64xf32, #tpu.memory_space<vmem_shared>>) target(%arg9 : memref<128x64xf32, #tpu.memory_space<vmem>>) offsets(%dma_start3A_266 : memref<128xi32, #tpu.memory_space<vmem>>) semaphore(%arg14 : memref<!tpu.dma_semaphore, #tpu.memory_space<semaphore_mem>>)
    }
    %scan3A_165 = arith.constant 39 : i32
    %dma_wait3A_166 = arith.constant 79 : i32
    %dma_wait3A_167 = arith.constant 0 : i32
    %dma_wait3A_168 = tpu.memref_slice %arg6[%dma_wait3A_166, %dma_wait3A_167] : memref<80x128xi32, #tpu.memory_space<vmem>> -> memref<1x128xi32, #tpu.memory_space<vmem>>
    %dma_wait3A_169 = tpu.memref_squeeze %dma_wait3A_168 : memref<1x128xi32, #tpu.memory_space<vmem>> -> memref<128xi32, #tpu.memory_space<vmem>>
    %dma_wait3A_170 = arith.constant 0 : i32
    %dma_wait3A_171 = arith.constant 0 : i32
    %dma_wait3A_172 = tpu.memref_slice %arg11[%dma_wait3A_170, %dma_wait3A_171] : memref<10240x64xf32, #tpu.memory_space<vmem_shared>> -> memref<10240x64xf32, #tpu.memory_space<vmem_shared>>
    tpu.wait_indirect_dma semaphore(%arg14 : memref<!tpu.dma_semaphore, #tpu.memory_space<semaphore_mem>>) src(%dma_wait3A_172 : memref<10240x64xf32, #tpu.memory_space<vmem_shared>>) dst(%arg9 : memref<128x64xf32, #tpu.memory_space<vmem>>)
    %dma_start3A_173 = arith.constant 79 : i32
    %dma_start3A_174 = arith.constant 0 : i32
    %dma_start3A_175 = tpu.memref_slice %arg7[%dma_start3A_173, %dma_start3A_174] : memref<80x128xi32, #tpu.memory_space<vmem>> -> memref<1x128xi32, #tpu.memory_space<vmem>>
    %dma_start3A_176 = tpu.memref_squeeze %dma_start3A_175 : memref<1x128xi32, #tpu.memory_space<vmem>> -> memref<128xi32, #tpu.memory_space<vmem>>
    %dma_start3A_177 = arith.constant 0 : i32
    %dma_start3A_178 = arith.constant 0 : i32
    %dma_start3A_179 = tpu.memref_slice %arg12[%dma_start3A_177, %dma_start3A_178] : memref<10240x64xf32, #tpu.memory_space<vmem_shared>> -> memref<10240x64xf32, #tpu.memory_space<vmem_shared>>
    tpu.enqueue_indirect_dma source(%arg9 : memref<128x64xf32, #tpu.memory_space<vmem>>) target(%dma_start3A_179 : memref<10240x64xf32, #tpu.memory_space<vmem_shared>>) offsets(%dma_start3A_176 : memref<128xi32, #tpu.memory_space<vmem>>) semaphore(%arg16 : memref<!tpu.dma_semaphore, #tpu.memory_space<semaphore_mem>>) {add = true}
    %dma_wait3A_180 = arith.constant 78 : i32
    %dma_wait3A_181 = arith.constant 0 : i32
    %dma_wait3A_182 = tpu.memref_slice %arg7[%dma_wait3A_180, %dma_wait3A_181] : memref<80x128xi32, #tpu.memory_space<vmem>> -> memref<1x128xi32, #tpu.memory_space<vmem>>
    %dma_wait3A_183 = tpu.memref_squeeze %dma_wait3A_182 : memref<1x128xi32, #tpu.memory_space<vmem>> -> memref<128xi32, #tpu.memory_space<vmem>>
    %dma_wait3A_184 = arith.constant 0 : i32
    %dma_wait3A_185 = arith.constant 0 : i32
    %dma_wait3A_186 = tpu.memref_slice %arg12[%dma_wait3A_184, %dma_wait3A_185] : memref<10240x64xf32, #tpu.memory_space<vmem_shared>> -> memref<10240x64xf32, #tpu.memory_space<vmem_shared>>
    tpu.wait_indirect_dma semaphore(%arg15 : memref<!tpu.dma_semaphore, #tpu.memory_space<semaphore_mem>>) src(%arg8 : memref<128x64xf32, #tpu.memory_space<vmem>>) dst(%dma_wait3A_186 : memref<10240x64xf32, #tpu.memory_space<vmem_shared>>)
    %dma_wait3A_187 = arith.constant 79 : i32
    %dma_wait3A_188 = arith.constant 0 : i32
    %dma_wait3A_189 = tpu.memref_slice %arg7[%dma_wait3A_187, %dma_wait3A_188] : memref<80x128xi32, #tpu.memory_space<vmem>> -> memref<1x128xi32, #tpu.memory_space<vmem>>
    %dma_wait3A_190 = tpu.memref_squeeze %dma_wait3A_189 : memref<1x128xi32, #tpu.memory_space<vmem>> -> memref<128xi32, #tpu.memory_space<vmem>>
    %dma_wait3A_191 = arith.constant 0 : i32
    %dma_wait3A_192 = arith.constant 0 : i32
    %dma_wait3A_193 = tpu.memref_slice %arg12[%dma_wait3A_191, %dma_wait3A_192] : memref<10240x64xf32, #tpu.memory_space<vmem_shared>> -> memref<10240x64xf32, #tpu.memory_space<vmem_shared>>
    tpu.wait_indirect_dma semaphore(%arg16 : memref<!tpu.dma_semaphore, #tpu.memory_space<semaphore_mem>>) src(%arg9 : memref<128x64xf32, #tpu.memory_space<vmem>>) dst(%dma_wait3A_193 : memref<10240x64xf32, #tpu.memory_space<vmem_shared>>)
    %barrier3A_194 = arith.constant 0 : index
    tpu.barrier barrier_id(%barrier3A_194)
    %mul3A_195 = arith.constant 640 : i32
    %mul3A_196 = arith.muli %arg1, %mul3A_195 : i32
    %mul3A_197 = arith.constant 10240 : i32
    %mul3A_198 = arith.muli %arg0, %mul3A_197 : i32
    %mul3A_199 = arith.constant 640 : i32
    %mul3A_200 = arith.muli %arg1, %mul3A_199 : i32
    %add3A_201 = arith.addi %mul3A_198, %mul3A_200 : i32
    "tpu.region"() ({
      %run_scoped3A = tpu.sem_alloc : memref<!tpu.dma_semaphore, #tpu.memory_space<semaphore_mem>>
      %dma_start3A_202 = arith.constant 0 : i32
      %dma_start3A_203 = tpu.memref_slice %arg5[%add3A_201, %dma_start3A_202] : memref<20480x64xf32, #tpu.memory_space<hbm>> -> memref<640x64xf32, #tpu.memory_space<hbm>>
      %dma_start3A_204 = arith.constant 0 : i32
      %dma_start3A_205 = tpu.memref_slice %arg12[%mul3A_196, %dma_start3A_204] : memref<10240x64xf32, #tpu.memory_space<vmem_shared>> -> memref<640x64xf32, #tpu.memory_space<vmem_shared>>
      tpu.enqueue_dma source(%dma_start3A_205 : memref<640x64xf32, #tpu.memory_space<vmem_shared>>) target(%dma_start3A_203 : memref<640x64xf32, #tpu.memory_space<hbm>>) target_semaphore(%run_scoped3A : memref<!tpu.dma_semaphore, #tpu.memory_space<semaphore_mem>>)
      %dma_wait3A_206 = arith.constant 0 : i32
      %dma_wait3A_207 = tpu.memref_slice %arg5[%add3A_201, %dma_wait3A_206] : memref<20480x64xf32, #tpu.memory_space<hbm>> -> memref<640x64xf32, #tpu.memory_space<hbm>>
      %dma_wait3A_208 = arith.constant 0 : i32
      %dma_wait3A_209 = tpu.memref_slice %arg12[%mul3A_196, %dma_wait3A_208] : memref<10240x64xf32, #tpu.memory_space<vmem_shared>> -> memref<640x64xf32, #tpu.memory_space<vmem_shared>>
      tpu.wait_dma2 semaphore(%run_scoped3A : memref<!tpu.dma_semaphore, #tpu.memory_space<semaphore_mem>>) src(%dma_wait3A_209 : memref<640x64xf32, #tpu.memory_space<vmem_shared>>) dst(%dma_wait3A_207 : memref<640x64xf32, #tpu.memory_space<hbm>>)
      tpu.yield
    }) : () -> ()
    return
  }
}

#map = affine_map<(d0, d1) -> (0, 0)>
#map1 = affine_map<(d0, d1) -> (0, 0, 0)>
module attributes {stable_mosaic.version = 14 : i64} {
  func.func @_sc_agg(%arg0: i32, %arg1: i32, %arg2: memref<10240x64xf32, #tpu.memory_space<hbm>>, %arg3: memref<32x80x128xi32, #tpu.memory_space<hbm>>, %arg4: memref<32x80x128xi32, #tpu.memory_space<hbm>>, %arg5: memref<20480x64xf32, #tpu.memory_space<hbm>>, %arg6: memref<80x128xi32, #tpu.memory_space<vmem>>, %arg7: memref<80x128xi32, #tpu.memory_space<vmem>>, %arg8: memref<128x64xf32, #tpu.memory_space<vmem>>, %arg9: memref<128x64xf32, #tpu.memory_space<vmem>>, %arg10: memref<128x64xf32, #tpu.memory_space<vmem>>, %arg11: memref<10240x64xf32, #tpu.memory_space<vmem_shared>>, %arg12: memref<10240x64xf32, #tpu.memory_space<vmem_shared>>, %arg13: memref<!tpu.dma_semaphore, #tpu.memory_space<semaphore_mem>>, %arg14: memref<!tpu.dma_semaphore, #tpu.memory_space<semaphore_mem>>, %arg15: memref<!tpu.dma_semaphore, #tpu.memory_space<semaphore_mem>>, %arg16: memref<!tpu.dma_semaphore, #tpu.memory_space<semaphore_mem>>) attributes {dimension_semantics = [#tpu.dimension_semantics<core_parallel>, #tpu.dimension_semantics<subcore_parallel>], iteration_bounds = array<i64: 2, 16>, scalar_prefetch = 0 : i64, scratch_operands = 11 : i64, tpu.core_type = #tpu.core_type<sc_vector_subcore>, window_params = [{transform_indices = #map}, {transform_indices = #map1}, {transform_indices = #map1}, {transform_indices = #map}]} {
    %mul3A = arith.constant 16 : i32
    %mul3A_0 = arith.muli %arg0, %mul3A : i32
    %add3A = arith.addi %mul3A_0, %arg1 : i32
    %dma_start3A = arith.constant 0 : i32
    %dma_start3A_1 = arith.constant 0 : i32
    %dma_start3A_2 = tpu.memref_slice %arg3[%add3A, %dma_start3A, %dma_start3A_1] : memref<32x80x128xi32, #tpu.memory_space<hbm>> -> memref<1x80x128xi32, #tpu.memory_space<hbm>>
    %dma_start3A_3 = tpu.memref_squeeze %dma_start3A_2 : memref<1x80x128xi32, #tpu.memory_space<hbm>> -> memref<80x128xi32, #tpu.memory_space<hbm>>
    %dma_start3A_4 = arith.constant 0 : i32
    %dma_start3A_5 = arith.constant 0 : i32
    %dma_start3A_6 = tpu.memref_slice %arg3[%add3A, %dma_start3A_4, %dma_start3A_5] : memref<32x80x128xi32, #tpu.memory_space<hbm>> -> memref<1x80x128xi32, #tpu.memory_space<hbm>>
    %dma_start3A_7 = tpu.memref_squeeze %dma_start3A_6 : memref<1x80x128xi32, #tpu.memory_space<hbm>> -> memref<80x128xi32, #tpu.memory_space<hbm>>
    tpu.enqueue_dma source(%dma_start3A_7 : memref<80x128xi32, #tpu.memory_space<hbm>>) target(%arg6 : memref<80x128xi32, #tpu.memory_space<vmem>>) target_semaphore(%arg13 : memref<!tpu.dma_semaphore, #tpu.memory_space<semaphore_mem>>)
    %dma_start3A_8 = arith.constant 0 : i32
    %dma_start3A_9 = arith.constant 0 : i32
    %dma_start3A_10 = tpu.memref_slice %arg4[%add3A, %dma_start3A_8, %dma_start3A_9] : memref<32x80x128xi32, #tpu.memory_space<hbm>> -> memref<1x80x128xi32, #tpu.memory_space<hbm>>
    %dma_start3A_11 = tpu.memref_squeeze %dma_start3A_10 : memref<1x80x128xi32, #tpu.memory_space<hbm>> -> memref<80x128xi32, #tpu.memory_space<hbm>>
    %dma_start3A_12 = arith.constant 0 : i32
    %dma_start3A_13 = arith.constant 0 : i32
    %dma_start3A_14 = tpu.memref_slice %arg4[%add3A, %dma_start3A_12, %dma_start3A_13] : memref<32x80x128xi32, #tpu.memory_space<hbm>> -> memref<1x80x128xi32, #tpu.memory_space<hbm>>
    %dma_start3A_15 = tpu.memref_squeeze %dma_start3A_14 : memref<1x80x128xi32, #tpu.memory_space<hbm>> -> memref<80x128xi32, #tpu.memory_space<hbm>>
    tpu.enqueue_dma source(%dma_start3A_15 : memref<80x128xi32, #tpu.memory_space<hbm>>) target(%arg7 : memref<80x128xi32, #tpu.memory_space<vmem>>) target_semaphore(%arg14 : memref<!tpu.dma_semaphore, #tpu.memory_space<semaphore_mem>>)
    %mul3A_16 = arith.constant 640 : i32
    %mul3A_17 = arith.muli %arg1, %mul3A_16 : i32
    %mul3A_18 = arith.constant 640 : i32
    %mul3A_19 = arith.muli %arg1, %mul3A_18 : i32
    %dma_start3A_20 = arith.constant 0 : i32
    %dma_start3A_21 = tpu.memref_slice %arg11[%mul3A_19, %dma_start3A_20] : memref<10240x64xf32, #tpu.memory_space<vmem_shared>> -> memref<640x64xf32, #tpu.memory_space<vmem_shared>>
    %dma_start3A_22 = arith.constant 0 : i32
    %dma_start3A_23 = tpu.memref_slice %arg2[%mul3A_17, %dma_start3A_22] : memref<10240x64xf32, #tpu.memory_space<hbm>> -> memref<640x64xf32, #tpu.memory_space<hbm>>
    tpu.enqueue_dma source(%dma_start3A_23 : memref<640x64xf32, #tpu.memory_space<hbm>>) target(%dma_start3A_21 : memref<640x64xf32, #tpu.memory_space<vmem_shared>>) target_semaphore(%arg15 : memref<!tpu.dma_semaphore, #tpu.memory_space<semaphore_mem>>)
    %scan3A = arith.constant 0 : i32
    %scan3A_24 = arith.constant 0 : i32
    %scan3A_25 = arith.constant 128 : i32
    %scan3A_26 = arith.addi %scan3A_24, %scan3A_25 : i32
    %scan3A_27 = arith.constant 1 : i32
    scf.for %scan3A_202 = %scan3A_24 to %scan3A_26 step %scan3A_27  : i32 {
      %broadcast_in_dim3A = arith.constant 0.000000e+00 : f32
      %broadcast_in_dim3A_203 = vector.broadcast %broadcast_in_dim3A : f32 to vector<16xf32>
      %swap3A = arith.index_cast %scan3A_202 : i32 to index
      %swap3A_204 = arith.constant 0 : index
      %swap3A_205 = tpu.vector_load %arg10[%swap3A, %swap3A_204] {strides = array<i32>} : memref<128x64xf32, #tpu.memory_space<vmem>>, vector<1x16xf32>,
      %swap3A_206 = vector.shape_cast %swap3A_205 : vector<1x16xf32> to vector<16xf32>
      %swap3A_207 = vector.shape_cast %broadcast_in_dim3A_203 : vector<16xf32> to vector<1x16xf32>
      tpu.vector_store %arg10[%swap3A, %swap3A_204], %swap3A_207 {strides = array<i32>} : memref<128x64xf32, #tpu.memory_space<vmem>>, vector<1x16xf32>,
      %broadcast_in_dim3A_208 = arith.constant 0.000000e+00 : f32
      %broadcast_in_dim3A_209 = vector.broadcast %broadcast_in_dim3A_208 : f32 to vector<16xf32>
      %swap3A_210 = arith.index_cast %scan3A_202 : i32 to index
      %swap3A_211 = arith.constant 16 : index
      %swap3A_212 = tpu.vector_load %arg10[%swap3A_210, %swap3A_211] {strides = array<i32>} : memref<128x64xf32, #tpu.memory_space<vmem>>, vector<1x16xf32>,
      %swap3A_213 = vector.shape_cast %swap3A_212 : vector<1x16xf32> to vector<16xf32>
      %swap3A_214 = vector.shape_cast %broadcast_in_dim3A_209 : vector<16xf32> to vector<1x16xf32>
      tpu.vector_store %arg10[%swap3A_210, %swap3A_211], %swap3A_214 {strides = array<i32>} : memref<128x64xf32, #tpu.memory_space<vmem>>, vector<1x16xf32>,
      %broadcast_in_dim3A_215 = arith.constant 0.000000e+00 : f32
      %broadcast_in_dim3A_216 = vector.broadcast %broadcast_in_dim3A_215 : f32 to vector<16xf32>
      %swap3A_217 = arith.index_cast %scan3A_202 : i32 to index
      %swap3A_218 = arith.constant 32 : index
      %swap3A_219 = tpu.vector_load %arg10[%swap3A_217, %swap3A_218] {strides = array<i32>} : memref<128x64xf32, #tpu.memory_space<vmem>>, vector<1x16xf32>,
      %swap3A_220 = vector.shape_cast %swap3A_219 : vector<1x16xf32> to vector<16xf32>
      %swap3A_221 = vector.shape_cast %broadcast_in_dim3A_216 : vector<16xf32> to vector<1x16xf32>
      tpu.vector_store %arg10[%swap3A_217, %swap3A_218], %swap3A_221 {strides = array<i32>} : memref<128x64xf32, #tpu.memory_space<vmem>>, vector<1x16xf32>,
      %broadcast_in_dim3A_222 = arith.constant 0.000000e+00 : f32
      %broadcast_in_dim3A_223 = vector.broadcast %broadcast_in_dim3A_222 : f32 to vector<16xf32>
      %swap3A_224 = arith.index_cast %scan3A_202 : i32 to index
      %swap3A_225 = arith.constant 48 : index
      %swap3A_226 = tpu.vector_load %arg10[%swap3A_224, %swap3A_225] {strides = array<i32>} : memref<128x64xf32, #tpu.memory_space<vmem>>, vector<1x16xf32>,
      %swap3A_227 = vector.shape_cast %swap3A_226 : vector<1x16xf32> to vector<16xf32>
      %swap3A_228 = vector.shape_cast %broadcast_in_dim3A_223 : vector<16xf32> to vector<1x16xf32>
      tpu.vector_store %arg10[%swap3A_224, %swap3A_225], %swap3A_228 {strides = array<i32>} : memref<128x64xf32, #tpu.memory_space<vmem>>, vector<1x16xf32>,
    }
    %scan3A_28 = arith.constant 128 : i32
    %mul3A_29 = arith.constant 640 : i32
    %mul3A_30 = arith.muli %arg1, %mul3A_29 : i32
    %add3A_31 = arith.constant 0 : i32
    %add3A_32 = arith.addi %mul3A_30, %add3A_31 : i32
    %dma_start3A_33 = arith.constant 0 : i32
    %dma_start3A_34 = tpu.memref_slice %arg12[%add3A_32, %dma_start3A_33] : memref<10240x64xf32, #tpu.memory_space<vmem_shared>> -> memref<128x64xf32, #tpu.memory_space<vmem_shared>>
    %dma_start3A_35 = arith.constant 0 : i32
    %dma_start3A_36 = tpu.memref_slice %arg12[%add3A_32, %dma_start3A_35] : memref<10240x64xf32, #tpu.memory_space<vmem_shared>> -> memref<128x64xf32, #tpu.memory_space<vmem_shared>>
    tpu.enqueue_dma source(%arg10 : memref<128x64xf32, #tpu.memory_space<vmem>>) target(%dma_start3A_36 : memref<128x64xf32, #tpu.memory_space<vmem_shared>>) target_semaphore(%arg16 : memref<!tpu.dma_semaphore, #tpu.memory_space<semaphore_mem>>)
    %mul3A_37 = arith.constant 640 : i32
    %mul3A_38 = arith.muli %arg1, %mul3A_37 : i32
    %add3A_39 = arith.constant 128 : i32
    %add3A_40 = arith.addi %mul3A_38, %add3A_39 : i32
    %dma_start3A_41 = arith.constant 0 : i32
    %dma_start3A_42 = tpu.memref_slice %arg12[%add3A_40, %dma_start3A_41] : memref<10240x64xf32, #tpu.memory_space<vmem_shared>> -> memref<128x64xf32, #tpu.memory_space<vmem_shared>>
    %dma_start3A_43 = arith.constant 0 : i32
    %dma_start3A_44 = tpu.memref_slice %arg12[%add3A_40, %dma_start3A_43] : memref<10240x64xf32, #tpu.memory_space<vmem_shared>> -> memref<128x64xf32, #tpu.memory_space<vmem_shared>>
    tpu.enqueue_dma source(%arg10 : memref<128x64xf32, #tpu.memory_space<vmem>>) target(%dma_start3A_44 : memref<128x64xf32, #tpu.memory_space<vmem_shared>>) target_semaphore(%arg16 : memref<!tpu.dma_semaphore, #tpu.memory_space<semaphore_mem>>)
    %mul3A_45 = arith.constant 640 : i32
    %mul3A_46 = arith.muli %arg1, %mul3A_45 : i32
    %add3A_47 = arith.constant 256 : i32
    %add3A_48 = arith.addi %mul3A_46, %add3A_47 : i32
    %dma_start3A_49 = arith.constant 0 : i32
    %dma_start3A_50 = tpu.memref_slice %arg12[%add3A_48, %dma_start3A_49] : memref<10240x64xf32, #tpu.memory_space<vmem_shared>> -> memref<128x64xf32, #tpu.memory_space<vmem_shared>>
    %dma_start3A_51 = arith.constant 0 : i32
    %dma_start3A_52 = tpu.memref_slice %arg12[%add3A_48, %dma_start3A_51] : memref<10240x64xf32, #tpu.memory_space<vmem_shared>> -> memref<128x64xf32, #tpu.memory_space<vmem_shared>>
    tpu.enqueue_dma source(%arg10 : memref<128x64xf32, #tpu.memory_space<vmem>>) target(%dma_start3A_52 : memref<128x64xf32, #tpu.memory_space<vmem_shared>>) target_semaphore(%arg16 : memref<!tpu.dma_semaphore, #tpu.memory_space<semaphore_mem>>)
    %mul3A_53 = arith.constant 640 : i32
    %mul3A_54 = arith.muli %arg1, %mul3A_53 : i32
    %add3A_55 = arith.constant 384 : i32
    %add3A_56 = arith.addi %mul3A_54, %add3A_55 : i32
    %dma_start3A_57 = arith.constant 0 : i32
    %dma_start3A_58 = tpu.memref_slice %arg12[%add3A_56, %dma_start3A_57] : memref<10240x64xf32, #tpu.memory_space<vmem_shared>> -> memref<128x64xf32, #tpu.memory_space<vmem_shared>>
    %dma_start3A_59 = arith.constant 0 : i32
    %dma_start3A_60 = tpu.memref_slice %arg12[%add3A_56, %dma_start3A_59] : memref<10240x64xf32, #tpu.memory_space<vmem_shared>> -> memref<128x64xf32, #tpu.memory_space<vmem_shared>>
    tpu.enqueue_dma source(%arg10 : memref<128x64xf32, #tpu.memory_space<vmem>>) target(%dma_start3A_60 : memref<128x64xf32, #tpu.memory_space<vmem_shared>>) target_semaphore(%arg16 : memref<!tpu.dma_semaphore, #tpu.memory_space<semaphore_mem>>)
    %mul3A_61 = arith.constant 640 : i32
    %mul3A_62 = arith.muli %arg1, %mul3A_61 : i32
    %add3A_63 = arith.constant 512 : i32
    %add3A_64 = arith.addi %mul3A_62, %add3A_63 : i32
    %dma_start3A_65 = arith.constant 0 : i32
    %dma_start3A_66 = tpu.memref_slice %arg12[%add3A_64, %dma_start3A_65] : memref<10240x64xf32, #tpu.memory_space<vmem_shared>> -> memref<128x64xf32, #tpu.memory_space<vmem_shared>>
    %dma_start3A_67 = arith.constant 0 : i32
    %dma_start3A_68 = tpu.memref_slice %arg12[%add3A_64, %dma_start3A_67] : memref<10240x64xf32, #tpu.memory_space<vmem_shared>> -> memref<128x64xf32, #tpu.memory_space<vmem_shared>>
    tpu.enqueue_dma source(%arg10 : memref<128x64xf32, #tpu.memory_space<vmem>>) target(%dma_start3A_68 : memref<128x64xf32, #tpu.memory_space<vmem_shared>>) target_semaphore(%arg16 : memref<!tpu.dma_semaphore, #tpu.memory_space<semaphore_mem>>)
    %dma_wait3A = arith.constant 0 : i32
    %dma_wait3A_69 = arith.constant 0 : i32
    %dma_wait3A_70 = tpu.memref_slice %arg3[%add3A, %dma_wait3A, %dma_wait3A_69] : memref<32x80x128xi32, #tpu.memory_space<hbm>> -> memref<1x80x128xi32, #tpu.memory_space<hbm>>
    %dma_wait3A_71 = tpu.memref_squeeze %dma_wait3A_70 : memref<1x80x128xi32, #tpu.memory_space<hbm>> -> memref<80x128xi32, #tpu.memory_space<hbm>>
    %dma_wait3A_72 = arith.constant 0 : i32
    %dma_wait3A_73 = arith.constant 0 : i32
    %dma_wait3A_74 = tpu.memref_slice %arg3[%add3A, %dma_wait3A_72, %dma_wait3A_73] : memref<32x80x128xi32, #tpu.memory_space<hbm>> -> memref<1x80x128xi32, #tpu.memory_space<hbm>>
    %dma_wait3A_75 = tpu.memref_squeeze %dma_wait3A_74 : memref<1x80x128xi32, #tpu.memory_space<hbm>> -> memref<80x128xi32, #tpu.memory_space<hbm>>
    tpu.wait_dma2 semaphore(%arg13 : memref<!tpu.dma_semaphore, #tpu.memory_space<semaphore_mem>>) src(%dma_wait3A_75 : memref<80x128xi32, #tpu.memory_space<hbm>>) dst(%arg6 : memref<80x128xi32, #tpu.memory_space<vmem>>)
    %dma_wait3A_76 = arith.constant 0 : i32
    %dma_wait3A_77 = arith.constant 0 : i32
    %dma_wait3A_78 = tpu.memref_slice %arg4[%add3A, %dma_wait3A_76, %dma_wait3A_77] : memref<32x80x128xi32, #tpu.memory_space<hbm>> -> memref<1x80x128xi32, #tpu.memory_space<hbm>>
    %dma_wait3A_79 = tpu.memref_squeeze %dma_wait3A_78 : memref<1x80x128xi32, #tpu.memory_space<hbm>> -> memref<80x128xi32, #tpu.memory_space<hbm>>
    %dma_wait3A_80 = arith.constant 0 : i32
    %dma_wait3A_81 = arith.constant 0 : i32
    %dma_wait3A_82 = tpu.memref_slice %arg4[%add3A, %dma_wait3A_80, %dma_wait3A_81] : memref<32x80x128xi32, #tpu.memory_space<hbm>> -> memref<1x80x128xi32, #tpu.memory_space<hbm>>
    %dma_wait3A_83 = tpu.memref_squeeze %dma_wait3A_82 : memref<1x80x128xi32, #tpu.memory_space<hbm>> -> memref<80x128xi32, #tpu.memory_space<hbm>>
    tpu.wait_dma2 semaphore(%arg14 : memref<!tpu.dma_semaphore, #tpu.memory_space<semaphore_mem>>) src(%dma_wait3A_83 : memref<80x128xi32, #tpu.memory_space<hbm>>) dst(%arg7 : memref<80x128xi32, #tpu.memory_space<vmem>>)
    %mul3A_84 = arith.constant 640 : i32
    %mul3A_85 = arith.muli %arg1, %mul3A_84 : i32
    %mul3A_86 = arith.constant 640 : i32
    %mul3A_87 = arith.muli %arg1, %mul3A_86 : i32
    %dma_wait3A_88 = arith.constant 0 : i32
    %dma_wait3A_89 = tpu.memref_slice %arg11[%mul3A_87, %dma_wait3A_88] : memref<10240x64xf32, #tpu.memory_space<vmem_shared>> -> memref<640x64xf32, #tpu.memory_space<vmem_shared>>
    %dma_wait3A_90 = arith.constant 0 : i32
    %dma_wait3A_91 = tpu.memref_slice %arg2[%mul3A_85, %dma_wait3A_90] : memref<10240x64xf32, #tpu.memory_space<hbm>> -> memref<640x64xf32, #tpu.memory_space<hbm>>
    tpu.wait_dma2 semaphore(%arg15 : memref<!tpu.dma_semaphore, #tpu.memory_space<semaphore_mem>>) src(%dma_wait3A_91 : memref<640x64xf32, #tpu.memory_space<hbm>>) dst(%dma_wait3A_89 : memref<640x64xf32, #tpu.memory_space<vmem_shared>>)
    %mul3A_92 = arith.constant 640 : i32
    %mul3A_93 = arith.muli %arg1, %mul3A_92 : i32
    %add3A_94 = arith.constant 0 : i32
    %add3A_95 = arith.addi %mul3A_93, %add3A_94 : i32
    %dma_wait3A_96 = arith.constant 0 : i32
    %dma_wait3A_97 = tpu.memref_slice %arg12[%add3A_95, %dma_wait3A_96] : memref<10240x64xf32, #tpu.memory_space<vmem_shared>> -> memref<128x64xf32, #tpu.memory_space<vmem_shared>>
    %dma_wait3A_98 = arith.constant 0 : i32
    %dma_wait3A_99 = tpu.memref_slice %arg12[%add3A_95, %dma_wait3A_98] : memref<10240x64xf32, #tpu.memory_space<vmem_shared>> -> memref<128x64xf32, #tpu.memory_space<vmem_shared>>
    tpu.wait_dma2 semaphore(%arg16 : memref<!tpu.dma_semaphore, #tpu.memory_space<semaphore_mem>>) src(%arg10 : memref<128x64xf32, #tpu.memory_space<vmem>>) dst(%dma_wait3A_99 : memref<128x64xf32, #tpu.memory_space<vmem_shared>>)
    %mul3A_100 = arith.constant 640 : i32
    %mul3A_101 = arith.muli %arg1, %mul3A_100 : i32
    %add3A_102 = arith.constant 128 : i32
    %add3A_103 = arith.addi %mul3A_101, %add3A_102 : i32
    %dma_wait3A_104 = arith.constant 0 : i32
    %dma_wait3A_105 = tpu.memref_slice %arg12[%add3A_103, %dma_wait3A_104] : memref<10240x64xf32, #tpu.memory_space<vmem_shared>> -> memref<128x64xf32, #tpu.memory_space<vmem_shared>>
    %dma_wait3A_106 = arith.constant 0 : i32
    %dma_wait3A_107 = tpu.memref_slice %arg12[%add3A_103, %dma_wait3A_106] : memref<10240x64xf32, #tpu.memory_space<vmem_shared>> -> memref<128x64xf32, #tpu.memory_space<vmem_shared>>
    tpu.wait_dma2 semaphore(%arg16 : memref<!tpu.dma_semaphore, #tpu.memory_space<semaphore_mem>>) src(%arg10 : memref<128x64xf32, #tpu.memory_space<vmem>>) dst(%dma_wait3A_107 : memref<128x64xf32, #tpu.memory_space<vmem_shared>>)
    %mul3A_108 = arith.constant 640 : i32
    %mul3A_109 = arith.muli %arg1, %mul3A_108 : i32
    %add3A_110 = arith.constant 256 : i32
    %add3A_111 = arith.addi %mul3A_109, %add3A_110 : i32
    %dma_wait3A_112 = arith.constant 0 : i32
    %dma_wait3A_113 = tpu.memref_slice %arg12[%add3A_111, %dma_wait3A_112] : memref<10240x64xf32, #tpu.memory_space<vmem_shared>> -> memref<128x64xf32, #tpu.memory_space<vmem_shared>>
    %dma_wait3A_114 = arith.constant 0 : i32
    %dma_wait3A_115 = tpu.memref_slice %arg12[%add3A_111, %dma_wait3A_114] : memref<10240x64xf32, #tpu.memory_space<vmem_shared>> -> memref<128x64xf32, #tpu.memory_space<vmem_shared>>
    tpu.wait_dma2 semaphore(%arg16 : memref<!tpu.dma_semaphore, #tpu.memory_space<semaphore_mem>>) src(%arg10 : memref<128x64xf32, #tpu.memory_space<vmem>>) dst(%dma_wait3A_115 : memref<128x64xf32, #tpu.memory_space<vmem_shared>>)
    %mul3A_116 = arith.constant 640 : i32
    %mul3A_117 = arith.muli %arg1, %mul3A_116 : i32
    %add3A_118 = arith.constant 384 : i32
    %add3A_119 = arith.addi %mul3A_117, %add3A_118 : i32
    %dma_wait3A_120 = arith.constant 0 : i32
    %dma_wait3A_121 = tpu.memref_slice %arg12[%add3A_119, %dma_wait3A_120] : memref<10240x64xf32, #tpu.memory_space<vmem_shared>> -> memref<128x64xf32, #tpu.memory_space<vmem_shared>>
    %dma_wait3A_122 = arith.constant 0 : i32
    %dma_wait3A_123 = tpu.memref_slice %arg12[%add3A_119, %dma_wait3A_122] : memref<10240x64xf32, #tpu.memory_space<vmem_shared>> -> memref<128x64xf32, #tpu.memory_space<vmem_shared>>
    tpu.wait_dma2 semaphore(%arg16 : memref<!tpu.dma_semaphore, #tpu.memory_space<semaphore_mem>>) src(%arg10 : memref<128x64xf32, #tpu.memory_space<vmem>>) dst(%dma_wait3A_123 : memref<128x64xf32, #tpu.memory_space<vmem_shared>>)
    %mul3A_124 = arith.constant 640 : i32
    %mul3A_125 = arith.muli %arg1, %mul3A_124 : i32
    %add3A_126 = arith.constant 512 : i32
    %add3A_127 = arith.addi %mul3A_125, %add3A_126 : i32
    %dma_wait3A_128 = arith.constant 0 : i32
    %dma_wait3A_129 = tpu.memref_slice %arg12[%add3A_127, %dma_wait3A_128] : memref<10240x64xf32, #tpu.memory_space<vmem_shared>> -> memref<128x64xf32, #tpu.memory_space<vmem_shared>>
    %dma_wait3A_130 = arith.constant 0 : i32
    %dma_wait3A_131 = tpu.memref_slice %arg12[%add3A_127, %dma_wait3A_130] : memref<10240x64xf32, #tpu.memory_space<vmem_shared>> -> memref<128x64xf32, #tpu.memory_space<vmem_shared>>
    tpu.wait_dma2 semaphore(%arg16 : memref<!tpu.dma_semaphore, #tpu.memory_space<semaphore_mem>>) src(%arg10 : memref<128x64xf32, #tpu.memory_space<vmem>>) dst(%dma_wait3A_131 : memref<128x64xf32, #tpu.memory_space<vmem_shared>>)
    %barrier3A = arith.constant 0 : index
    tpu.barrier barrier_id(%barrier3A)
    %dma_start3A_132 = arith.constant 0 : i32
    %dma_start3A_133 = arith.constant 0 : i32
    %dma_start3A_134 = tpu.memref_slice %arg6[%dma_start3A_132, %dma_start3A_133] : memref<80x128xi32, #tpu.memory_space<vmem>> -> memref<1x128xi32, #tpu.memory_space<vmem>>
    %dma_start3A_135 = tpu.memref_squeeze %dma_start3A_134 : memref<1x128xi32, #tpu.memory_space<vmem>> -> memref<128xi32, #tpu.memory_space<vmem>>
    %dma_start3A_136 = arith.constant 0 : i32
    %dma_start3A_137 = arith.constant 0 : i32
    %dma_start3A_138 = tpu.memref_slice %arg11[%dma_start3A_136, %dma_start3A_137] : memref<10240x64xf32, #tpu.memory_space<vmem_shared>> -> memref<10240x64xf32, #tpu.memory_space<vmem_shared>>
    tpu.enqueue_indirect_dma source(%dma_start3A_138 : memref<10240x64xf32, #tpu.memory_space<vmem_shared>>) target(%arg8 : memref<128x64xf32, #tpu.memory_space<vmem>>) offsets(%dma_start3A_135 : memref<128xi32, #tpu.memory_space<vmem>>) semaphore(%arg13 : memref<!tpu.dma_semaphore, #tpu.memory_space<semaphore_mem>>)
    %dma_wait3A_139 = arith.constant 0 : i32
    %dma_wait3A_140 = arith.constant 0 : i32
    %dma_wait3A_141 = tpu.memref_slice %arg6[%dma_wait3A_139, %dma_wait3A_140] : memref<80x128xi32, #tpu.memory_space<vmem>> -> memref<1x128xi32, #tpu.memory_space<vmem>>
    %dma_wait3A_142 = tpu.memref_squeeze %dma_wait3A_141 : memref<1x128xi32, #tpu.memory_space<vmem>> -> memref<128xi32, #tpu.memory_space<vmem>>
    %dma_wait3A_143 = arith.constant 0 : i32
    %dma_wait3A_144 = arith.constant 0 : i32
    %dma_wait3A_145 = tpu.memref_slice %arg11[%dma_wait3A_143, %dma_wait3A_144] : memref<10240x64xf32, #tpu.memory_space<vmem_shared>> -> memref<10240x64xf32, #tpu.memory_space<vmem_shared>>
    tpu.wait_indirect_dma semaphore(%arg13 : memref<!tpu.dma_semaphore, #tpu.memory_space<semaphore_mem>>) src(%dma_wait3A_145 : memref<10240x64xf32, #tpu.memory_space<vmem_shared>>) dst(%arg8 : memref<128x64xf32, #tpu.memory_space<vmem>>)
    %dma_start3A_146 = arith.constant 0 : i32
    %dma_start3A_147 = arith.constant 0 : i32
    %dma_start3A_148 = tpu.memref_slice %arg7[%dma_start3A_146, %dma_start3A_147] : memref<80x128xi32, #tpu.memory_space<vmem>> -> memref<1x128xi32, #tpu.memory_space<vmem>>
    %dma_start3A_149 = tpu.memref_squeeze %dma_start3A_148 : memref<1x128xi32, #tpu.memory_space<vmem>> -> memref<128xi32, #tpu.memory_space<vmem>>
    %dma_start3A_150 = arith.constant 0 : i32
    %dma_start3A_151 = arith.constant 0 : i32
    %dma_start3A_152 = tpu.memref_slice %arg12[%dma_start3A_150, %dma_start3A_151] : memref<10240x64xf32, #tpu.memory_space<vmem_shared>> -> memref<10240x64xf32, #tpu.memory_space<vmem_shared>>
    tpu.enqueue_indirect_dma source(%arg8 : memref<128x64xf32, #tpu.memory_space<vmem>>) target(%dma_start3A_152 : memref<10240x64xf32, #tpu.memory_space<vmem_shared>>) offsets(%dma_start3A_149 : memref<128xi32, #tpu.memory_space<vmem>>) semaphore(%arg15 : memref<!tpu.dma_semaphore, #tpu.memory_space<semaphore_mem>>) {add = true}
    %dma_start3A_153 = arith.constant 1 : i32
    %dma_start3A_154 = arith.constant 0 : i32
    %dma_start3A_155 = tpu.memref_slice %arg6[%dma_start3A_153, %dma_start3A_154] : memref<80x128xi32, #tpu.memory_space<vmem>> -> memref<1x128xi32, #tpu.memory_space<vmem>>
    %dma_start3A_156 = tpu.memref_squeeze %dma_start3A_155 : memref<1x128xi32, #tpu.memory_space<vmem>> -> memref<128xi32, #tpu.memory_space<vmem>>
    %dma_start3A_157 = arith.constant 0 : i32
    %dma_start3A_158 = arith.constant 0 : i32
    %dma_start3A_159 = tpu.memref_slice %arg11[%dma_start3A_157, %dma_start3A_158] : memref<10240x64xf32, #tpu.memory_space<vmem_shared>> -> memref<10240x64xf32, #tpu.memory_space<vmem_shared>>
    tpu.enqueue_indirect_dma source(%dma_start3A_159 : memref<10240x64xf32, #tpu.memory_space<vmem_shared>>) target(%arg9 : memref<128x64xf32, #tpu.memory_space<vmem>>) offsets(%dma_start3A_156 : memref<128xi32, #tpu.memory_space<vmem>>) semaphore(%arg14 : memref<!tpu.dma_semaphore, #tpu.memory_space<semaphore_mem>>)
    %scan3A_160 = arith.constant 0 : i32
    %scan3A_161 = arith.constant 0 : i32
    %scan3A_162 = arith.constant 39 : i32
    %scan3A_163 = arith.addi %scan3A_161, %scan3A_162 : i32
    %scan3A_164 = arith.constant 1 : i32
    scf.for %scan3A_202 = %scan3A_161 to %scan3A_163 step %scan3A_164  : i32 {
      %mul3A_203 = arith.constant 2 : i32
      %mul3A_204 = arith.muli %mul3A_203, %scan3A_202 : i32
      %add3A_205 = arith.constant 1 : i32
      %add3A_206 = arith.addi %mul3A_204, %add3A_205 : i32
      %add3A_207 = arith.constant 0 : i32
      %add3A_208 = arith.addi %add3A_206, %add3A_207 : i32
      %dma_wait3A_209 = arith.constant 0 : i32
      %dma_wait3A_210 = tpu.memref_slice %arg6[%add3A_208, %dma_wait3A_209] : memref<80x128xi32, #tpu.memory_space<vmem>> -> memref<1x128xi32, #tpu.memory_space<vmem>>
      %dma_wait3A_211 = tpu.memref_squeeze %dma_wait3A_210 : memref<1x128xi32, #tpu.memory_space<vmem>> -> memref<128xi32, #tpu.memory_space<vmem>>
      %dma_wait3A_212 = arith.constant 0 : i32
      %dma_wait3A_213 = arith.constant 0 : i32
      %dma_wait3A_214 = tpu.memref_slice %arg11[%dma_wait3A_212, %dma_wait3A_213] : memref<10240x64xf32, #tpu.memory_space<vmem_shared>> -> memref<10240x64xf32, #tpu.memory_space<vmem_shared>>
      tpu.wait_indirect_dma semaphore(%arg14 : memref<!tpu.dma_semaphore, #tpu.memory_space<semaphore_mem>>) src(%dma_wait3A_214 : memref<10240x64xf32, #tpu.memory_space<vmem_shared>>) dst(%arg9 : memref<128x64xf32, #tpu.memory_space<vmem>>)
      %dma_start3A_215 = arith.constant 0 : i32
      %dma_start3A_216 = tpu.memref_slice %arg7[%add3A_208, %dma_start3A_215] : memref<80x128xi32, #tpu.memory_space<vmem>> -> memref<1x128xi32, #tpu.memory_space<vmem>>
      %dma_start3A_217 = tpu.memref_squeeze %dma_start3A_216 : memref<1x128xi32, #tpu.memory_space<vmem>> -> memref<128xi32, #tpu.memory_space<vmem>>
      %dma_start3A_218 = arith.constant 0 : i32
      %dma_start3A_219 = arith.constant 0 : i32
      %dma_start3A_220 = tpu.memref_slice %arg12[%dma_start3A_218, %dma_start3A_219] : memref<10240x64xf32, #tpu.memory_space<vmem_shared>> -> memref<10240x64xf32, #tpu.memory_space<vmem_shared>>
      tpu.enqueue_indirect_dma source(%arg9 : memref<128x64xf32, #tpu.memory_space<vmem>>) target(%dma_start3A_220 : memref<10240x64xf32, #tpu.memory_space<vmem_shared>>) offsets(%dma_start3A_217 : memref<128xi32, #tpu.memory_space<vmem>>) semaphore(%arg16 : memref<!tpu.dma_semaphore, #tpu.memory_space<semaphore_mem>>) {add = true}
      %sub3A = arith.constant 1 : i32
      %sub3A_221 = arith.subi %add3A_208, %sub3A : i32
      %dma_wait3A_222 = arith.constant 0 : i32
      %dma_wait3A_223 = tpu.memref_slice %arg7[%sub3A_221, %dma_wait3A_222] : memref<80x128xi32, #tpu.memory_space<vmem>> -> memref<1x128xi32, #tpu.memory_space<vmem>>
      %dma_wait3A_224 = tpu.memref_squeeze %dma_wait3A_223 : memref<1x128xi32, #tpu.memory_space<vmem>> -> memref<128xi32, #tpu.memory_space<vmem>>
      %dma_wait3A_225 = arith.constant 0 : i32
      %dma_wait3A_226 = arith.constant 0 : i32
      %dma_wait3A_227 = tpu.memref_slice %arg12[%dma_wait3A_225, %dma_wait3A_226] : memref<10240x64xf32, #tpu.memory_space<vmem_shared>> -> memref<10240x64xf32, #tpu.memory_space<vmem_shared>>
      tpu.wait_indirect_dma semaphore(%arg15 : memref<!tpu.dma_semaphore, #tpu.memory_space<semaphore_mem>>) src(%arg8 : memref<128x64xf32, #tpu.memory_space<vmem>>) dst(%dma_wait3A_227 : memref<10240x64xf32, #tpu.memory_space<vmem_shared>>)
      %add3A_228 = arith.constant 1 : i32
      %add3A_229 = arith.addi %add3A_208, %add3A_228 : i32
      %dma_start3A_230 = arith.constant 0 : i32
      %dma_start3A_231 = tpu.memref_slice %arg6[%add3A_229, %dma_start3A_230] : memref<80x128xi32, #tpu.memory_space<vmem>> -> memref<1x128xi32, #tpu.memory_space<vmem>>
      %dma_start3A_232 = tpu.memref_squeeze %dma_start3A_231 : memref<1x128xi32, #tpu.memory_space<vmem>> -> memref<128xi32, #tpu.memory_space<vmem>>
      %dma_start3A_233 = arith.constant 0 : i32
      %dma_start3A_234 = arith.constant 0 : i32
      %dma_start3A_235 = tpu.memref_slice %arg11[%dma_start3A_233, %dma_start3A_234] : memref<10240x64xf32, #tpu.memory_space<vmem_shared>> -> memref<10240x64xf32, #tpu.memory_space<vmem_shared>>
      tpu.enqueue_indirect_dma source(%dma_start3A_235 : memref<10240x64xf32, #tpu.memory_space<vmem_shared>>) target(%arg8 : memref<128x64xf32, #tpu.memory_space<vmem>>) offsets(%dma_start3A_232 : memref<128xi32, #tpu.memory_space<vmem>>) semaphore(%arg13 : memref<!tpu.dma_semaphore, #tpu.memory_space<semaphore_mem>>)
      %mul3A_236 = arith.constant 2 : i32
      %mul3A_237 = arith.muli %mul3A_236, %scan3A_202 : i32
      %add3A_238 = arith.constant 1 : i32
      %add3A_239 = arith.addi %mul3A_237, %add3A_238 : i32
      %add3A_240 = arith.constant 1 : i32
      %add3A_241 = arith.addi %add3A_239, %add3A_240 : i32
      %dma_wait3A_242 = arith.constant 0 : i32
      %dma_wait3A_243 = tpu.memref_slice %arg6[%add3A_241, %dma_wait3A_242] : memref<80x128xi32, #tpu.memory_space<vmem>> -> memref<1x128xi32, #tpu.memory_space<vmem>>
      %dma_wait3A_244 = tpu.memref_squeeze %dma_wait3A_243 : memref<1x128xi32, #tpu.memory_space<vmem>> -> memref<128xi32, #tpu.memory_space<vmem>>
      %dma_wait3A_245 = arith.constant 0 : i32
      %dma_wait3A_246 = arith.constant 0 : i32
      %dma_wait3A_247 = tpu.memref_slice %arg11[%dma_wait3A_245, %dma_wait3A_246] : memref<10240x64xf32, #tpu.memory_space<vmem_shared>> -> memref<10240x64xf32, #tpu.memory_space<vmem_shared>>
      tpu.wait_indirect_dma semaphore(%arg13 : memref<!tpu.dma_semaphore, #tpu.memory_space<semaphore_mem>>) src(%dma_wait3A_247 : memref<10240x64xf32, #tpu.memory_space<vmem_shared>>) dst(%arg8 : memref<128x64xf32, #tpu.memory_space<vmem>>)
      %dma_start3A_248 = arith.constant 0 : i32
      %dma_start3A_249 = tpu.memref_slice %arg7[%add3A_241, %dma_start3A_248] : memref<80x128xi32, #tpu.memory_space<vmem>> -> memref<1x128xi32, #tpu.memory_space<vmem>>
      %dma_start3A_250 = tpu.memref_squeeze %dma_start3A_249 : memref<1x128xi32, #tpu.memory_space<vmem>> -> memref<128xi32, #tpu.memory_space<vmem>>
      %dma_start3A_251 = arith.constant 0 : i32
      %dma_start3A_252 = arith.constant 0 : i32
      %dma_start3A_253 = tpu.memref_slice %arg12[%dma_start3A_251, %dma_start3A_252] : memref<10240x64xf32, #tpu.memory_space<vmem_shared>> -> memref<10240x64xf32, #tpu.memory_space<vmem_shared>>
      tpu.enqueue_indirect_dma source(%arg8 : memref<128x64xf32, #tpu.memory_space<vmem>>) target(%dma_start3A_253 : memref<10240x64xf32, #tpu.memory_space<vmem_shared>>) offsets(%dma_start3A_250 : memref<128xi32, #tpu.memory_space<vmem>>) semaphore(%arg15 : memref<!tpu.dma_semaphore, #tpu.memory_space<semaphore_mem>>) {add = true}
      %sub3A_254 = arith.constant 1 : i32
      %sub3A_255 = arith.subi %add3A_241, %sub3A_254 : i32
      %dma_wait3A_256 = arith.constant 0 : i32
      %dma_wait3A_257 = tpu.memref_slice %arg7[%sub3A_255, %dma_wait3A_256] : memref<80x128xi32, #tpu.memory_space<vmem>> -> memref<1x128xi32, #tpu.memory_space<vmem>>
      %dma_wait3A_258 = tpu.memref_squeeze %dma_wait3A_257 : memref<1x128xi32, #tpu.memory_space<vmem>> -> memref<128xi32, #tpu.memory_space<vmem>>
      %dma_wait3A_259 = arith.constant 0 : i32
      %dma_wait3A_260 = arith.constant 0 : i32
      %dma_wait3A_261 = tpu.memref_slice %arg12[%dma_wait3A_259, %dma_wait3A_260] : memref<10240x64xf32, #tpu.memory_space<vmem_shared>> -> memref<10240x64xf32, #tpu.memory_space<vmem_shared>>
      tpu.wait_indirect_dma semaphore(%arg16 : memref<!tpu.dma_semaphore, #tpu.memory_space<semaphore_mem>>) src(%arg9 : memref<128x64xf32, #tpu.memory_space<vmem>>) dst(%dma_wait3A_261 : memref<10240x64xf32, #tpu.memory_space<vmem_shared>>)
      %add3A_262 = arith.constant 1 : i32
      %add3A_263 = arith.addi %add3A_241, %add3A_262 : i32
      %dma_start3A_264 = arith.constant 0 : i32
      %dma_start3A_265 = tpu.memref_slice %arg6[%add3A_263, %dma_start3A_264] : memref<80x128xi32, #tpu.memory_space<vmem>> -> memref<1x128xi32, #tpu.memory_space<vmem>>
      %dma_start3A_266 = tpu.memref_squeeze %dma_start3A_265 : memref<1x128xi32, #tpu.memory_space<vmem>> -> memref<128xi32, #tpu.memory_space<vmem>>
      %dma_start3A_267 = arith.constant 0 : i32
      %dma_start3A_268 = arith.constant 0 : i32
      %dma_start3A_269 = tpu.memref_slice %arg11[%dma_start3A_267, %dma_start3A_268] : memref<10240x64xf32, #tpu.memory_space<vmem_shared>> -> memref<10240x64xf32, #tpu.memory_space<vmem_shared>>
      tpu.enqueue_indirect_dma source(%dma_start3A_269 : memref<10240x64xf32, #tpu.memory_space<vmem_shared>>) target(%arg9 : memref<128x64xf32, #tpu.memory_space<vmem>>) offsets(%dma_start3A_266 : memref<128xi32, #tpu.memory_space<vmem>>) semaphore(%arg14 : memref<!tpu.dma_semaphore, #tpu.memory_space<semaphore_mem>>)
    }
    %scan3A_165 = arith.constant 39 : i32
    %dma_wait3A_166 = arith.constant 79 : i32
    %dma_wait3A_167 = arith.constant 0 : i32
    %dma_wait3A_168 = tpu.memref_slice %arg6[%dma_wait3A_166, %dma_wait3A_167] : memref<80x128xi32, #tpu.memory_space<vmem>> -> memref<1x128xi32, #tpu.memory_space<vmem>>
    %dma_wait3A_169 = tpu.memref_squeeze %dma_wait3A_168 : memref<1x128xi32, #tpu.memory_space<vmem>> -> memref<128xi32, #tpu.memory_space<vmem>>
    %dma_wait3A_170 = arith.constant 0 : i32
    %dma_wait3A_171 = arith.constant 0 : i32
    %dma_wait3A_172 = tpu.memref_slice %arg11[%dma_wait3A_170, %dma_wait3A_171] : memref<10240x64xf32, #tpu.memory_space<vmem_shared>> -> memref<10240x64xf32, #tpu.memory_space<vmem_shared>>
    tpu.wait_indirect_dma semaphore(%arg14 : memref<!tpu.dma_semaphore, #tpu.memory_space<semaphore_mem>>) src(%dma_wait3A_172 : memref<10240x64xf32, #tpu.memory_space<vmem_shared>>) dst(%arg9 : memref<128x64xf32, #tpu.memory_space<vmem>>)
    %dma_start3A_173 = arith.constant 79 : i32
    %dma_start3A_174 = arith.constant 0 : i32
    %dma_start3A_175 = tpu.memref_slice %arg7[%dma_start3A_173, %dma_start3A_174] : memref<80x128xi32, #tpu.memory_space<vmem>> -> memref<1x128xi32, #tpu.memory_space<vmem>>
    %dma_start3A_176 = tpu.memref_squeeze %dma_start3A_175 : memref<1x128xi32, #tpu.memory_space<vmem>> -> memref<128xi32, #tpu.memory_space<vmem>>
    %dma_start3A_177 = arith.constant 0 : i32
    %dma_start3A_178 = arith.constant 0 : i32
    %dma_start3A_179 = tpu.memref_slice %arg12[%dma_start3A_177, %dma_start3A_178] : memref<10240x64xf32, #tpu.memory_space<vmem_shared>> -> memref<10240x64xf32, #tpu.memory_space<vmem_shared>>
    tpu.enqueue_indirect_dma source(%arg9 : memref<128x64xf32, #tpu.memory_space<vmem>>) target(%dma_start3A_179 : memref<10240x64xf32, #tpu.memory_space<vmem_shared>>) offsets(%dma_start3A_176 : memref<128xi32, #tpu.memory_space<vmem>>) semaphore(%arg16 : memref<!tpu.dma_semaphore, #tpu.memory_space<semaphore_mem>>) {add = true}
    %dma_wait3A_180 = arith.constant 78 : i32
    %dma_wait3A_181 = arith.constant 0 : i32
    %dma_wait3A_182 = tpu.memref_slice %arg7[%dma_wait3A_180, %dma_wait3A_181] : memref<80x128xi32, #tpu.memory_space<vmem>> -> memref<1x128xi32, #tpu.memory_space<vmem>>
    %dma_wait3A_183 = tpu.memref_squeeze %dma_wait3A_182 : memref<1x128xi32, #tpu.memory_space<vmem>> -> memref<128xi32, #tpu.memory_space<vmem>>
    %dma_wait3A_184 = arith.constant 0 : i32
    %dma_wait3A_185 = arith.constant 0 : i32
    %dma_wait3A_186 = tpu.memref_slice %arg12[%dma_wait3A_184, %dma_wait3A_185] : memref<10240x64xf32, #tpu.memory_space<vmem_shared>> -> memref<10240x64xf32, #tpu.memory_space<vmem_shared>>
    tpu.wait_indirect_dma semaphore(%arg15 : memref<!tpu.dma_semaphore, #tpu.memory_space<semaphore_mem>>) src(%arg8 : memref<128x64xf32, #tpu.memory_space<vmem>>) dst(%dma_wait3A_186 : memref<10240x64xf32, #tpu.memory_space<vmem_shared>>)
    %dma_wait3A_187 = arith.constant 79 : i32
    %dma_wait3A_188 = arith.constant 0 : i32
    %dma_wait3A_189 = tpu.memref_slice %arg7[%dma_wait3A_187, %dma_wait3A_188] : memref<80x128xi32, #tpu.memory_space<vmem>> -> memref<1x128xi32, #tpu.memory_space<vmem>>
    %dma_wait3A_190 = tpu.memref_squeeze %dma_wait3A_189 : memref<1x128xi32, #tpu.memory_space<vmem>> -> memref<128xi32, #tpu.memory_space<vmem>>
    %dma_wait3A_191 = arith.constant 0 : i32
    %dma_wait3A_192 = arith.constant 0 : i32
    %dma_wait3A_193 = tpu.memref_slice %arg12[%dma_wait3A_191, %dma_wait3A_192] : memref<10240x64xf32, #tpu.memory_space<vmem_shared>> -> memref<10240x64xf32, #tpu.memory_space<vmem_shared>>
    tpu.wait_indirect_dma semaphore(%arg16 : memref<!tpu.dma_semaphore, #tpu.memory_space<semaphore_mem>>) src(%arg9 : memref<128x64xf32, #tpu.memory_space<vmem>>) dst(%dma_wait3A_193 : memref<10240x64xf32, #tpu.memory_space<vmem_shared>>)
    %barrier3A_194 = arith.constant 0 : index
    tpu.barrier barrier_id(%barrier3A_194)
    %mul3A_195 = arith.constant 640 : i32
    %mul3A_196 = arith.muli %arg1, %mul3A_195 : i32
    %mul3A_197 = arith.constant 10240 : i32
    %mul3A_198 = arith.muli %arg0, %mul3A_197 : i32
    %mul3A_199 = arith.constant 640 : i32
    %mul3A_200 = arith.muli %arg1, %mul3A_199 : i32
    %add3A_201 = arith.addi %mul3A_198, %mul3A_200 : i32
    "tpu.region"() ({
      %run_scoped3A = tpu.sem_alloc : memref<!tpu.dma_semaphore, #tpu.memory_space<semaphore_mem>>
      %dma_start3A_202 = arith.constant 0 : i32
      %dma_start3A_203 = tpu.memref_slice %arg5[%add3A_201, %dma_start3A_202] : memref<20480x64xf32, #tpu.memory_space<hbm>> -> memref<640x64xf32, #tpu.memory_space<hbm>>
      %dma_start3A_204 = arith.constant 0 : i32
      %dma_start3A_205 = tpu.memref_slice %arg12[%mul3A_196, %dma_start3A_204] : memref<10240x64xf32, #tpu.memory_space<vmem_shared>> -> memref<640x64xf32, #tpu.memory_space<vmem_shared>>
      tpu.enqueue_dma source(%dma_start3A_205 : memref<640x64xf32, #tpu.memory_space<vmem_shared>>) target(%dma_start3A_203 : memref<640x64xf32, #tpu.memory_space<hbm>>) target_semaphore(%run_scoped3A : memref<!tpu.dma_semaphore, #tpu.memory_space<semaphore_mem>>)
      %dma_wait3A_206 = arith.constant 0 : i32
      %dma_wait3A_207 = tpu.memref_slice %arg5[%add3A_201, %dma_wait3A_206] : memref<20480x64xf32, #tpu.memory_space<hbm>> -> memref<640x64xf32, #tpu.memory_space<hbm>>
      %dma_wait3A_208 = arith.constant 0 : i32
      %dma_wait3A_209 = tpu.memref_slice %arg12[%mul3A_196, %dma_wait3A_208] : memref<10240x64xf32, #tpu.memory_space<vmem_shared>> -> memref<640x64xf32, #tpu.memory_space<vmem_shared>>
      tpu.wait_dma2 semaphore(%run_scoped3A : memref<!tpu.dma_semaphore, #tpu.memory_space<semaphore_mem>>) src(%dma_wait3A_209 : memref<640x64xf32, #tpu.memory_space<vmem_shared>>) dst(%dma_wait3A_207 : memref<640x64xf32, #tpu.memory_space<hbm>>)
      tpu.yield
    }) : () -> ()
    return
  }
}

module attributes {stable_mosaic.version = 14 : i64} {
  func.func @_tc_first_body(%arg0: memref<10000x128xf32, #tpu.memory_space<vmem>>, %arg1: memref<128x64xf32, #tpu.memory_space<vmem>>, %arg2: memref<20480x1xf32, #tpu.memory_space<vmem>>, %arg3: memref<10240x64xf32, #tpu.memory_space<vmem>>) attributes {dimension_semantics = [], scalar_prefetch = 0 : i64, scratch_operands = 0 : i64, tpu.core_type = #tpu.core_type<tc>} {
    %get3A = arith.constant 0 : index
    %get3A_0 = arith.constant 0 : index
    %get3A_1 = vector.load %arg2[%get3A, %get3A_0] : memref<20480x1xf32, #tpu.memory_space<vmem>>, vector<10000x1xf32>
    %get3A_2 = arith.constant 10240 : index
    %get3A_3 = arith.constant 0 : index
    %get3A_4 = vector.load %arg2[%get3A_2, %get3A_3] : memref<20480x1xf32, #tpu.memory_space<vmem>>, vector<10000x1xf32>
    %add3A = arith.addf %get3A_1, %get3A_4 : vector<10000x1xf32>
    %add3A_5 = arith.constant 1.000000e+00 : f32
    %add3A_6 = vector.broadcast %add3A_5 : f32 to vector<10000x1xf32>
    %add3A_7 = arith.addf %add3A, %add3A_6 : vector<10000x1xf32>
    %rsqrt3A = math.rsqrt %add3A_7 : vector<10000x1xf32>
    %get3A_8 = arith.constant 0 : index
    %get3A_9 = arith.constant 0 : index
    %get3A_10 = vector.load %arg0[%get3A_8, %get3A_9] : memref<10000x128xf32, #tpu.memory_space<vmem>>, vector<10000x128xf32>
    %get3A_11 = arith.constant 0 : index
    %get3A_12 = arith.constant 0 : index
    %get3A_13 = vector.load %arg1[%get3A_11, %get3A_12] : memref<128x64xf32, #tpu.memory_space<vmem>>, vector<128x64xf32>
    %dot_general3A = arith.constant dense<0.000000e+00> : vector<10000x64xf32>
    %dot_general3A_14 = tpu.matmul %get3A_10, %get3A_13, %dot_general3A {dimension_numbers = #tpu.dot_dimension_numbers<[1], [0], [0], [1], [0, 0, 1, 1], [], []>, transpose_lhs_hint = false} : vector<10000x128xf32>, vector<128x64xf32>, vector<10000x64xf32> -> vector<10000x64xf32>
    %mul3A = vector.broadcast %rsqrt3A : vector<10000x1xf32> to vector<10000x64xf32>
    %mul3A_15 = arith.mulf %dot_general3A_14, %mul3A : vector<10000x64xf32>
    %swap3A = arith.constant 0 : index
    %swap3A_16 = arith.constant 0 : index
    %swap3A_17 = vector.load %arg3[%swap3A, %swap3A_16] : memref<10240x64xf32, #tpu.memory_space<vmem>>, vector<10000x64xf32>
    tpu.vector_store %arg3[%swap3A, %swap3A_16], %mul3A_15 {strides = array<i32>} : memref<10240x64xf32, #tpu.memory_space<vmem>>, vector<10000x64xf32>,
    %broadcast_in_dim3A = arith.constant 0.000000e+00 : f32
    %broadcast_in_dim3A_18 = vector.broadcast %broadcast_in_dim3A : f32 to vector<240x64xf32>
    %swap3A_19 = arith.constant 10000 : index
    %swap3A_20 = arith.constant 0 : index
    %swap3A_21 = vector.load %arg3[%swap3A_19, %swap3A_20] : memref<10240x64xf32, #tpu.memory_space<vmem>>, vector<240x64xf32>
    tpu.vector_store %arg3[%swap3A_19, %swap3A_20], %broadcast_in_dim3A_18 {strides = array<i32>} : memref<10240x64xf32, #tpu.memory_space<vmem>>, vector<240x64xf32>,
    return
  }
}

module attributes {stable_mosaic.version = 14 : i64} {
  func.func @_tc_mid_body(%arg0: memref<20480x64xf32, #tpu.memory_space<vmem>>, %arg1: memref<10240x64xf32, #tpu.memory_space<vmem>>, %arg2: memref<20480x1xf32, #tpu.memory_space<vmem>>, %arg3: memref<1x64xf32, #tpu.memory_space<vmem>>, %arg4: memref<64x64xf32, #tpu.memory_space<vmem>>, %arg5: memref<10240x64xf32, #tpu.memory_space<vmem>>) attributes {dimension_semantics = [], scalar_prefetch = 0 : i64, scratch_operands = 0 : i64, tpu.core_type = #tpu.core_type<tc>} {
    %get3A = arith.constant 0 : index
    %get3A_0 = arith.constant 0 : index
    %get3A_1 = vector.load %arg2[%get3A, %get3A_0] : memref<20480x1xf32, #tpu.memory_space<vmem>>, vector<10240x1xf32>
    %get3A_2 = arith.constant 10240 : index
    %get3A_3 = arith.constant 0 : index
    %get3A_4 = vector.load %arg2[%get3A_2, %get3A_3] : memref<20480x1xf32, #tpu.memory_space<vmem>>, vector<10240x1xf32>
    %add3A = arith.addf %get3A_1, %get3A_4 : vector<10240x1xf32>
    %add3A_5 = arith.constant 1.000000e+00 : f32
    %add3A_6 = vector.broadcast %add3A_5 : f32 to vector<10240x1xf32>
    %add3A_7 = arith.addf %add3A, %add3A_6 : vector<10240x1xf32>
    %rsqrt3A = math.rsqrt %add3A_7 : vector<10240x1xf32>
    %get3A_8 = arith.constant 0 : index
    %get3A_9 = arith.constant 0 : index
    %get3A_10 = vector.load %arg0[%get3A_8, %get3A_9] : memref<20480x64xf32, #tpu.memory_space<vmem>>, vector<10240x64xf32>
    %get3A_11 = arith.constant 10240 : index
    %get3A_12 = arith.constant 0 : index
    %get3A_13 = vector.load %arg0[%get3A_11, %get3A_12] : memref<20480x64xf32, #tpu.memory_space<vmem>>, vector<10240x64xf32>
    %add3A_14 = arith.addf %get3A_10, %get3A_13 : vector<10240x64xf32>
    %get3A_15 = arith.constant 0 : index
    %get3A_16 = arith.constant 0 : index
    %get3A_17 = vector.load %arg1[%get3A_15, %get3A_16] : memref<10240x64xf32, #tpu.memory_space<vmem>>, vector<10240x64xf32>
    %add3A_18 = arith.addf %add3A_14, %get3A_17 : vector<10240x64xf32>
    %mul3A = vector.broadcast %rsqrt3A : vector<10240x1xf32> to vector<10240x64xf32>
    %mul3A_19 = arith.mulf %add3A_18, %mul3A : vector<10240x64xf32>
    %get3A_20 = arith.constant 0 : index
    %get3A_21 = arith.constant 0 : index
    %get3A_22 = vector.load %arg3[%get3A_20, %get3A_21] : memref<1x64xf32, #tpu.memory_space<vmem>>, vector<1x64xf32>
    %add3A_23 = vector.broadcast %get3A_22 : vector<1x64xf32> to vector<10240x64xf32>
    %add3A_24 = arith.addf %mul3A_19, %add3A_23 : vector<10240x64xf32>
    %max3A = arith.constant 0.000000e+00 : f32
    %max3A_25 = vector.broadcast %max3A : f32 to vector<10240x64xf32>
    %max3A_26 = arith.maximumf %add3A_24, %max3A_25 : vector<10240x64xf32>
    %get3A_27 = arith.constant 0 : index
    %get3A_28 = arith.constant 0 : index
    %get3A_29 = vector.load %arg4[%get3A_27, %get3A_28] : memref<64x64xf32, #tpu.memory_space<vmem>>, vector<64x64xf32>
    %dot_general3A = arith.constant dense<0.000000e+00> : vector<10240x64xf32>
    %dot_general3A_30 = tpu.matmul %max3A_26, %get3A_29, %dot_general3A {dimension_numbers = #tpu.dot_dimension_numbers<[1], [0], [0], [1], [0, 0, 1, 1], [], []>, transpose_lhs_hint = false} : vector<10240x64xf32>, vector<64x64xf32>, vector<10240x64xf32> -> vector<10240x64xf32>
    %mul3A_31 = vector.broadcast %rsqrt3A : vector<10240x1xf32> to vector<10240x64xf32>
    %mul3A_32 = arith.mulf %dot_general3A_30, %mul3A_31 : vector<10240x64xf32>
    %swap3A = arith.constant 0 : index
    %swap3A_33 = arith.constant 0 : index
    %swap3A_34 = vector.load %arg5[%swap3A, %swap3A_33] : memref<10240x64xf32, #tpu.memory_space<vmem>>, vector<10240x64xf32>
    tpu.vector_store %arg5[%swap3A, %swap3A_33], %mul3A_32 {strides = array<i32>} : memref<10240x64xf32, #tpu.memory_space<vmem>>, vector<10240x64xf32>,
    return
  }
}

module attributes {stable_mosaic.version = 14 : i64} {
  func.func @_tc_final_body(%arg0: memref<20480x64xf32, #tpu.memory_space<vmem>>, %arg1: memref<10240x64xf32, #tpu.memory_space<vmem>>, %arg2: memref<20480x1xf32, #tpu.memory_space<vmem>>, %arg3: memref<1x64xf32, #tpu.memory_space<vmem>>, %arg4: memref<64x64xf32, #tpu.memory_space<vmem>>, %arg5: memref<1x64xf32, #tpu.memory_space<vmem>>, %arg6: memref<64x40xf32, #tpu.memory_space<vmem>>, %arg7: memref<1x40xf32, #tpu.memory_space<vmem>>, %arg8: memref<10240x40xf32, #tpu.memory_space<vmem>>) attributes {dimension_semantics = [], scalar_prefetch = 0 : i64, scratch_operands = 0 : i64, tpu.core_type = #tpu.core_type<tc>} {
    %get3A = arith.constant 0 : index
    %get3A_0 = arith.constant 0 : index
    %get3A_1 = vector.load %arg2[%get3A, %get3A_0] : memref<20480x1xf32, #tpu.memory_space<vmem>>, vector<10240x1xf32>
    %get3A_2 = arith.constant 10240 : index
    %get3A_3 = arith.constant 0 : index
    %get3A_4 = vector.load %arg2[%get3A_2, %get3A_3] : memref<20480x1xf32, #tpu.memory_space<vmem>>, vector<10240x1xf32>
    %add3A = arith.addf %get3A_1, %get3A_4 : vector<10240x1xf32>
    %add3A_5 = arith.constant 1.000000e+00 : f32
    %add3A_6 = vector.broadcast %add3A_5 : f32 to vector<10240x1xf32>
    %add3A_7 = arith.addf %add3A, %add3A_6 : vector<10240x1xf32>
    %rsqrt3A = math.rsqrt %add3A_7 : vector<10240x1xf32>
    %get3A_8 = arith.constant 0 : index
    %get3A_9 = arith.constant 0 : index
    %get3A_10 = vector.load %arg0[%get3A_8, %get3A_9] : memref<20480x64xf32, #tpu.memory_space<vmem>>, vector<10240x64xf32>
    %get3A_11 = arith.constant 10240 : index
    %get3A_12 = arith.constant 0 : index
    %get3A_13 = vector.load %arg0[%get3A_11, %get3A_12] : memref<20480x64xf32, #tpu.memory_space<vmem>>, vector<10240x64xf32>
    %add3A_14 = arith.addf %get3A_10, %get3A_13 : vector<10240x64xf32>
    %get3A_15 = arith.constant 0 : index
    %get3A_16 = arith.constant 0 : index
    %get3A_17 = vector.load %arg1[%get3A_15, %get3A_16] : memref<10240x64xf32, #tpu.memory_space<vmem>>, vector<10240x64xf32>
    %add3A_18 = arith.addf %add3A_14, %get3A_17 : vector<10240x64xf32>
    %mul3A = vector.broadcast %rsqrt3A : vector<10240x1xf32> to vector<10240x64xf32>
    %mul3A_19 = arith.mulf %add3A_18, %mul3A : vector<10240x64xf32>
    %get3A_20 = arith.constant 0 : index
    %get3A_21 = arith.constant 0 : index
    %get3A_22 = vector.load %arg3[%get3A_20, %get3A_21] : memref<1x64xf32, #tpu.memory_space<vmem>>, vector<1x64xf32>
    %add3A_23 = vector.broadcast %get3A_22 : vector<1x64xf32> to vector<10240x64xf32>
    %add3A_24 = arith.addf %mul3A_19, %add3A_23 : vector<10240x64xf32>
    %max3A = arith.constant 0.000000e+00 : f32
    %max3A_25 = vector.broadcast %max3A : f32 to vector<10240x64xf32>
    %max3A_26 = arith.maximumf %add3A_24, %max3A_25 : vector<10240x64xf32>
    %get3A_27 = arith.constant 0 : index
    %get3A_28 = arith.constant 0 : index
    %get3A_29 = vector.load %arg4[%get3A_27, %get3A_28] : memref<64x64xf32, #tpu.memory_space<vmem>>, vector<64x64xf32>
    %dot_general3A = arith.constant dense<0.000000e+00> : vector<10240x64xf32>
    %dot_general3A_30 = tpu.matmul %max3A_26, %get3A_29, %dot_general3A {dimension_numbers = #tpu.dot_dimension_numbers<[1], [0], [0], [1], [0, 0, 1, 1], [], []>, transpose_lhs_hint = false} : vector<10240x64xf32>, vector<64x64xf32>, vector<10240x64xf32> -> vector<10240x64xf32>
    %get3A_31 = arith.constant 0 : index
    %get3A_32 = arith.constant 0 : index
    %get3A_33 = vector.load %arg5[%get3A_31, %get3A_32] : memref<1x64xf32, #tpu.memory_space<vmem>>, vector<1x64xf32>
    %add3A_34 = vector.broadcast %get3A_33 : vector<1x64xf32> to vector<10240x64xf32>
    %add3A_35 = arith.addf %dot_general3A_30, %add3A_34 : vector<10240x64xf32>
    %max3A_36 = arith.constant 0.000000e+00 : f32
    %max3A_37 = vector.broadcast %max3A_36 : f32 to vector<10240x64xf32>
    %max3A_38 = arith.maximumf %add3A_35, %max3A_37 : vector<10240x64xf32>
    %get3A_39 = arith.constant 0 : index
    %get3A_40 = arith.constant 0 : index
    %get3A_41 = vector.load %arg6[%get3A_39, %get3A_40] : memref<64x40xf32, #tpu.memory_space<vmem>>, vector<64x40xf32>
    %dot_general3A_42 = arith.constant dense<0.000000e+00> : vector<10240x40xf32>
    %dot_general3A_43 = tpu.matmul %max3A_38, %get3A_41, %dot_general3A_42 {dimension_numbers = #tpu.dot_dimension_numbers<[1], [0], [0], [1], [0, 0, 1, 1], [], []>, transpose_lhs_hint = false} : vector<10240x64xf32>, vector<64x40xf32>, vector<10240x40xf32> -> vector<10240x40xf32>
    %get3A_44 = arith.constant 0 : index
    %get3A_45 = arith.constant 0 : index
    %get3A_46 = vector.load %arg7[%get3A_44, %get3A_45] : memref<1x40xf32, #tpu.memory_space<vmem>>, vector<1x40xf32>
    %add3A_47 = vector.broadcast %get3A_46 : vector<1x40xf32> to vector<10240x40xf32>
    %add3A_48 = arith.addf %dot_general3A_43, %add3A_47 : vector<10240x40xf32>
    %reduce_max3A = arith.constant dense<0xFF800000> : vector<10240xf32>
    %reduce_max3A_49 = vector.multi_reduction <maximumf>, %add3A_48, %reduce_max3A [1] : vector<10240x40xf32> to vector<10240xf32>
    %broadcast_in_dim3A = vector.shape_cast %reduce_max3A_49 : vector<10240xf32> to vector<10240x1xf32>
    %sub3A = vector.broadcast %broadcast_in_dim3A : vector<10240x1xf32> to vector<10240x40xf32>
    %sub3A_50 = arith.subf %add3A_48, %sub3A : vector<10240x40xf32>
    %exp3A = math.exp %sub3A_50 : vector<10240x40xf32>
    %reduce_sum3A = arith.constant dense<0.000000e+00> : vector<10240xf32>
    %reduce_sum3A_51 = vector.multi_reduction <add>, %exp3A, %reduce_sum3A [1] : vector<10240x40xf32> to vector<10240xf32>
    %broadcast_in_dim3A_52 = vector.shape_cast %reduce_sum3A_51 : vector<10240xf32> to vector<10240x1xf32>
    %log3A = math.log %broadcast_in_dim3A_52 : vector<10240x1xf32>
    %add3A_53 = arith.addf %log3A, %broadcast_in_dim3A : vector<10240x1xf32>
    %sub3A_54 = vector.broadcast %add3A_53 : vector<10240x1xf32> to vector<10240x40xf32>
    %sub3A_55 = arith.subf %add3A_48, %sub3A_54 : vector<10240x40xf32>
    %swap3A = arith.constant 0 : index
    %swap3A_56 = arith.constant 0 : index
    %swap3A_57 = vector.load %arg8[%swap3A, %swap3A_56] : memref<10240x40xf32, #tpu.memory_space<vmem>>, vector<10240x40xf32>
    tpu.vector_store %arg8[%swap3A, %swap3A_56], %sub3A_55 {strides = array<i32>} : memref<10240x40xf32, #tpu.memory_space<vmem>>, vector<10240x40xf32>,
    return
  }
}

</mosaic_0001>

<sc_bundles>
// kernel: kernel.10.cloned.1.call-start
scs
__scs_entry_jumppad:
0x0: {  	(pc) =	sbr.rel $0x88, $3  }
0x1: {  	(tag) =	ssettag $0x0;
	lr =	simm.s32 $0x1  }
0x2: {  	[smem:$0x3F95] =	sst lr;
	_ =	strace $0xD0000000  }
0x3: {  	_ = 	snop  }
0x4: {  	_ = 	snop  }
0x5: {  	_ = 	snop  }
0x6: {  	_ = 	snop  }
0x7: {  	_ = 	snop  }
__scs_overlays_trampoline_lowered:
0x8: {  	[smem:$0x3FA4] =	sst s0  }
0x9: {  	[smem:$0x3FA5] =	sst s1  }
0xa: {  	[smem:$0x3FA6] =	sst s2  }
0xb: {  	[smem:$0x3FA7] =	sst s3  }
0xc: {  	[smem:$0x3FA8] =	sst s4  }
0xd: {  	[smem:$0x3FA9] =	sst s5  }
0xe: {  	[smem:$0x3FAA] =	sst s6  }
0xf: {  	[smem:$0x3FAB] =	sst s7  }
0x10: {  	[smem:$0x3FAC] =	sst s8  }
0x11: {  	[smem:$0x3FAD] =	sst s9;
	s0 =	simm.s32 @!p0 $0x0  }
0x12: {  	s1 =	sld [smem:$0x3F93];
	s0 =	simm.s32 @p0 $0x1  }
0x13: {  	[smem:$0x3FAE] =	sst s0;
	s0 =	simm.s32 @!p1 $0x0  }
0x14: {  	s2 =	sld [smem:$0x3F92];
	s0 =	simm.s32 @p1 $0x1  }
0x15: {  	[smem:$0x3FAF] =	sst s0;
	s0 =	simm.s32 @!p2 $0x0  }
0x16: {  	s3 =	sld [smem:$0x3FDB];
	s0 =	simm.s32 @p2 $0x1  }
0x17: {  	s4 =	simm.s32 $0x1BF5;
	[smem:$0x3FB1] =	sst s0  }
0x18: {  	s0 =	sld [smem:$0x3F94];
	_ =	swait.ge [sflag:s4], $0x0  }
0x19: {  	s7 =	sld [smem:$0x3F95]  }
0x1a: {  	s8 =	sadd.s32 $0xFFFFE003, lr  }
0x1b: {  	s9 =	sadd.s32 $0xFFFFFEF7, lr;
	s5 =	simm.s32 $0xFFFFFFFF;
	p2 =	slt.u32 s8, $0xFFFFF086  }
0x1c: {  	p1 =	slt.u32 s9, $0xF7A;
	s5 =	simm.s32 @!p2 $0x0  }
0x1d: {  	s5 =	simm.s32 @p1 $0x1;
	p0 =	seq.s32 s7, s2  }
0x1e: {  	s7 =	smul.u32 @!p0 $0xF7A, s2;
	p2 =	seq.s32 @!p0 s5, $0x0  }
0x1f: {  	s9 =	smul.u32 $0xF7A, s1;
	s8 =	simm.s32 @!p0 $0x1BF5;
	p2 =	por !p2, p0  }
0x20: {  	[sflag:s8] =	ssyncset.s32 @!p0 $0xFFFFF086;
	s6 =	sadd.s32 @!p0 s3, s7;
	s7 =	simm.s32 @!p0 $0x108  }
0x21: {  	s3 =	sadd.s32 s3, s9;
	s6 =	sadd.s32 @!p0 $0x88, s6;
	s7 =	simm.s32 @p2 $0x1082  }
0x22: {  	[simem:s7], [sflag:s8] =	dma.local @!p0 [hbm:s6], $0xF7A  }
0x23: {  	s9 =	sor.u32 $0xD0000000, s2;
	s6 =	simm.s32 $0x108;
	_ =	swait.ge @!p0 [sflag:s8], $0x0  }
0x24: {  	s3 =	sadd.s32 $0x88, s3;
	s6 =	simm.s32 @!p1 $0x1082;
	[sflag:s4] =	ssyncset.s32 $0xFFFFF086  }
0x25: {  	[simem:s6], [sflag:s4] =	dma.local [hbm:s3], $0xF7A  }
0x26: {  	[smem:$0x3F95] =	sst s1;
	(tag) =	ssettag s2;
	_ =	strace s9  }
0x27: {  	s1 =	sld [smem:$0x3FA5]  }
0x28: {  	s2 =	sld [smem:$0x3FA6]  }
0x29: {  	s4 =	sld [smem:$0x3FA8]  }
0x2a: {  	p0 =	seq.s32 s5, $0x0;
	s5 =	sld [smem:$0x3FA9]  }
0x2b: {  	s6 =	sld [smem:$0x3FAA]  }
0x2c: {  	s7 =	sld [smem:$0x3FAB]  }
0x2d: {  	s3 =	simm.s32 $0x108;
	s8 =	sld [smem:$0x3FAC]  }
0x2e: {  	s3 =	simm.s32 @!p0 $0x1082;
	s9 =	sld [smem:$0x3FAD]  }
0x2f: {  	lr =	sadd.s32 s0, s3;
	s0 =	sld [smem:$0x3FA4]  }
0x30: {  	s3 =	sld [smem:$0x3FA7]  }
0x31: {  	[smem:$0x3FB0] =	sst s10  }
0x32: {  	s10 =	sld [smem:$0x3FAE];
	_ =	sdelay $0x3  }
0x33: {  	p0 =	seq.s32 s10, $0x1;
	s10 =	sld [smem:$0x3FB0];
	_ =	sdelay $0x3  }
0x34: {  	[smem:$0x3FB0] =	sst s10  }
0x35: {  	s10 =	sld [smem:$0x3FAF];
	_ =	sdelay $0x3  }
0x36: {  	p1 =	seq.s32 s10, $0x1;
	s10 =	sld [smem:$0x3FB0];
	_ =	sdelay $0x3  }
0x37: {  	[smem:$0x3FB0] =	sst s10  }
0x38: {  	s10 =	sld [smem:$0x3FB1]  }
0x39: {  	_ = 	snop;
	(pc) =	sbr.ind lr, $3  }
0x3a: {  	_ = 	snop  }
0x3b: {  	_ = 	snop  }
0x3c: {  	p2 =	seq.s32 s10, $0x1;
	s10 =	sld [smem:$0x3FB0]  }
0x3d: {  	_ =	shalt  }
0x3e: {  	_ =	shalt  }
0x3f: {  	_ =	shalt  }
0x40: {  	_ =	shalt  }
0x41: {  	_ =	shalt  }
0x42: {  	_ =	shalt  }
0x43: {  	_ =	shalt  }
0x44: {  	_ =	shalt  }
0x45: {  	_ =	shalt  }
0x46: {  	_ =	shalt  }
0x47: {  	_ =	shalt  }
0x48: {  	_ =	shalt  }
0x49: {  	_ =	shalt  }
0x4a: {  	_ =	shalt  }
0x4b: {  	_ =	shalt  }
0x4c: {  	_ =	shalt  }
0x4d: {  	_ =	shalt  }
0x4e: {  	_ =	shalt  }
0x4f: {  	_ =	shalt  }
0x50: {  	_ =	shalt  }
0x51: {  	_ =	shalt  }
0x52: {  	_ =	shalt  }
0x53: {  	_ =	shalt  }
0x54: {  	_ =	shalt  }
0x55: {  	_ =	shalt  }
0x56: {  	_ =	shalt  }
0x57: {  	_ =	shalt  }
0x58: {  	_ =	shalt  }
0x59: {  	_ =	shalt  }
0x5a: {  	_ =	shalt  }
0x5b: {  	_ =	shalt  }
0x5c: {  	_ =	shalt  }
0x5d: {  	_ =	shalt  }
0x5e: {  	_ =	shalt  }
0x5f: {  	_ =	shalt  }
0x60: {  	_ =	shalt  }
0x61: {  	_ =	shalt  }
0x62: {  	_ =	shalt  }
0x63: {  	_ =	shalt  }
0x64: {  	_ =	shalt  }
0x65: {  	_ =	shalt  }
0x66: {  	_ =	shalt  }
0x67: {  	_ =	shalt  }
0x68: {  	_ =	shalt  }
0x69: {  	_ =	shalt  }
0x6a: {  	_ =	shalt  }
0x6b: {  	_ =	shalt  }
0x6c: {  	_ =	shalt  }
0x6d: {  	_ =	shalt  }
0x6e: {  	_ =	shalt  }
0x6f: {  	_ =	shalt  }
0x70: {  	_ =	shalt  }
0x71: {  	_ =	shalt  }
0x72: {  	_ =	shalt  }
0x73: {  	_ =	shalt  }
0x74: {  	_ =	shalt  }
0x75: {  	_ =	shalt  }
0x76: {  	_ =	shalt  }
0x77: {  	_ =	shalt  }
0x78: {  	_ =	shalt  }
0x79: {  	_ =	shalt  }
0x7a: {  	_ =	shalt  }
0x7b: {  	_ =	shalt  }
0x7c: {  	_ =	shalt  }
0x7d: {  	_ =	shalt  }
0x7e: {  	_ =	shalt  }
0x7f: {  	_ =	shalt  }
0x80: {  	_ =	shalt  }
0x81: {  	_ =	shalt  }
0x82: {  	_ =	shalt  }
0x83: {  	_ =	shalt  }
0x84: {  	_ =	shalt  }
0x85: {  	_ =	shalt  }
0x86: {  	_ =	shalt  }
0x87: {  	_ =	shalt  }
.Lfunc_end0:
.L_simem_size_0:
called_computation_lowered:
.L_overlay_start_0:
0x88: {  	s2 =	sld [smem:$0x3FD9]  }
0x89: {  	s3 =	sld [smem:$0x3FFE];
	_ =	sdelay $0x1  }
0x8a: {  	s1 =	srdreg.scid  }
0x8b: {  	s0 =	sand.u32 $0x1, s1  }
0x8c: {  	s17 =	sshll.u32 s0, $0xA;
	s2 =	sadd.s32 s3, s2  }
0x8d: {  	s2 =	sadd.s32 s2, s17  }
0x8e: {  	[smem:$0x3FBC] =	sst s2  }
0x8f: {  	_ = 	snop  }
0x90: {  	s2 =	sld [smem:$0x3FD0];
	(tm) =	ssettm $0x1  }
0x91: {  	s18 =	sld [smem:$0x3FFB];
	_ =	sdelay $0x3  }
0x92: {  	_ =	strace s18  }
0x93: {  	s3 =	sld [smem:$0x3FFC];
	_ =	sdelay $0x3  }
0x94: {  	_ =	strace s3  }
0x95: {  	s3 =	sld [smem:$0x3FFD];
	_ =	sdelay $0x3  }
0x96: {  	_ =	strace s3  }
0x97: {  	_ =	strace $0x8FFFFFFF  }
0x98: {  	s19 =	sld [smem:$0x3FDB];
	_ =	sdelay $0x1  }
0x99: {  	s4 =	simm.s32 $_scs_section_size  }
0x9a: {  	s5 =	simm.s32 $_size__tile_overlayer_lowered;
	s6 =	simm.s32 $_tile_overlayer_lowered  }
0x9b: {  	s22 =	simm.s32 $0x1BFF;
	s21 =	sshll.u32 s6, $0x1;
	s3 =	sadd.s32 s4, s19  }
0x9c: {  	s7 =	simm.s32 $0x0;
	s20 =	sshll.u32 s5, $0x1;
	s5 =	sadd.s32 s21, s3  }
0x9d: {  	[timem:s7], [sflag:s22] =	dma.local [hbm:s5], s20  }
0x9e: {  	_ =	swait.ge [sflag:s22], s20  }
0x9f: {  	s4 =	ssub.s32 $0x0, s20;
	[sflag:s22] =	ssyncset.done $0x0  }
0xa0: {  	[sflag:s22] =	ssyncadd.s32 s4;
	_ =	sdelay $0x1  }
0xa1: {  	s23 =	simm.s32 $0x1B8B  }
0xa2: {  	_ =	swait.ge [sflag:s23], $0x1  }
0xa3: {  	[sflag:s23] =	ssyncset.done $0x0  }
0xa4: {  	s25 =	simm.s32 $0x1B8E;
	s24 =	sld [smem:$0x3FFE];
	[sflag:s23] =	ssyncadd.s32 $0xFFFFFFFF  }
0xa5: {  	s26 =	simm.s32 $execute0_lowered;
	[smem:$0x3FD2] =	sst s25  }
0xa6: {  	s5 =	sshll.u32 s26, $0x1;
	_ =	strace $0x80000046;
	[dreg:$0x1] =	wrdreg $0xFFFFFFFF  }
0xa7: {  	s28 =	simm.s32 $_size_execute0_lowered;
	s3 =	sadd.s32 s3, s5;
	[dreg:$0x0] =	wrdreg $0x0  }
0xa8: {  	s5 =	sshll.u32 s28, $0x1;
	[dreg:$0x2] =	wrdreg s3  }
0xa9: {  	[dreg:$0x3] =	wrdreg s5  }
0xaa: {  	[dreg:$0x4] =	wrdreg $0xC0  }
0xab: {  	_ =	task [dreg:s7], $0x5FFFF  }
0xac: {  	[dreg:$0x1] =	wrdreg $0xFFFFFFFF  }
0xad: {  	[dreg:$0x0] =	wrdreg $0x60  }
0xae: {  	[dreg:$0x2] =	wrdreg s2  }
0xaf: {  	[dreg:$0x3] =	wrdreg s24  }
0xb0: {  	[dreg:$0x4] =	wrdreg $0x2B000  }
0xb1: {  	[dreg:$0x5] =	wrdreg $0x9  }
0xb2: {  	_ =	task.clear_ibuf [dreg:s7], $0x6FFFF;
	_ =	strace $0x90000046  }
0xb3: {  	s29 =	simm.s32 $0x9;
	_ =	strace $0x80000048  }
0xb4: {  	_ =	swait.ge [sflag:s29], $0x1  }
0xb5: {  	[sflag:s29] =	ssyncadd.s32 $0xFFFFFFFF  }
0xb6: {  	_ =	strace $0x90000048  }
0xb7: {  	_ =	sfence  }
0xb8: {  	s30 =	sld [smem:$0x0];
	_ =	sdelay $0x2  }
0xb9: {  	s31 =	sshll.u32 s1, $0xD;
	s1 =	sshrl.u32 s1, $0x2  }
0xba: {  	s3 =	sand.u32 $0x4000, s31;
	s1 =	sadd.s32 s1, s30  }
0xbb: {  	s0 =	sor.u32 s3, s0;
	s1 =	sshll.u32 s1, $0x11  }
0xbc: {  	s0 =	sor.u32 s1, s0  }
0xbd: {  	s0 =	sadd.s32 $0x8F2B, s0  }
0xbe: {  	[sflag:s0] =	ssyncadd.remote.s32 $0x1  }
0xbf: {  	_ =	sfence.sel $0xFFFF  }
0xc0: {  	[dreg:$0x0] =	wrdreg $0xFFFFFFFF;
	(pc) =	sbr.abs _section_cstart, $3  }
0xc1: {  	[dreg:$0x1] =	wrdreg $0xFFFFFFFF  }
0xc2: {  	_ =	task.clear_ibuf [dreg:s7], $0x2FFFF;
	_ =	strace $0x9FFFFFFF  }
0xc3: {  	(tm) =	ssettm $0x7FFFFFFF  }
tec
execute0_lowered:
.L_overlay_start_1:
0x0: {  	(tag) =	ssettag $0x1  }
0x1: {  	s5 =	rddreg [dreg:$0x0]  }
0x2: {  	s4 =	rddreg [dreg:$0x1]  }
0x3: {  	s2 =	rddreg [dreg:$0x2]  }
0x4: {  	s0 =	rddreg [dreg:$0x3]  }
0x5: {  	s6 =	srdreg.scid;
	s1 =	stileid.u32;
	s3 =	simm.s32 $0x0  }
0x6: {  	s11 =	simm.s32 $0x2800;
	s12 =	simm.s32 $0x1;
	s15 =	simm.s32 $0x0  }
0x7: {  	s6 =	sand.u32 $0x1, s6;
	s7 =	smul.u32 $0x280, s1;
	[smem:$0x7FF] =	sst s3  }
0x8: {  	s13 =	sshll.u32 s1, $0x6;
	s8 =	smul.u32 $0x2800, s6;
	s9 =	sshll.u32 s6, $0x4  }
0x9: {  	_ =	strace $0x80000047;
	s6 =	ssub.s32 $0x2, s6;
	s9 =	sor.u32 s1, s9  }
0xa: {  	s10 =	sshrl.u32 s6, $0x1;
	s8 =	sadd.s32 s7, s8;
	s9 =	smul.u32 $0x500, s9  }
0xb: {  	s13 =	sor.u32 $0x1C02, s13;
	s10 =	ssub.s32 s6, s10;
	s8 =	sshrl.u32 s8, $0x3  }
0xc: {  	s8 =	sadd.s32 s8, s4;
	s4 =	sadd.s32 s7, s2;
	s5 =	sadd.s32 s5, s9  }
0xd: {  	s7 =	smax.u32 s10, $0x1;
	s9 =	simm.s32 $0x2;
	s10 =	simm.s32 $0x80  }
0xe: {  	v0 =	vimm.f32 $1.000000000e+00;
	v1 =	vimm.f32 $0.0e+00;
	s6 =	sadd.s32 $0x2A00, s8;
	s8 =	simm.s32 $0x2880;
	s14 =	sshrl.u32 s4, $0x3  }
.LBB2_1:
0xf: {  	[tilespmem:$0x2800] =	vst v0  }
0x10: {  	[tilespmem:$0x2810] =	vst v0  }
0x11: {  	[tilespmem:$0x2820] =	vst v0  }
0x12: {  	[tilespmem:$0x2830] =	vst v0  }
0x13: {  	[tilespmem:$0x2840] =	vst v0  }
0x14: {  	[tilespmem:$0x2850] =	vst v0  }
0x15: {  	[tilespmem:$0x2860] =	vst v0  }
0x16: {  	[tilespmem:$0x2870] =	vst v0  }
0x17: {  	[tilespmem:$0x2880] =	vst v1  }
0x18: {  	[tilespmem:$0x2890] =	vst v1  }
0x19: {  	[tilespmem:$0x28A0] =	vst v1  }
0x1a: {  	[tilespmem:$0x28B0] =	vst v1  }
0x1b: {  	[tilespmem:$0x28C0] =	vst v1  }
0x1c: {  	[tilespmem:$0x28D0] =	vst v1  }
0x1d: {  	[tilespmem:$0x28E0] =	vst v1  }
0x1e: {  	[tilespmem:$0x28F0] =	vst v1  }
0x1f: {  	[tilespmem:$0x2900] =	vst v1  }
0x20: {  	[tilespmem:$0x2910] =	vst v1  }
0x21: {  	[tilespmem:$0x2920] =	vst v1  }
0x22: {  	[tilespmem:$0x2930] =	vst v1  }
0x23: {  	[tilespmem:$0x2940] =	vst v1  }
0x24: {  	[tilespmem:$0x2950] =	vst v1  }
0x25: {  	[tilespmem:$0x2960] =	vst v1  }
0x26: {  	[tilespmem:$0x2970] =	vst v1  }
0x27: {  	[tilespmem:$0x2980] =	vst v1  }
0x28: {  	[tilespmem:$0x2990] =	vst v1  }
0x29: {  	[tilespmem:$0x29A0] =	vst v1  }
0x2a: {  	[tilespmem:$0x29B0] =	vst v1  }
0x2b: {  	[tilespmem:$0x29C0] =	vst v1  }
0x2c: {  	[tilespmem:$0x29D0] =	vst v1  }
0x2d: {  	[tilespmem:$0x29E0] =	vst v1  }
0x2e: {  	[tilespmem:$0x29F0] =	vst v1  }
0x2f: {  	[tilespmem:$0x2A00] =	vst v1  }
0x30: {  	[tilespmem:$0x2A10] =	vst v1  }
0x31: {  	[tilespmem:$0x2A20] =	vst v1  }
0x32: {  	[tilespmem:$0x2A30] =	vst v1  }
0x33: {  	[tilespmem:$0x2A40] =	vst v1  }
0x34: {  	[tilespmem:$0x2A50] =	vst v1  }
0x35: {  	[tilespmem:$0x2A60] =	vst v1  }
0x36: {  	[tilespmem:$0x2A70] =	vst v1  }
0x37: {  	[tilespmem:$0x2A80] =	vst v1  }
0x38: {  	[tilespmem:$0x2A90] =	vst v1  }
0x39: {  	[tilespmem:$0x2AA0] =	vst v1  }
0x3a: {  	[tilespmem:$0x2AB0] =	vst v1  }
0x3b: {  	[tilespmem:$0x2AC0] =	vst v1  }
0x3c: {  	[tilespmem:$0x2AD0] =	vst v1  }
0x3d: {  	[tilespmem:$0x2AE0] =	vst v1  }
0x3e: {  	[tilespmem:$0x2AF0] =	vst v1  }
0x3f: {  	[spmem:s4] =	stream.linear.scatter [tilespmem:s8], [sflag:$0x2], $0x280, $0x38;
	[tilespmem:$0x2D80] =	vst v63  }
0x40: {  	_ =	swait.ge [sflag:s9], $0x280  }
0x41: {  	[sflag:s9] =	ssyncset.done $0x0  }
0x42: {  	[sflag:s9] =	ssyncadd.s32 $0xFFFFFD80  }
0x43: {  	[tilespmem:s3], [sflag:$0x2] =	stream.linear.gather [hbm4b:s5+s3], $0x2800, $0x38;
	[tilespmem:$0x2D80] =	vst v63  }
0x44: {  	_ =	swait.ge [sflag:s9], $0x2800  }
0x45: {  	[sflag:s9] =	ssyncset.done $0x0  }
0x46: {  	[sflag:s9] =	ssyncadd.s32 $0xFFFFD800  }
0x47: {  	s16 =	simm.s32 $0x0;
	[bflag:$0x0] =	sbarrier.arrive $0xFFFF  }
0x48: {  	[spmem:s2] =	stream.indirect.scatter.add.f32 [tilespmem:s11], [sflag:$0x1], $0x1, s16, s10, $0xb8;
	[tilespmem:$0x2D80] =	vst v63  }
0x49: {  	s24 =	simm.s32 $0x80  }
0x4a: {  	[spmem:s2] =	stream.indirect.scatter.add.f32 [tilespmem:s11], [sflag:$0x1], $0x1, s24, s10, $0xb8;
	[tilespmem:$0x2D80] =	vst v63  }
0x4b: {  	s25 =	simm.s32 $0x100  }
0x4c: {  	[spmem:s2] =	stream.indirect.scatter.add.f32 [tilespmem:s11], [sflag:$0x1], $0x1, s25, s10, $0xb8;
	[tilespmem:$0x2D80] =	vst v63  }
0x4d: {  	s26 =	simm.s32 $0x180  }
0x4e: {  	[spmem:s2] =	stream.indirect.scatter.add.f32 [tilespmem:s11], [sflag:$0x1], $0x1, s26, s10, $0xb8;
	[tilespmem:$0x2D80] =	vst v63  }
0x4f: {  	s28 =	simm.s32 $0x200  }
0x50: {  	[spmem:s2] =	stream.indirect.scatter.add.f32 [tilespmem:s11], [sflag:$0x1], $0x1, s28, s10, $0xb8;
	[tilespmem:$0x2D80] =	vst v63  }
0x51: {  	s29 =	simm.s32 $0x280  }
0x52: {  	[spmem:s2] =	stream.indirect.scatter.add.f32 [tilespmem:s11], [sflag:$0x1], $0x1, s29, s10, $0xb8;
	[tilespmem:$0x2D80] =	vst v63  }
0x53: {  	s30 =	simm.s32 $0x300  }
0x54: {  	[spmem:s2] =	stream.indirect.scatter.add.f32 [tilespmem:s11], [sflag:$0x1], $0x1, s30, s10, $0xb8;
	[tilespmem:$0x2D80] =	vst v63  }
0x55: {  	s31 =	simm.s32 $0x380  }
0x56: {  	[spmem:s2] =	stream.indirect.scatter.add.f32 [tilespmem:s11], [sflag:$0x1], $0x1, s31, s10, $0xb8;
	[tilespmem:$0x2D80] =	vst v63  }
0x57: {  	_ =	swait.ge [sflag:s12], $0x80  }
0x58: {  	[sflag:s12] =	ssyncset.done $0x0  }
0x59: {  	[sflag:s12] =	ssyncadd.s32 $0xFFFFFF80  }
0x5a: {  	_ =	swait.ge [sflag:s12], $0x80  }
0x5b: {  	[sflag:s12] =	ssyncset.done $0x0  }
0x5c: {  	[sflag:s12] =	ssyncadd.s32 $0xFFFFFF80  }
0x5d: {  	_ =	swait.ge [sflag:s12], $0x80  }
0x5e: {  	[sflag:s12] =	ssyncset.done $0x0  }
0x5f: {  	[sflag:s12] =	ssyncadd.s32 $0xFFFFFF80  }
0x60: {  	_ =	swait.ge [sflag:s12], $0x80  }
0x61: {  	[sflag:s12] =	ssyncset.done $0x0  }
0x62: {  	[sflag:s12] =	ssyncadd.s32 $0xFFFFFF80  }
0x63: {  	_ =	swait.ge [sflag:s12], $0x80  }
0x64: {  	[sflag:s12] =	ssyncset.done $0x0  }
0x65: {  	[sflag:s12] =	ssyncadd.s32 $0xFFFFFF80  }
0x66: {  	_ =	swait.ge [sflag:s12], $0x80  }
0x67: {  	[sflag:s12] =	ssyncset.done $0x0  }
0x68: {  	[sflag:s12] =	ssyncadd.s32 $0xFFFFFF80  }
0x69: {  	_ =	swait.ge [sflag:s12], $0x80  }
0x6a: {  	[sflag:s12] =	ssyncset.done $0x0  }
0x6b: {  	[sflag:s12] =	ssyncadd.s32 $0xFFFFFF80  }
0x6c: {  	_ =	swait.ge [sflag:s12], $0x80  }
0x6d: {  	s18 =	simm.s32 $0x2000;
	s16 =	simm.s32 $0x1000;
	[sflag:s12] =	ssyncset.done $0x0  }
.LBB2_2:
0x6e: {  	s19 =	sshra.s32 s16, $0x2  }
0x6f: {  	[sflag:s12] =	ssyncadd.s32 $0xFFFFFF80;
	s16 =	smov.u32 s18;
	s17 =	sadd.s32 $0x1000, s18  }
0x70: {  	[spmem:s2] =	stream.indirect.scatter.add.f32 [tilespmem:s11], [sflag:$0x1], $0x1, s19, s10, $0xb8;
	[tilespmem:$0x2D80] =	vst v63  }
0x71: {  	p0 =	sne.s32 s18, $0x9000;
	s18 =	sadd.s32 $0x80, s19  }
0x72: {  	[spmem:s2] =	stream.indirect.scatter.add.f32 [tilespmem:s11], [sflag:$0x1], $0x1, s18, s10, $0xb8;
	[tilespmem:$0x2D80] =	vst v63  }
0x73: {  	s18 =	sadd.s32 $0x100, s19  }
0x74: {  	[spmem:s2] =	stream.indirect.scatter.add.f32 [tilespmem:s11], [sflag:$0x1], $0x1, s18, s10, $0xb8;
	[tilespmem:$0x2D80] =	vst v63  }
0x75: {  	s18 =	sadd.s32 $0x180, s19  }
0x76: {  	[spmem:s2] =	stream.indirect.scatter.add.f32 [tilespmem:s11], [sflag:$0x1], $0x1, s18, s10, $0xb8;
	[tilespmem:$0x2D80] =	vst v63  }
0x77: {  	s18 =	sadd.s32 $0x200, s19  }
0x78: {  	[spmem:s2] =	stream.indirect.scatter.add.f32 [tilespmem:s11], [sflag:$0x1], $0x1, s18, s10, $0xb8;
	[tilespmem:$0x2D80] =	vst v63  }
0x79: {  	s18 =	sadd.s32 $0x280, s19  }
0x7a: {  	[spmem:s2] =	stream.indirect.scatter.add.f32 [tilespmem:s11], [sflag:$0x1], $0x1, s18, s10, $0xb8;
	[tilespmem:$0x2D80] =	vst v63  }
0x7b: {  	s18 =	sadd.s32 $0x300, s19  }
0x7c: {  	[spmem:s2] =	stream.indirect.scatter.add.f32 [tilespmem:s11], [sflag:$0x1], $0x1, s18, s10, $0xb8;
	[tilespmem:$0x2D80] =	vst v63  }
0x7d: {  	s18 =	sadd.s32 $0x380, s19  }
0x7e: {  	[spmem:s2] =	stream.indirect.scatter.add.f32 [tilespmem:s11], [sflag:$0x1], $0x1, s18, s10, $0xb8;
	[tilespmem:$0x2D80] =	vst v63  }
0x7f: {  	_ =	swait.ge [sflag:s12], $0x80  }
0x80: {  	[sflag:s12] =	ssyncset.done $0x0  }
0x81: {  	[sflag:s12] =	ssyncadd.s32 $0xFFFFFF80  }
0x82: {  	_ =	swait.ge [sflag:s12], $0x80  }
0x83: {  	[sflag:s12] =	ssyncset.done $0x0  }
0x84: {  	[sflag:s12] =	ssyncadd.s32 $0xFFFFFF80  }
0x85: {  	_ =	swait.ge [sflag:s12], $0x80  }
0x86: {  	[sflag:s12] =	ssyncset.done $0x0  }
0x87: {  	[sflag:s12] =	ssyncadd.s32 $0xFFFFFF80  }
0x88: {  	_ =	swait.ge [sflag:s12], $0x80  }
0x89: {  	[sflag:s12] =	ssyncset.done $0x0  }
0x8a: {  	[sflag:s12] =	ssyncadd.s32 $0xFFFFFF80  }
0x8b: {  	_ =	swait.ge [sflag:s12], $0x80  }
0x8c: {  	[sflag:s12] =	ssyncset.done $0x0  }
0x8d: {  	[sflag:s12] =	ssyncadd.s32 $0xFFFFFF80  }
0x8e: {  	_ =	swait.ge [sflag:s12], $0x80  }
0x8f: {  	[sflag:s12] =	ssyncset.done $0x0  }
0x90: {  	[sflag:s12] =	ssyncadd.s32 $0xFFFFFF80  }
.Ltmp0:
0x91: {  	_ =	swait.ge [sflag:s12], $0x80;
	(pc) =	sbr.rel @p0 .LBB2_2-.Ltmp0, $4  }
0x92: {  	[sflag:s12] =	ssyncset.done $0x0  }
0x93: {  	[sflag:s12] =	ssyncadd.s32 $0xFFFFFF80  }
0x94: {  	_ =	swait.ge [sflag:s12], $0x80  }
0x95: {  	s18 =	smov.u32 s17;
	[sflag:s12] =	ssyncset.done $0x0  }
0x96: {  	s16 =	sshra.s32 s16, $0x2;
	[sflag:s12] =	ssyncadd.s32 $0xFFFFFF80  }
0x97: {  	[spmem:s2] =	stream.indirect.scatter.add.f32 [tilespmem:s11], [sflag:$0x1], $0x1, s16, s10, $0xb8;
	[tilespmem:$0x2D80] =	vst v63  }
0x98: {  	s17 =	sadd.s32 $0x80, s16  }
0x99: {  	[spmem:s2] =	stream.indirect.scatter.add.f32 [tilespmem:s11], [sflag:$0x1], $0x1, s17, s10, $0xb8;
	[tilespmem:$0x2D80] =	vst v63  }
0x9a: {  	s26 =	sadd.s32 $0x100, s16  }
0x9b: {  	[spmem:s2] =	stream.indirect.scatter.add.f32 [tilespmem:s11], [sflag:$0x1], $0x1, s26, s10, $0xb8;
	[tilespmem:$0x2D80] =	vst v63  }
0x9c: {  	s28 =	sadd.s32 $0x180, s16  }
0x9d: {  	[spmem:s2] =	stream.indirect.scatter.add.f32 [tilespmem:s11], [sflag:$0x1], $0x1, s28, s10, $0xb8;
	[tilespmem:$0x2D80] =	vst v63  }
0x9e: {  	s29 =	sadd.s32 $0x200, s16  }
0x9f: {  	[spmem:s2] =	stream.indirect.scatter.add.f32 [tilespmem:s11], [sflag:$0x1], $0x1, s29, s10, $0xb8;
	[tilespmem:$0x2D80] =	vst v63  }
0xa0: {  	s30 =	sadd.s32 $0x280, s16  }
0xa1: {  	[spmem:s2] =	stream.indirect.scatter.add.f32 [tilespmem:s11], [sflag:$0x1], $0x1, s30, s10, $0xb8;
	[tilespmem:$0x2D80] =	vst v63  }
0xa2: {  	s31 =	sadd.s32 $0x300, s16  }
0xa3: {  	[spmem:s2] =	stream.indirect.scatter.add.f32 [tilespmem:s11], [sflag:$0x1], $0x1, s31, s10, $0xb8;
	[tilespmem:$0x2D80] =	vst v63  }
0xa4: {  	s16 =	sadd.s32 $0x380, s16  }
0xa5: {  	[spmem:s2] =	stream.indirect.scatter.add.f32 [tilespmem:s11], [sflag:$0x1], $0x1, s16, s10, $0xb8;
	[tilespmem:$0x2D80] =	vst v63  }
0xa6: {  	_ =	swait.ge [sflag:s12], $0x80  }
0xa7: {  	[sflag:s12] =	ssyncset.done $0x0  }
0xa8: {  	[sflag:s12] =	ssyncadd.s32 $0xFFFFFF80  }
0xa9: {  	_ =	swait.ge [sflag:s12], $0x80  }
0xaa: {  	[sflag:s12] =	ssyncset.done $0x0  }
0xab: {  	[sflag:s12] =	ssyncadd.s32 $0xFFFFFF80  }
0xac: {  	_ =	swait.ge [sflag:s12], $0x80  }
0xad: {  	[sflag:s12] =	ssyncset.done $0x0  }
0xae: {  	[sflag:s12] =	ssyncadd.s32 $0xFFFFFF80  }
0xaf: {  	_ =	swait.ge [sflag:s12], $0x80  }
0xb0: {  	[sflag:s12] =	ssyncset.done $0x0  }
0xb1: {  	[sflag:s12] =	ssyncadd.s32 $0xFFFFFF80  }
0xb2: {  	_ =	swait.ge [sflag:s12], $0x80  }
0xb3: {  	[sflag:s12] =	ssyncset.done $0x0  }
0xb4: {  	[sflag:s12] =	ssyncadd.s32 $0xFFFFFF80  }
0xb5: {  	_ =	swait.ge [sflag:s12], $0x80  }
0xb6: {  	[sflag:s12] =	ssyncset.done $0x0  }
0xb7: {  	[sflag:s12] =	ssyncadd.s32 $0xFFFFFF80  }
0xb8: {  	_ =	swait.ge [sflag:s12], $0x80  }
0xb9: {  	[sflag:s12] =	ssyncset.done $0x0  }
0xba: {  	[sflag:s12] =	ssyncadd.s32 $0xFFFFFF80  }
0xbb: {  	_ =	swait.ge [sflag:s12], $0x80  }
0xbc: {  	s15 =	sadd.s32 $0x1, s15;
	[sflag:s12] =	ssyncset.done $0x0  }
0xbd: {  	p0 =	sne.s32 s15, s7;
	[sflag:s12] =	ssyncadd.s32 $0xFFFFFF80  }
.Ltmp1:
0xbe: {  	[bflag:$0x0] =	sbarrier.arrive $0xFFFF;
	(pc) =	sbr.rel @p0 .LBB2_1-.Ltmp1, $4  }
0xbf: {  	[hbm:s6], [sflag:s13] =	dma.local [spmem:s14], $0x50  }
0xc0: {  	_ =	swait.ge [sflag:s9], $0x50  }
0xc1: {  	[sflag:s9] =	ssyncset.done $0x0  }
0xc2: {  	[sflag:s9] =	ssyncadd.s32 $0xFFFFFFB0  }
0xc3: {  	_ =	sfence.sel $0x180000  }
0xc4: {  	[bflag:$0x0] =	sbarrier.arrive $0xFFFF  }
0xc5: {  	p0 =	sne.s32 s1, $0x0;
	_ =	strace $0x90000047  }
0xc6: {  	s0 =	sadd.s32 @!p0 $0x100000, s0;
	[bflag:$0x2] =	sbarrier.arrive $0xFFFF  }
0xc7: {  	[sflag:s0] =	ssyncadd.tile.s32 @!p0 $0x1;
	_ =	shalt  }
.Lfunc_end2:
_tile_overlayer_lowered:
.L_overlay_start_2:
0xc8: {  	(tag) =	ssettag $0x2  }
0xc9: {  	s0 =	rddreg [dreg:$0x0];
	s2 =	stileid.u32  }
0xca: {  	s1 =	rddreg [dreg:$0x1];
	p0 =	sne.s32 s2, $0x0  }
0xcb: {  	s3 =	rddreg [dreg:$0x2];
	[bflag:$0x3] =	sbarrier.arrive $0xFFFF;
	s2 =	simm.s32 @!p0 $0x1C02  }
0xcc: {  	[timem:s3], [sflag:s2] =	dma.local @!p0 [hbm:s0], s1  }
0xcd: {  	s0 =	simm.s32 @!p0 $0x2  }
0xce: {  	_ =	swait.ge @!p0 [sflag:s0], s1  }
0xcf: {  	s1 =	ssub.s32 @!p0 $0x0, s1;
	[sflag:s0] =	ssyncset.done @!p0 $0x0  }
0xd0: {  	[sflag:s0] =	ssyncadd.s32 @!p0 s1  }
0xd1: {  	[bflag:$0x3] =	sbarrier.arrive $0xFFFF  }
0xd2: {  	_ =	shalt  }

// kernel: kernel.13.cloned.1.call-start
scs
__scs_entry_jumppad:
0x0: {  	(pc) =	sbr.rel $0x88, $3  }
0x1: {  	(tag) =	ssettag $0x0;
	lr =	simm.s32 $0x1  }
0x2: {  	[smem:$0x3F95] =	sst lr;
	_ =	strace $0xD0000000  }
0x3: {  	_ = 	snop  }
0x4: {  	_ = 	snop  }
0x5: {  	_ = 	snop  }
0x6: {  	_ = 	snop  }
0x7: {  	_ = 	snop  }
__scs_overlays_trampoline_lowered:
0x8: {  	[smem:$0x3FA4] =	sst s0  }
0x9: {  	[smem:$0x3FA5] =	sst s1  }
0xa: {  	[smem:$0x3FA6] =	sst s2  }
0xb: {  	[smem:$0x3FA7] =	sst s3  }
0xc: {  	[smem:$0x3FA8] =	sst s4  }
0xd: {  	[smem:$0x3FA9] =	sst s5  }
0xe: {  	[smem:$0x3FAA] =	sst s6  }
0xf: {  	[smem:$0x3FAB] =	sst s7  }
0x10: {  	[smem:$0x3FAC] =	sst s8  }
0x11: {  	[smem:$0x3FAD] =	sst s9;
	s0 =	simm.s32 @!p0 $0x0  }
0x12: {  	s1 =	sld [smem:$0x3F93];
	s0 =	simm.s32 @p0 $0x1  }
0x13: {  	[smem:$0x3FAE] =	sst s0;
	s0 =	simm.s32 @!p1 $0x0  }
0x14: {  	s2 =	sld [smem:$0x3F92];
	s0 =	simm.s32 @p1 $0x1  }
0x15: {  	[smem:$0x3FAF] =	sst s0;
	s0 =	simm.s32 @!p2 $0x0  }
0x16: {  	s3 =	sld [smem:$0x3FDB];
	s0 =	simm.s32 @p2 $0x1  }
0x17: {  	s4 =	simm.s32 $0x1BF5;
	[smem:$0x3FB1] =	sst s0  }
0x18: {  	s0 =	sld [smem:$0x3F94];
	_ =	swait.ge [sflag:s4], $0x0  }
0x19: {  	s7 =	sld [smem:$0x3F95]  }
0x1a: {  	s8 =	sadd.s32 $0xFFFFE003, lr  }
0x1b: {  	s9 =	sadd.s32 $0xFFFFFEF7, lr;
	s5 =	simm.s32 $0xFFFFFFFF;
	p2 =	slt.u32 s8, $0xFFFFF086  }
0x1c: {  	p1 =	slt.u32 s9, $0xF7A;
	s5 =	simm.s32 @!p2 $0x0  }
0x1d: {  	s5 =	simm.s32 @p1 $0x1;
	p0 =	seq.s32 s7, s2  }
0x1e: {  	s7 =	smul.u32 @!p0 $0xF7A, s2;
	p2 =	seq.s32 @!p0 s5, $0x0  }
0x1f: {  	s9 =	smul.u32 $0xF7A, s1;
	s8 =	simm.s32 @!p0 $0x1BF5;
	p2 =	por !p2, p0  }
0x20: {  	[sflag:s8] =	ssyncset.s32 @!p0 $0xFFFFF086;
	s6 =	sadd.s32 @!p0 s3, s7;
	s7 =	simm.s32 @!p0 $0x108  }
0x21: {  	s3 =	sadd.s32 s3, s9;
	s6 =	sadd.s32 @!p0 $0x88, s6;
	s7 =	simm.s32 @p2 $0x1082  }
0x22: {  	[simem:s7], [sflag:s8] =	dma.local @!p0 [hbm:s6], $0xF7A  }
0x23: {  	s9 =	sor.u32 $0xD0000000, s2;
	s6 =	simm.s32 $0x108;
	_ =	swait.ge @!p0 [sflag:s8], $0x0  }
0x24: {  	s3 =	sadd.s32 $0x88, s3;
	s6 =	simm.s32 @!p1 $0x1082;
	[sflag:s4] =	ssyncset.s32 $0xFFFFF086  }
0x25: {  	[simem:s6], [sflag:s4] =	dma.local [hbm:s3], $0xF7A  }
0x26: {  	[smem:$0x3F95] =	sst s1;
	(tag) =	ssettag s2;
	_ =	strace s9  }
0x27: {  	s1 =	sld [smem:$0x3FA5]  }
0x28: {  	s2 =	sld [smem:$0x3FA6]  }
0x29: {  	s4 =	sld [smem:$0x3FA8]  }
0x2a: {  	p0 =	seq.s32 s5, $0x0;
	s5 =	sld [smem:$0x3FA9]  }
0x2b: {  	s6 =	sld [smem:$0x3FAA]  }
0x2c: {  	s7 =	sld [smem:$0x3FAB]  }
0x2d: {  	s3 =	simm.s32 $0x108;
	s8 =	sld [smem:$0x3FAC]  }
0x2e: {  	s3 =	simm.s32 @!p0 $0x1082;
	s9 =	sld [smem:$0x3FAD]  }
0x2f: {  	lr =	sadd.s32 s0, s3;
	s0 =	sld [smem:$0x3FA4]  }
0x30: {  	s3 =	sld [smem:$0x3FA7]  }
0x31: {  	[smem:$0x3FB0] =	sst s10  }
0x32: {  	s10 =	sld [smem:$0x3FAE];
	_ =	sdelay $0x3  }
0x33: {  	p0 =	seq.s32 s10, $0x1;
	s10 =	sld [smem:$0x3FB0];
	_ =	sdelay $0x3  }
0x34: {  	[smem:$0x3FB0] =	sst s10  }
0x35: {  	s10 =	sld [smem:$0x3FAF];
	_ =	sdelay $0x3  }
0x36: {  	p1 =	seq.s32 s10, $0x1;
	s10 =	sld [smem:$0x3FB0];
	_ =	sdelay $0x3  }
0x37: {  	[smem:$0x3FB0] =	sst s10  }
0x38: {  	s10 =	sld [smem:$0x3FB1]  }
0x39: {  	_ = 	snop;
	(pc) =	sbr.ind lr, $3  }
0x3a: {  	_ = 	snop  }
0x3b: {  	_ = 	snop  }
0x3c: {  	p2 =	seq.s32 s10, $0x1;
	s10 =	sld [smem:$0x3FB0]  }
0x3d: {  	_ =	shalt  }
0x3e: {  	_ =	shalt  }
0x3f: {  	_ =	shalt  }
0x40: {  	_ =	shalt  }
0x41: {  	_ =	shalt  }
0x42: {  	_ =	shalt  }
0x43: {  	_ =	shalt  }
0x44: {  	_ =	shalt  }
0x45: {  	_ =	shalt  }
0x46: {  	_ =	shalt  }
0x47: {  	_ =	shalt  }
0x48: {  	_ =	shalt  }
0x49: {  	_ =	shalt  }
0x4a: {  	_ =	shalt  }
0x4b: {  	_ =	shalt  }
0x4c: {  	_ =	shalt  }
0x4d: {  	_ =	shalt  }
0x4e: {  	_ =	shalt  }
0x4f: {  	_ =	shalt  }
0x50: {  	_ =	shalt  }
0x51: {  	_ =	shalt  }
0x52: {  	_ =	shalt  }
0x53: {  	_ =	shalt  }
0x54: {  	_ =	shalt  }
0x55: {  	_ =	shalt  }
0x56: {  	_ =	shalt  }
0x57: {  	_ =	shalt  }
0x58: {  	_ =	shalt  }
0x59: {  	_ =	shalt  }
0x5a: {  	_ =	shalt  }
0x5b: {  	_ =	shalt  }
0x5c: {  	_ =	shalt  }
0x5d: {  	_ =	shalt  }
0x5e: {  	_ =	shalt  }
0x5f: {  	_ =	shalt  }
0x60: {  	_ =	shalt  }
0x61: {  	_ =	shalt  }
0x62: {  	_ =	shalt  }
0x63: {  	_ =	shalt  }
0x64: {  	_ =	shalt  }
0x65: {  	_ =	shalt  }
0x66: {  	_ =	shalt  }
0x67: {  	_ =	shalt  }
0x68: {  	_ =	shalt  }
0x69: {  	_ =	shalt  }
0x6a: {  	_ =	shalt  }
0x6b: {  	_ =	shalt  }
0x6c: {  	_ =	shalt  }
0x6d: {  	_ =	shalt  }
0x6e: {  	_ =	shalt  }
0x6f: {  	_ =	shalt  }
0x70: {  	_ =	shalt  }
0x71: {  	_ =	shalt  }
0x72: {  	_ =	shalt  }
0x73: {  	_ =	shalt  }
0x74: {  	_ =	shalt  }
0x75: {  	_ =	shalt  }
0x76: {  	_ =	shalt  }
0x77: {  	_ =	shalt  }
0x78: {  	_ =	shalt  }
0x79: {  	_ =	shalt  }
0x7a: {  	_ =	shalt  }
0x7b: {  	_ =	shalt  }
0x7c: {  	_ =	shalt  }
0x7d: {  	_ =	shalt  }
0x7e: {  	_ =	shalt  }
0x7f: {  	_ =	shalt  }
0x80: {  	_ =	shalt  }
0x81: {  	_ =	shalt  }
0x82: {  	_ =	shalt  }
0x83: {  	_ =	shalt  }
0x84: {  	_ =	shalt  }
0x85: {  	_ =	shalt  }
0x86: {  	_ =	shalt  }
0x87: {  	_ =	shalt  }
.Lfunc_end0:
.L_simem_size_0:
called_computation.1_lowered:
.L_overlay_start_0:
0x88: {  	s2 =	sld [smem:$0x3FD9]  }
0x89: {  	s3 =	sld [smem:$0x3FFE];
	_ =	sdelay $0x1  }
0x8a: {  	s1 =	srdreg.scid  }
0x8b: {  	s0 =	sand.u32 $0x1, s1  }
0x8c: {  	s17 =	sshll.u32 s0, $0xA;
	s2 =	sadd.s32 s3, s2  }
0x8d: {  	s2 =	sadd.s32 s2, s17  }
0x8e: {  	[smem:$0x3FBC] =	sst s2  }
0x8f: {  	_ = 	snop  }
0x90: {  	s2 =	sld [smem:$0x3FD0];
	(tm) =	ssettm $0x1  }
0x91: {  	s18 =	sld [smem:$0x3FFB];
	_ =	sdelay $0x3  }
0x92: {  	_ =	strace s18  }
0x93: {  	s3 =	sld [smem:$0x3FFC];
	_ =	sdelay $0x3  }
0x94: {  	_ =	strace s3  }
0x95: {  	s3 =	sld [smem:$0x3FFD];
	_ =	sdelay $0x3  }
0x96: {  	_ =	strace s3  }
0x97: {  	_ =	strace $0x8FFFFFFF  }
0x98: {  	s19 =	sld [smem:$0x3FDB];
	_ =	sdelay $0x1  }
0x99: {  	s4 =	simm.s32 $_scs_section_size  }
0x9a: {  	s5 =	simm.s32 $_size__tile_overlayer_lowered;
	s6 =	simm.s32 $_tile_overlayer_lowered  }
0x9b: {  	s22 =	simm.s32 $0x1BFF;
	s21 =	sshll.u32 s6, $0x1;
	s3 =	sadd.s32 s4, s19  }
0x9c: {  	s7 =	simm.s32 $0x0;
	s20 =	sshll.u32 s5, $0x1;
	s5 =	sadd.s32 s21, s3  }
0x9d: {  	[timem:s7], [sflag:s22] =	dma.local [hbm:s5], s20  }
0x9e: {  	_ =	swait.ge [sflag:s22], s20  }
0x9f: {  	s4 =	ssub.s32 $0x0, s20;
	[sflag:s22] =	ssyncset.done $0x0  }
0xa0: {  	[sflag:s22] =	ssyncadd.s32 s4;
	_ =	sdelay $0x1  }
0xa1: {  	s23 =	simm.s32 $0x1B8B  }
0xa2: {  	_ =	swait.ge [sflag:s23], $0x1  }
0xa3: {  	[sflag:s23] =	ssyncset.done $0x0  }
0xa4: {  	s25 =	simm.s32 $0x1B8E;
	s24 =	sld [smem:$0x3FFE];
	[sflag:s23] =	ssyncadd.s32 $0xFFFFFFFF  }
0xa5: {  	s26 =	simm.s32 $execute0_lowered;
	[smem:$0x3FD2] =	sst s25  }
0xa6: {  	s5 =	sshll.u32 s26, $0x1;
	_ =	strace $0x80000049;
	[dreg:$0x1] =	wrdreg $0xFFFFFFFF  }
0xa7: {  	s28 =	simm.s32 $_size_execute0_lowered;
	s3 =	sadd.s32 s3, s5;
	[dreg:$0x0] =	wrdreg $0x0  }
0xa8: {  	s5 =	sshll.u32 s28, $0x1;
	[dreg:$0x2] =	wrdreg s3  }
0xa9: {  	[dreg:$0x3] =	wrdreg s5  }
0xaa: {  	[dreg:$0x4] =	wrdreg $0xC0  }
0xab: {  	_ =	task [dreg:s7], $0x5FFFF  }
0xac: {  	[dreg:$0x1] =	wrdreg $0xFFFFFFFF  }
0xad: {  	[dreg:$0x0] =	wrdreg $0x60  }
0xae: {  	[dreg:$0x2] =	wrdreg s24  }
0xaf: {  	[dreg:$0x3] =	wrdreg s2  }
0xb0: {  	[dreg:$0x4] =	wrdreg $0xB0000  }
0xb1: {  	[dreg:$0x5] =	wrdreg $0x150000  }
0xb2: {  	[dreg:$0x6] =	wrdreg $0x9  }
0xb3: {  	_ =	task.clear_ibuf [dreg:s7], $0x7FFFF;
	_ =	strace $0x90000049  }
0xb4: {  	s29 =	simm.s32 $0x9;
	_ =	strace $0x8000004B  }
0xb5: {  	_ =	swait.ge [sflag:s29], $0x1  }
0xb6: {  	[sflag:s29] =	ssyncadd.s32 $0xFFFFFFFF  }
0xb7: {  	_ =	strace $0x9000004B  }
0xb8: {  	_ =	sfence  }
0xb9: {  	s30 =	sld [smem:$0x0];
	_ =	sdelay $0x2  }
0xba: {  	s31 =	sshll.u32 s1, $0xD;
	s1 =	sshrl.u32 s1, $0x2  }
0xbb: {  	s3 =	sand.u32 $0x4000, s31;
	s1 =	sadd.s32 s1, s30  }
0xbc: {  	s0 =	sor.u32 s3, s0;
	s1 =	sshll.u32 s1, $0x11  }
0xbd: {  	s0 =	sor.u32 s1, s0  }
0xbe: {  	s0 =	sadd.s32 $0x8F2B, s0  }
0xbf: {  	[sflag:s0] =	ssyncadd.remote.s32 $0x1  }
0xc0: {  	_ =	sfence.sel $0xFFFF  }
0xc1: {  	[dreg:$0x0] =	wrdreg $0xFFFFFFFF;
	(pc) =	sbr.abs _section_cstart, $3  }
0xc2: {  	[dreg:$0x1] =	wrdreg $0xFFFFFFFF  }
0xc3: {  	_ =	task.clear_ibuf [dreg:s7], $0x2FFFF;
	_ =	strace $0x9FFFFFFF  }
0xc4: {  	(tm) =	ssettm $0x7FFFFFFF  }
0xc5: {  	_ =	shalt  }
tec
execute0_lowered:
.L_overlay_start_1:
0x0: {  	(tag) =	ssettag $0x1  }
0x1: {  	s1 =	rddreg [dreg:$0x0]  }
0x2: {  	s0 =	srdreg.scid;
	s6 =	rddreg [dreg:$0x1]  }
0x3: {  	s2 =	rddreg [dreg:$0x2];
	s25 =	stileid.u32  }
0x4: {  	s3 =	rddreg [dreg:$0x3];
	s17 =	simm.s32 $0x2800;
	s19 =	simm.s32 $0x9000  }
0x5: {  	s20 =	simm.s32 $0x1;
	s21 =	simm.s32 $0x2;
	s22 =	simm.s32 $0x3  }
0x6: {  	s23 =	simm.s32 $0x4;
	s24 =	simm.s32 $0x80;
	s10 =	smul.u32 $0xA000, s25  }
0x7: {  	s28 =	simm.s32 $0x4F80;
	s29 =	simm.s32 $0x5;
	s8 =	smul.u32 $0x1400, s25  }
0x8: {  	s30 =	simm.s32 $0x0;
	s5 =	sand.u32 $0x1, s0;
	s13 =	smul.u32 $0x28000, s25  }
0x9: {  	s4 =	sshll.u32 s5, $0x4;
	s11 =	smul.u32 $0x14000, s5;
	s5 =	ssub.s32 $0x2, s5  }
0xa: {  	s7 =	sor.u32 s25, s4;
	s4 =	simm.s32 $0x0;
	s9 =	sshrl.u32 s10, $0x3  }
0xb: {  	s26 =	sshrl.u32 s5, $0x1;
	s18 =	sadd.s32 s10, s2;
	s31 =	sshrl.u32 s13, $0x2  }
0xc: {  	s10 =	sadd.s32 s10, s3;
	s7 =	smul.u32 $0x500, s7;
	[smem:$0x7FF] =	sst s4  }
0xd: {  	s9 =	sadd.s32 s9, s1;
	s8 =	sadd.s32 s8, s11;
	s16 =	ssub.s32 s5, s26  }
0xe: {  	s14 =	sadd.s32 s31, s3;
	s18 =	sshrl.u32 s18, $0x3;
	s26 =	simm.s32 $0x7000  }
0xf: {  	_ =	strace $0x8000004A;
	s11 =	sadd.s32 $0x2000, s14;
	s13 =	sadd.s32 $0x6000, s14  }
0x10: {  	s16 =	smax.u32 s16, $0x1;
	s12 =	sadd.s32 s7, s1;
	s1 =	sadd.s32 s8, s1  }
0x11: {  	s6 =	sadd.s32 s6, s7;
	s7 =	sadd.s32 $0x85400, s9;
	s8 =	sshll.u32 s25, $0x6  }
0x12: {  	s25 =	simm.s32 $0x5000;
	s5 =	sadd.s32 $0x3400, s12;
	s9 =	sor.u32 $0x1C03, s8  }
0x13: {  	v0 =	vimm.f32 $0.0e+00;
	s12 =	sadd.s32 $0x4000, s14;
	s14 =	sadd.s32 $0x8000, s14;
	s15 =	sadd.s32 $0x99400, s1  }
.LBB2_1:
0x14: {  	[tilespmem:s4], [sflag:$0x1] =	stream.linear.gather [hbm4b:s5+s4], $0x2800, $0x38;
	[tilespmem:$0x1F000] =	vst v63  }
0x15: {  	s1 =	simm.s32 $0x100;
	s31 =	simm.s32 $0x0  }
0x16: {  	[tilespmem:s17], [sflag:$0x2] =	stream.linear.gather [hbm4b:s6+s4], $0x2800, $0x38;
	[tilespmem:$0x1F000] =	vst v63  }
0x17: {  	[spmem:s18], [sflag:s9] =	dma.local [hbm:s7], $0x1400  }
.LBB2_2:
0x18: {  	p0 =	sne.s32 s1, $0x7F00;
	[tilespmem:s31+$0x9030] =	vst v0;
	s0 =	smov.u32 s1;
	s1 =	sadd.s32 $0x100, s1  }
.Ltmp0:
0x19: {  	[tilespmem:s31+$0x9020] =	vst v0;
	(pc) =	sbr.rel @p0 .LBB2_2-.Ltmp0, $3  }
0x1a: {  	[tilespmem:s31+$0x9000] =	vst v0  }
0x1b: {  	[tilespmem:s31+$0x9010] =	vst v0;
	_ =	sdelay $0x1  }
0x1c: {  	s31 =	sshra.s32 s0, $0x2  }
0x1d: {  	[tilespmem:s31+$0x9030] =	vst v0  }
0x1e: {  	[tilespmem:s31+$0x9020] =	vst v0  }
0x1f: {  	[tilespmem:s31+$0x9000] =	vst v0  }
0x20: {  	[tilespmem:s31+$0x9010] =	vst v0  }
0x21: {  	[spmem:s10] =	stream.linear.scatter [tilespmem:s19], [sflag:$0x4], $0x2000, $0x38;
	[tilespmem:$0x1F000] =	vst v63  }
0x22: {  	_ = 	snop  }
0x23: {  	[spmem:s11] =	stream.linear.scatter [tilespmem:s19], [sflag:$0x4], $0x2000, $0x38;
	[tilespmem:$0x1F000] =	vst v63  }
0x24: {  	_ = 	snop  }
0x25: {  	[spmem:s12] =	stream.linear.scatter [tilespmem:s19], [sflag:$0x4], $0x2000, $0x38;
	[tilespmem:$0x1F000] =	vst v63  }
0x26: {  	_ = 	snop  }
0x27: {  	[spmem:s13] =	stream.linear.scatter [tilespmem:s19], [sflag:$0x4], $0x2000, $0x38;
	[tilespmem:$0x1F000] =	vst v63  }
0x28: {  	_ = 	snop  }
0x29: {  	[spmem:s14] =	stream.linear.scatter [tilespmem:s19], [sflag:$0x4], $0x2000, $0x38;
	[tilespmem:$0x1F000] =	vst v63  }
0x2a: {  	_ =	swait.ge [sflag:s20], $0x2800  }
0x2b: {  	[sflag:s20] =	ssyncset.done $0x0  }
0x2c: {  	[sflag:s20] =	ssyncadd.s32 $0xFFFFD800  }
0x2d: {  	_ =	swait.ge [sflag:s21], $0x2800  }
0x2e: {  	[sflag:s21] =	ssyncset.done $0x0  }
0x2f: {  	[sflag:s21] =	ssyncadd.s32 $0xFFFFD800  }
0x30: {  	_ =	swait.ge [sflag:s22], $0x1400  }
0x31: {  	[sflag:s22] =	ssyncset.done $0x0  }
0x32: {  	[sflag:s22] =	ssyncadd.s32 $0xFFFFEC00  }
0x33: {  	_ =	swait.ge [sflag:s23], $0x2000  }
0x34: {  	[sflag:s23] =	ssyncset.done $0x0  }
0x35: {  	[sflag:s23] =	ssyncadd.s32 $0xFFFFE000  }
0x36: {  	_ =	swait.ge [sflag:s23], $0x2000  }
0x37: {  	[sflag:s23] =	ssyncset.done $0x0  }
0x38: {  	[sflag:s23] =	ssyncadd.s32 $0xFFFFE000  }
0x39: {  	_ =	swait.ge [sflag:s23], $0x2000  }
0x3a: {  	[sflag:s23] =	ssyncset.done $0x0  }
0x3b: {  	[sflag:s23] =	ssyncadd.s32 $0xFFFFE000  }
0x3c: {  	_ =	swait.ge [sflag:s23], $0x2000  }
0x3d: {  	[sflag:s23] =	ssyncset.done $0x0  }
0x3e: {  	[sflag:s23] =	ssyncadd.s32 $0xFFFFE000  }
0x3f: {  	_ =	swait.ge [sflag:s23], $0x2000  }
0x40: {  	[sflag:s23] =	ssyncset.done $0x0  }
0x41: {  	[sflag:s23] =	ssyncadd.s32 $0xFFFFE000  }
0x42: {  	[bflag:$0x0] =	sbarrier.arrive $0xFFFF  }
0x43: {  	[tilespmem:s25], [sflag:$0x1] =	stream.indirect.gather [spmem:s2], $0x40, s4, s24, $0xb8;
	[tilespmem:$0x1F000] =	vst v63  }
0x44: {  	_ =	swait.ge [sflag:s20], $0x2000  }
0x45: {  	[sflag:s20] =	ssyncset.done $0x0  }
0x46: {  	[sflag:s20] =	ssyncadd.s32 $0xFFFFE000  }
0x47: {  	[spmem:s3] =	stream.indirect.scatter.add.f32 [tilespmem:s25], [sflag:$0x3], $0x40, s17, s24, $0xb8;
	[tilespmem:$0x1F000] =	vst v63  }
0x48: {  	_ = 	snop  }
0x49: {  	[tilespmem:s26], [sflag:$0x2] =	stream.indirect.gather [spmem:s2], $0x40, s24, s24, $0xb8;
	[tilespmem:$0x1F000] =	vst v63  }
0x4a: {  	_ =	swait.ge [sflag:s21], $0x2000  }
0x4b: {  	[sflag:s21] =	ssyncset.done $0x0  }
0x4c: {  	s0 =	simm.s32 $0x2880;
	[sflag:s21] =	ssyncadd.s32 $0xFFFFE000  }
0x4d: {  	[spmem:s3] =	stream.indirect.scatter.add.f32 [tilespmem:s26], [sflag:$0x4], $0x40, s0, s24, $0xb8;
	[tilespmem:$0x1F000] =	vst v63  }
0x4e: {  	_ =	swait.ge [sflag:s22], $0x2000  }
0x4f: {  	[sflag:s22] =	ssyncset.done $0x0  }
0x50: {  	s1 =	simm.s32 $0x100;
	[sflag:s22] =	ssyncadd.s32 $0xFFFFE000  }
0x51: {  	[tilespmem:s25], [sflag:$0x1] =	stream.indirect.gather [spmem:s2], $0x40, s1, s24, $0xb8;
	[tilespmem:$0x1F000] =	vst v63  }
0x52: {  	_ =	swait.ge [sflag:s20], $0x2000  }
0x53: {  	[sflag:s20] =	ssyncset.done $0x0  }
0x54: {  	s1 =	simm.s32 $0x2900;
	[sflag:s20] =	ssyncadd.s32 $0xFFFFE000  }
0x55: {  	[spmem:s3] =	stream.indirect.scatter.add.f32 [tilespmem:s25], [sflag:$0x3], $0x40, s1, s24, $0xb8;
	[tilespmem:$0x1F000] =	vst v63  }
0x56: {  	_ =	swait.ge [sflag:s23], $0x2000  }
0x57: {  	[sflag:s23] =	ssyncset.done $0x0  }
0x58: {  	s31 =	simm.s32 $0xFFFF6800;
	s1 =	simm.s32 $0x180;
	[sflag:s23] =	ssyncadd.s32 $0xFFFFE000  }
.LBB2_4:
0x59: {  	[tilespmem:s26], [sflag:$0x2] =	stream.indirect.gather [spmem:s2], $0x40, s1, s24, $0xb8;
	[tilespmem:$0x1F000] =	vst v63  }
0x5a: {  	s0 =	smov.u32 s31  }
0x5b: {  	p0 =	sne.s32 s31, $0xFFFFFC00;
	s31 =	sadd.s32 $0x400, s31;
	_ =	swait.ge [sflag:s21], $0x2000  }
0x5c: {  	s0 =	sshra.s32 s0, $0x2;
	[sflag:s21] =	ssyncset.done $0x0  }
0x5d: {  	s1 =	sadd.s32 $0x4F80, s0;
	[sflag:s21] =	ssyncadd.s32 $0xFFFFE000  }
0x5e: {  	[spmem:s3] =	stream.indirect.scatter.add.f32 [tilespmem:s26], [sflag:$0x4], $0x40, s1, s24, $0xb8;
	[tilespmem:$0x1F000] =	vst v63  }
0x5f: {  	_ =	swait.ge [sflag:s22], $0x2000  }
0x60: {  	[sflag:s22] =	ssyncset.done $0x0  }
0x61: {  	s1 =	sadd.s32 $0x2800, s0;
	[sflag:s22] =	ssyncadd.s32 $0xFFFFE000  }
0x62: {  	[tilespmem:s25], [sflag:$0x1] =	stream.indirect.gather [spmem:s2], $0x40, s1, s24, $0xb8;
	[tilespmem:$0x1F000] =	vst v63  }
0x63: {  	_ =	swait.ge [sflag:s20], $0x2000  }
0x64: {  	[sflag:s20] =	ssyncset.done $0x0  }
.Ltmp1:
0x65: {  	s1 =	sadd.s32 $0x5000, s0;
	[sflag:s20] =	ssyncadd.s32 $0xFFFFE000;
	(pc) =	sbr.rel @p0 .LBB2_4-.Ltmp1, $4  }
0x66: {  	[spmem:s3] =	stream.indirect.scatter.add.f32 [tilespmem:s25], [sflag:$0x3], $0x40, s1, s24, $0xb8;
	[tilespmem:$0x1F000] =	vst v63  }
0x67: {  	_ =	swait.ge [sflag:s23], $0x2000  }
0x68: {  	[sflag:s23] =	ssyncset.done $0x0  }
0x69: {  	s1 =	sadd.s32 $0x2880, s0;
	[sflag:s23] =	ssyncadd.s32 $0xFFFFE000  }
0x6a: {  	[tilespmem:s26], [sflag:$0x2] =	stream.indirect.gather [spmem:s2], $0x40, s1, s24, $0xb8;
	[tilespmem:$0x1F000] =	vst v63  }
0x6b: {  	_ =	swait.ge [sflag:s21], $0x2000  }
0x6c: {  	[sflag:s21] =	ssyncset.done $0x0  }
0x6d: {  	[sflag:s21] =	ssyncadd.s32 $0xFFFFE000  }
0x6e: {  	[spmem:s3] =	stream.indirect.scatter.add.f32 [tilespmem:s26], [sflag:$0x4], $0x40, s28, s24, $0xb8;
	[tilespmem:$0x1F000] =	vst v63  }
0x6f: {  	_ =	swait.ge [sflag:s22], $0x2000  }
0x70: {  	[sflag:s22] =	ssyncset.done $0x0  }
0x71: {  	[sflag:s22] =	ssyncadd.s32 $0xFFFFE000  }
0x72: {  	_ =	swait.ge [sflag:s23], $0x2000  }
0x73: {  	s30 =	sadd.s32 $0x1, s30;
	[sflag:s23] =	ssyncset.done $0x0  }
0x74: {  	s0 =	sor.u32 $0x1C05, s8;
	p0 =	sne.s32 s30, s16;
	[sflag:s23] =	ssyncadd.s32 $0xFFFFE000  }
.Ltmp2:
0x75: {  	s31 =	sshrl.u32 s10, $0x3;
	[bflag:$0x0] =	sbarrier.arrive $0xFFFF;
	(pc) =	sbr.rel @p0 .LBB2_1-.Ltmp2, $4  }
0x76: {  	[hbm:s15], [sflag:s0] =	dma.local [spmem:s31], $0x1400  }
0x77: {  	_ =	swait.ge [sflag:s29], $0x1400  }
0x78: {  	[sflag:s29] =	ssyncset.done $0x0  }
0x79: {  	[sflag:s29] =	ssyncadd.s32 $0xFFFFEC00  }
0x7a: {  	_ =	sfence.sel $0x180000  }
0x7b: {  	[bflag:$0x0] =	sbarrier.arrive $0xFFFF  }
0x7c: {  	_ =	strace $0x9000004A  }
0x7d: {  	s0 =	stileid.u32;
	[bflag:$0x2] =	sbarrier.arrive $0xFFFF  }
0x7e: {  	p0 =	sne.s32 s0, $0x0;
	s0 =	rddreg [dreg:$0x4]  }
0x7f: {  	s0 =	sadd.s32 @!p0 $0x100000, s0  }
0x80: {  	[sflag:s0] =	ssyncadd.tile.s32 @!p0 $0x1;
	_ =	shalt  }
.Lfunc_end2:
_tile_overlayer_lowered:
.L_overlay_start_2:
0x81: {  	(tag) =	ssettag $0x2  }
0x82: {  	s0 =	rddreg [dreg:$0x0];
	s2 =	stileid.u32  }
0x83: {  	s1 =	rddreg [dreg:$0x1];
	p0 =	sne.s32 s2, $0x0  }
0x84: {  	s3 =	rddreg [dreg:$0x2];
	[bflag:$0x3] =	sbarrier.arrive $0xFFFF;
	s2 =	simm.s32 @!p0 $0x1C05  }
0x85: {  	[timem:s3], [sflag:s2] =	dma.local @!p0 [hbm:s0], s1  }
0x86: {  	s0 =	simm.s32 @!p0 $0x5  }
0x87: {  	_ =	swait.ge @!p0 [sflag:s0], s1  }
0x88: {  	s1 =	ssub.s32 @!p0 $0x0, s1;
	[sflag:s0] =	ssyncset.done @!p0 $0x0  }
0x89: {  	[sflag:s0] =	ssyncadd.s32 @!p0 s1  }
0x8a: {  	[bflag:$0x3] =	sbarrier.arrive $0xFFFF  }
0x8b: {  	_ =	shalt  }

// kernel: kernel.16.cloned.1.call-start
scs
__scs_entry_jumppad:
0x0: {  	(pc) =	sbr.rel $0x88, $3  }
0x1: {  	(tag) =	ssettag $0x0;
	lr =	simm.s32 $0x1  }
0x2: {  	[smem:$0x3F95] =	sst lr;
	_ =	strace $0xD0000000  }
0x3: {  	_ = 	snop  }
0x4: {  	_ = 	snop  }
0x5: {  	_ = 	snop  }
0x6: {  	_ = 	snop  }
0x7: {  	_ = 	snop  }
__scs_overlays_trampoline_lowered:
0x8: {  	[smem:$0x3FA4] =	sst s0  }
0x9: {  	[smem:$0x3FA5] =	sst s1  }
0xa: {  	[smem:$0x3FA6] =	sst s2  }
0xb: {  	[smem:$0x3FA7] =	sst s3  }
0xc: {  	[smem:$0x3FA8] =	sst s4  }
0xd: {  	[smem:$0x3FA9] =	sst s5  }
0xe: {  	[smem:$0x3FAA] =	sst s6  }
0xf: {  	[smem:$0x3FAB] =	sst s7  }
0x10: {  	[smem:$0x3FAC] =	sst s8  }
0x11: {  	[smem:$0x3FAD] =	sst s9;
	s0 =	simm.s32 @!p0 $0x0  }
0x12: {  	s1 =	sld [smem:$0x3F93];
	s0 =	simm.s32 @p0 $0x1  }
0x13: {  	[smem:$0x3FAE] =	sst s0;
	s0 =	simm.s32 @!p1 $0x0  }
0x14: {  	s2 =	sld [smem:$0x3F92];
	s0 =	simm.s32 @p1 $0x1  }
0x15: {  	[smem:$0x3FAF] =	sst s0;
	s0 =	simm.s32 @!p2 $0x0  }
0x16: {  	s3 =	sld [smem:$0x3FDB];
	s0 =	simm.s32 @p2 $0x1  }
0x17: {  	s4 =	simm.s32 $0x1BF5;
	[smem:$0x3FB1] =	sst s0  }
0x18: {  	s0 =	sld [smem:$0x3F94];
	_ =	swait.ge [sflag:s4], $0x0  }
0x19: {  	s7 =	sld [smem:$0x3F95]  }
0x1a: {  	s8 =	sadd.s32 $0xFFFFE003, lr  }
0x1b: {  	s9 =	sadd.s32 $0xFFFFFEF7, lr;
	s5 =	simm.s32 $0xFFFFFFFF;
	p2 =	slt.u32 s8, $0xFFFFF086  }
0x1c: {  	p1 =	slt.u32 s9, $0xF7A;
	s5 =	simm.s32 @!p2 $0x0  }
0x1d: {  	s5 =	simm.s32 @p1 $0x1;
	p0 =	seq.s32 s7, s2  }
0x1e: {  	s7 =	smul.u32 @!p0 $0xF7A, s2;
	p2 =	seq.s32 @!p0 s5, $0x0  }
0x1f: {  	s9 =	smul.u32 $0xF7A, s1;
	s8 =	simm.s32 @!p0 $0x1BF5;
	p2 =	por !p2, p0  }
0x20: {  	[sflag:s8] =	ssyncset.s32 @!p0 $0xFFFFF086;
	s6 =	sadd.s32 @!p0 s3, s7;
	s7 =	simm.s32 @!p0 $0x108  }
0x21: {  	s3 =	sadd.s32 s3, s9;
	s6 =	sadd.s32 @!p0 $0x88, s6;
	s7 =	simm.s32 @p2 $0x1082  }
0x22: {  	[simem:s7], [sflag:s8] =	dma.local @!p0 [hbm:s6], $0xF7A  }
0x23: {  	s9 =	sor.u32 $0xD0000000, s2;
	s6 =	simm.s32 $0x108;
	_ =	swait.ge @!p0 [sflag:s8], $0x0  }
0x24: {  	s3 =	sadd.s32 $0x88, s3;
	s6 =	simm.s32 @!p1 $0x1082;
	[sflag:s4] =	ssyncset.s32 $0xFFFFF086  }
0x25: {  	[simem:s6], [sflag:s4] =	dma.local [hbm:s3], $0xF7A  }
0x26: {  	[smem:$0x3F95] =	sst s1;
	(tag) =	ssettag s2;
	_ =	strace s9  }
0x27: {  	s1 =	sld [smem:$0x3FA5]  }
0x28: {  	s2 =	sld [smem:$0x3FA6]  }
0x29: {  	s4 =	sld [smem:$0x3FA8]  }
0x2a: {  	p0 =	seq.s32 s5, $0x0;
	s5 =	sld [smem:$0x3FA9]  }
0x2b: {  	s6 =	sld [smem:$0x3FAA]  }
0x2c: {  	s7 =	sld [smem:$0x3FAB]  }
0x2d: {  	s3 =	simm.s32 $0x108;
	s8 =	sld [smem:$0x3FAC]  }
0x2e: {  	s3 =	simm.s32 @!p0 $0x1082;
	s9 =	sld [smem:$0x3FAD]  }
0x2f: {  	lr =	sadd.s32 s0, s3;
	s0 =	sld [smem:$0x3FA4]  }
0x30: {  	s3 =	sld [smem:$0x3FA7]  }
0x31: {  	[smem:$0x3FB0] =	sst s10  }
0x32: {  	s10 =	sld [smem:$0x3FAE];
	_ =	sdelay $0x3  }
0x33: {  	p0 =	seq.s32 s10, $0x1;
	s10 =	sld [smem:$0x3FB0];
	_ =	sdelay $0x3  }
0x34: {  	[smem:$0x3FB0] =	sst s10  }
0x35: {  	s10 =	sld [smem:$0x3FAF];
	_ =	sdelay $0x3  }
0x36: {  	p1 =	seq.s32 s10, $0x1;
	s10 =	sld [smem:$0x3FB0];
	_ =	sdelay $0x3  }
0x37: {  	[smem:$0x3FB0] =	sst s10  }
0x38: {  	s10 =	sld [smem:$0x3FB1]  }
0x39: {  	_ = 	snop;
	(pc) =	sbr.ind lr, $3  }
0x3a: {  	_ = 	snop  }
0x3b: {  	_ = 	snop  }
0x3c: {  	p2 =	seq.s32 s10, $0x1;
	s10 =	sld [smem:$0x3FB0]  }
0x3d: {  	_ =	shalt  }
0x3e: {  	_ =	shalt  }
0x3f: {  	_ =	shalt  }
0x40: {  	_ =	shalt  }
0x41: {  	_ =	shalt  }
0x42: {  	_ =	shalt  }
0x43: {  	_ =	shalt  }
0x44: {  	_ =	shalt  }
0x45: {  	_ =	shalt  }
0x46: {  	_ =	shalt  }
0x47: {  	_ =	shalt  }
0x48: {  	_ =	shalt  }
0x49: {  	_ =	shalt  }
0x4a: {  	_ =	shalt  }
0x4b: {  	_ =	shalt  }
0x4c: {  	_ =	shalt  }
0x4d: {  	_ =	shalt  }
0x4e: {  	_ =	shalt  }
0x4f: {  	_ =	shalt  }
0x50: {  	_ =	shalt  }
0x51: {  	_ =	shalt  }
0x52: {  	_ =	shalt  }
0x53: {  	_ =	shalt  }
0x54: {  	_ =	shalt  }
0x55: {  	_ =	shalt  }
0x56: {  	_ =	shalt  }
0x57: {  	_ =	shalt  }
0x58: {  	_ =	shalt  }
0x59: {  	_ =	shalt  }
0x5a: {  	_ =	shalt  }
0x5b: {  	_ =	shalt  }
0x5c: {  	_ =	shalt  }
0x5d: {  	_ =	shalt  }
0x5e: {  	_ =	shalt  }
0x5f: {  	_ =	shalt  }
0x60: {  	_ =	shalt  }
0x61: {  	_ =	shalt  }
0x62: {  	_ =	shalt  }
0x63: {  	_ =	shalt  }
0x64: {  	_ =	shalt  }
0x65: {  	_ =	shalt  }
0x66: {  	_ =	shalt  }
0x67: {  	_ =	shalt  }
0x68: {  	_ =	shalt  }
0x69: {  	_ =	shalt  }
0x6a: {  	_ =	shalt  }
0x6b: {  	_ =	shalt  }
0x6c: {  	_ =	shalt  }
0x6d: {  	_ =	shalt  }
0x6e: {  	_ =	shalt  }
0x6f: {  	_ =	shalt  }
0x70: {  	_ =	shalt  }
0x71: {  	_ =	shalt  }
0x72: {  	_ =	shalt  }
0x73: {  	_ =	shalt  }
0x74: {  	_ =	shalt  }
0x75: {  	_ =	shalt  }
0x76: {  	_ =	shalt  }
0x77: {  	_ =	shalt  }
0x78: {  	_ =	shalt  }
0x79: {  	_ =	shalt  }
0x7a: {  	_ =	shalt  }
0x7b: {  	_ =	shalt  }
0x7c: {  	_ =	shalt  }
0x7d: {  	_ =	shalt  }
0x7e: {  	_ =	shalt  }
0x7f: {  	_ =	shalt  }
0x80: {  	_ =	shalt  }
0x81: {  	_ =	shalt  }
0x82: {  	_ =	shalt  }
0x83: {  	_ =	shalt  }
0x84: {  	_ =	shalt  }
0x85: {  	_ =	shalt  }
0x86: {  	_ =	shalt  }
0x87: {  	_ =	shalt  }
.Lfunc_end0:
.L_simem_size_0:
called_computation.2_lowered:
.L_overlay_start_0:
0x88: {  	s2 =	sld [smem:$0x3FD9]  }
0x89: {  	s3 =	sld [smem:$0x3FFE];
	_ =	sdelay $0x1  }
0x8a: {  	s1 =	srdreg.scid  }
0x8b: {  	s0 =	sand.u32 $0x1, s1  }
0x8c: {  	s17 =	sshll.u32 s0, $0xA;
	s2 =	sadd.s32 s3, s2  }
0x8d: {  	s2 =	sadd.s32 s2, s17  }
0x8e: {  	[smem:$0x3FBC] =	sst s2  }
0x8f: {  	_ = 	snop  }
0x90: {  	s2 =	sld [smem:$0x3FD0];
	(tm) =	ssettm $0x1  }
0x91: {  	s18 =	sld [smem:$0x3FFB];
	_ =	sdelay $0x3  }
0x92: {  	_ =	strace s18  }
0x93: {  	s3 =	sld [smem:$0x3FFC];
	_ =	sdelay $0x3  }
0x94: {  	_ =	strace s3  }
0x95: {  	s3 =	sld [smem:$0x3FFD];
	_ =	sdelay $0x3  }
0x96: {  	_ =	strace s3  }
0x97: {  	_ =	strace $0x8FFFFFFF  }
0x98: {  	s19 =	sld [smem:$0x3FDB];
	_ =	sdelay $0x1  }
0x99: {  	s4 =	simm.s32 $_scs_section_size  }
0x9a: {  	s5 =	simm.s32 $_size__tile_overlayer_lowered;
	s6 =	simm.s32 $_tile_overlayer_lowered  }
0x9b: {  	s22 =	simm.s32 $0x1BFF;
	s21 =	sshll.u32 s6, $0x1;
	s3 =	sadd.s32 s4, s19  }
0x9c: {  	s7 =	simm.s32 $0x0;
	s20 =	sshll.u32 s5, $0x1;
	s5 =	sadd.s32 s21, s3  }
0x9d: {  	[timem:s7], [sflag:s22] =	dma.local [hbm:s5], s20  }
0x9e: {  	_ =	swait.ge [sflag:s22], s20  }
0x9f: {  	s4 =	ssub.s32 $0x0, s20;
	[sflag:s22] =	ssyncset.done $0x0  }
0xa0: {  	[sflag:s22] =	ssyncadd.s32 s4;
	_ =	sdelay $0x1  }
0xa1: {  	s23 =	simm.s32 $0x1B8B  }
0xa2: {  	_ =	swait.ge [sflag:s23], $0x1  }
0xa3: {  	[sflag:s23] =	ssyncset.done $0x0  }
0xa4: {  	s25 =	simm.s32 $0x1B8E;
	s24 =	sld [smem:$0x3FFE];
	[sflag:s23] =	ssyncadd.s32 $0xFFFFFFFF  }
0xa5: {  	s26 =	simm.s32 $execute0_lowered;
	[smem:$0x3FD2] =	sst s25  }
0xa6: {  	s5 =	sshll.u32 s26, $0x1;
	_ =	strace $0x8000004C;
	[dreg:$0x1] =	wrdreg $0xFFFFFFFF  }
0xa7: {  	s28 =	simm.s32 $_size_execute0_lowered;
	s3 =	sadd.s32 s3, s5;
	[dreg:$0x0] =	wrdreg $0x0  }
0xa8: {  	s5 =	sshll.u32 s28, $0x1;
	[dreg:$0x2] =	wrdreg s3  }
0xa9: {  	[dreg:$0x3] =	wrdreg s5  }
0xaa: {  	[dreg:$0x4] =	wrdreg $0xC0  }
0xab: {  	_ =	task [dreg:s7], $0x5FFFF  }
0xac: {  	[dreg:$0x1] =	wrdreg $0xFFFFFFFF  }
0xad: {  	[dreg:$0x0] =	wrdreg $0x60  }
0xae: {  	[dreg:$0x2] =	wrdreg s24  }
0xaf: {  	[dreg:$0x3] =	wrdreg s2  }
0xb0: {  	[dreg:$0x4] =	wrdreg $0xB0000  }
0xb1: {  	[dreg:$0x5] =	wrdreg $0x150000  }
0xb2: {  	[dreg:$0x6] =	wrdreg $0x9  }
0xb3: {  	_ =	task.clear_ibuf [dreg:s7], $0x7FFFF;
	_ =	strace $0x9000004C  }
0xb4: {  	s29 =	simm.s32 $0x9;
	_ =	strace $0x8000004E  }
0xb5: {  	_ =	swait.ge [sflag:s29], $0x1  }
0xb6: {  	[sflag:s29] =	ssyncadd.s32 $0xFFFFFFFF  }
0xb7: {  	_ =	strace $0x9000004E  }
0xb8: {  	_ =	sfence  }
0xb9: {  	s30 =	sld [smem:$0x0];
	_ =	sdelay $0x2  }
0xba: {  	s31 =	sshll.u32 s1, $0xD;
	s1 =	sshrl.u32 s1, $0x2  }
0xbb: {  	s3 =	sand.u32 $0x4000, s31;
	s1 =	sadd.s32 s1, s30  }
0xbc: {  	s0 =	sor.u32 s3, s0;
	s1 =	sshll.u32 s1, $0x11  }
0xbd: {  	s0 =	sor.u32 s1, s0  }
0xbe: {  	s0 =	sadd.s32 $0x8F2B, s0  }
0xbf: {  	[sflag:s0] =	ssyncadd.remote.s32 $0x1  }
0xc0: {  	_ =	sfence.sel $0xFFFF  }
0xc1: {  	[dreg:$0x0] =	wrdreg $0xFFFFFFFF;
	(pc) =	sbr.abs _section_cstart, $3  }
0xc2: {  	[dreg:$0x1] =	wrdreg $0xFFFFFFFF  }
0xc3: {  	_ =	task.clear_ibuf [dreg:s7], $0x2FFFF;
	_ =	strace $0x9FFFFFFF  }
0xc4: {  	(tm) =	ssettm $0x7FFFFFFF  }
0xc5: {  	_ =	shalt  }
tec
execute0_lowered:
.L_overlay_start_1:
0x0: {  	(tag) =	ssettag $0x1  }
0x1: {  	s1 =	rddreg [dreg:$0x0]  }
0x2: {  	s0 =	srdreg.scid;
	s6 =	rddreg [dreg:$0x1]  }
0x3: {  	s2 =	rddreg [dreg:$0x2];
	s25 =	stileid.u32  }
0x4: {  	s3 =	rddreg [dreg:$0x3];
	s17 =	simm.s32 $0x2800;
	s19 =	simm.s32 $0x9000  }
0x5: {  	s20 =	simm.s32 $0x1;
	s21 =	simm.s32 $0x2;
	s22 =	simm.s32 $0x3  }
0x6: {  	s23 =	simm.s32 $0x4;
	s24 =	simm.s32 $0x80;
	s10 =	smul.u32 $0xA000, s25  }
0x7: {  	s28 =	simm.s32 $0x4F80;
	s29 =	simm.s32 $0x5;
	s8 =	smul.u32 $0x1400, s25  }
0x8: {  	s30 =	simm.s32 $0x0;
	s5 =	sand.u32 $0x1, s0;
	s13 =	smul.u32 $0x28000, s25  }
0x9: {  	s4 =	sshll.u32 s5, $0x4;
	s11 =	smul.u32 $0x14000, s5;
	s5 =	ssub.s32 $0x2, s5  }
0xa: {  	s7 =	sor.u32 s25, s4;
	s4 =	simm.s32 $0x0;
	s9 =	sshrl.u32 s10, $0x3  }
0xb: {  	s26 =	sshrl.u32 s5, $0x1;
	s18 =	sadd.s32 s10, s2;
	s31 =	sshrl.u32 s13, $0x2  }
0xc: {  	s10 =	sadd.s32 s10, s3;
	s7 =	smul.u32 $0x500, s7;
	[smem:$0x7FF] =	sst s4  }
0xd: {  	s9 =	sadd.s32 s9, s1;
	s8 =	sadd.s32 s8, s11;
	s16 =	ssub.s32 s5, s26  }
0xe: {  	s14 =	sadd.s32 s31, s3;
	s18 =	sshrl.u32 s18, $0x3;
	s26 =	simm.s32 $0x7000  }
0xf: {  	_ =	strace $0x8000004D;
	s11 =	sadd.s32 $0x2000, s14;
	s13 =	sadd.s32 $0x6000, s14  }
0x10: {  	s16 =	smax.u32 s16, $0x1;
	s12 =	sadd.s32 s7, s1;
	s1 =	sadd.s32 s8, s1  }
0x11: {  	s6 =	sadd.s32 s6, s7;
	s7 =	sadd.s32 $0x5D400, s9;
	s8 =	sshll.u32 s25, $0x6  }
0x12: {  	s25 =	simm.s32 $0x5000;
	s5 =	sadd.s32 $0x3400, s12;
	s9 =	sor.u32 $0x1C03, s8  }
0x13: {  	v0 =	vimm.f32 $0.0e+00;
	s12 =	sadd.s32 $0x4000, s14;
	s14 =	sadd.s32 $0x8000, s14;
	s15 =	sadd.s32 $0x71400, s1  }
.LBB2_1:
0x14: {  	[tilespmem:s4], [sflag:$0x1] =	stream.linear.gather [hbm4b:s5+s4], $0x2800, $0x38;
	[tilespmem:$0x1F000] =	vst v63  }
0x15: {  	s1 =	simm.s32 $0x100;
	s31 =	simm.s32 $0x0  }
0x16: {  	[tilespmem:s17], [sflag:$0x2] =	stream.linear.gather [hbm4b:s6+s4], $0x2800, $0x38;
	[tilespmem:$0x1F000] =	vst v63  }
0x17: {  	[spmem:s18], [sflag:s9] =	dma.local [hbm:s7], $0x1400  }
.LBB2_2:
0x18: {  	p0 =	sne.s32 s1, $0x7F00;
	[tilespmem:s31+$0x9030] =	vst v0;
	s0 =	smov.u32 s1;
	s1 =	sadd.s32 $0x100, s1  }
.Ltmp0:
0x19: {  	[tilespmem:s31+$0x9020] =	vst v0;
	(pc) =	sbr.rel @p0 .LBB2_2-.Ltmp0, $3  }
0x1a: {  	[tilespmem:s31+$0x9000] =	vst v0  }
0x1b: {  	[tilespmem:s31+$0x9010] =	vst v0;
	_ =	sdelay $0x1  }
0x1c: {  	s31 =	sshra.s32 s0, $0x2  }
0x1d: {  	[tilespmem:s31+$0x9030] =	vst v0  }
0x1e: {  	[tilespmem:s31+$0x9020] =	vst v0  }
0x1f: {  	[tilespmem:s31+$0x9000] =	vst v0  }
0x20: {  	[tilespmem:s31+$0x9010] =	vst v0  }
0x21: {  	[spmem:s10] =	stream.linear.scatter [tilespmem:s19], [sflag:$0x4], $0x2000, $0x38;
	[tilespmem:$0x1F000] =	vst v63  }
0x22: {  	_ = 	snop  }
0x23: {  	[spmem:s11] =	stream.linear.scatter [tilespmem:s19], [sflag:$0x4], $0x2000, $0x38;
	[tilespmem:$0x1F000] =	vst v63  }
0x24: {  	_ = 	snop  }
0x25: {  	[spmem:s12] =	stream.linear.scatter [tilespmem:s19], [sflag:$0x4], $0x2000, $0x38;
	[tilespmem:$0x1F000] =	vst v63  }
0x26: {  	_ = 	snop  }
0x27: {  	[spmem:s13] =	stream.linear.scatter [tilespmem:s19], [sflag:$0x4], $0x2000, $0x38;
	[tilespmem:$0x1F000] =	vst v63  }
0x28: {  	_ = 	snop  }
0x29: {  	[spmem:s14] =	stream.linear.scatter [tilespmem:s19], [sflag:$0x4], $0x2000, $0x38;
	[tilespmem:$0x1F000] =	vst v63  }
0x2a: {  	_ =	swait.ge [sflag:s20], $0x2800  }
0x2b: {  	[sflag:s20] =	ssyncset.done $0x0  }
0x2c: {  	[sflag:s20] =	ssyncadd.s32 $0xFFFFD800  }
0x2d: {  	_ =	swait.ge [sflag:s21], $0x2800  }
0x2e: {  	[sflag:s21] =	ssyncset.done $0x0  }
0x2f: {  	[sflag:s21] =	ssyncadd.s32 $0xFFFFD800  }
0x30: {  	_ =	swait.ge [sflag:s22], $0x1400  }
0x31: {  	[sflag:s22] =	ssyncset.done $0x0  }
0x32: {  	[sflag:s22] =	ssyncadd.s32 $0xFFFFEC00  }
0x33: {  	_ =	swait.ge [sflag:s23], $0x2000  }
0x34: {  	[sflag:s23] =	ssyncset.done $0x0  }
0x35: {  	[sflag:s23] =	ssyncadd.s32 $0xFFFFE000  }
0x36: {  	_ =	swait.ge [sflag:s23], $0x2000  }
0x37: {  	[sflag:s23] =	ssyncset.done $0x0  }
0x38: {  	[sflag:s23] =	ssyncadd.s32 $0xFFFFE000  }
0x39: {  	_ =	swait.ge [sflag:s23], $0x2000  }
0x3a: {  	[sflag:s23] =	ssyncset.done $0x0  }
0x3b: {  	[sflag:s23] =	ssyncadd.s32 $0xFFFFE000  }
0x3c: {  	_ =	swait.ge [sflag:s23], $0x2000  }
0x3d: {  	[sflag:s23] =	ssyncset.done $0x0  }
0x3e: {  	[sflag:s23] =	ssyncadd.s32 $0xFFFFE000  }
0x3f: {  	_ =	swait.ge [sflag:s23], $0x2000  }
0x40: {  	[sflag:s23] =	ssyncset.done $0x0  }
0x41: {  	[sflag:s23] =	ssyncadd.s32 $0xFFFFE000  }
0x42: {  	[bflag:$0x0] =	sbarrier.arrive $0xFFFF  }
0x43: {  	[tilespmem:s25], [sflag:$0x1] =	stream.indirect.gather [spmem:s2], $0x40, s4, s24, $0xb8;
	[tilespmem:$0x1F000] =	vst v63  }
0x44: {  	_ =	swait.ge [sflag:s20], $0x2000  }
0x45: {  	[sflag:s20] =	ssyncset.done $0x0  }
0x46: {  	[sflag:s20] =	ssyncadd.s32 $0xFFFFE000  }
0x47: {  	[spmem:s3] =	stream.indirect.scatter.add.f32 [tilespmem:s25], [sflag:$0x3], $0x40, s17, s24, $0xb8;
	[tilespmem:$0x1F000] =	vst v63  }
0x48: {  	_ = 	snop  }
0x49: {  	[tilespmem:s26], [sflag:$0x2] =	stream.indirect.gather [spmem:s2], $0x40, s24, s24, $0xb8;
	[tilespmem:$0x1F000] =	vst v63  }
0x4a: {  	_ =	swait.ge [sflag:s21], $0x2000  }
0x4b: {  	[sflag:s21] =	ssyncset.done $0x0  }
0x4c: {  	s0 =	simm.s32 $0x2880;
	[sflag:s21] =	ssyncadd.s32 $0xFFFFE000  }
0x4d: {  	[spmem:s3] =	stream.indirect.scatter.add.f32 [tilespmem:s26], [sflag:$0x4], $0x40, s0, s24, $0xb8;
	[tilespmem:$0x1F000] =	vst v63  }
0x4e: {  	_ =	swait.ge [sflag:s22], $0x2000  }
0x4f: {  	[sflag:s22] =	ssyncset.done $0x0  }
0x50: {  	s1 =	simm.s32 $0x100;
	[sflag:s22] =	ssyncadd.s32 $0xFFFFE000  }
0x51: {  	[tilespmem:s25], [sflag:$0x1] =	stream.indirect.gather [spmem:s2], $0x40, s1, s24, $0xb8;
	[tilespmem:$0x1F000] =	vst v63  }
0x52: {  	_ =	swait.ge [sflag:s20], $0x2000  }
0x53: {  	[sflag:s20] =	ssyncset.done $0x0  }
0x54: {  	s1 =	simm.s32 $0x2900;
	[sflag:s20] =	ssyncadd.s32 $0xFFFFE000  }
0x55: {  	[spmem:s3] =	stream.indirect.scatter.add.f32 [tilespmem:s25], [sflag:$0x3], $0x40, s1, s24, $0xb8;
	[tilespmem:$0x1F000] =	vst v63  }
0x56: {  	_ =	swait.ge [sflag:s23], $0x2000  }
0x57: {  	[sflag:s23] =	ssyncset.done $0x0  }
0x58: {  	s31 =	simm.s32 $0xFFFF6800;
	s1 =	simm.s32 $0x180;
	[sflag:s23] =	ssyncadd.s32 $0xFFFFE000  }
.LBB2_4:
0x59: {  	[tilespmem:s26], [sflag:$0x2] =	stream.indirect.gather [spmem:s2], $0x40, s1, s24, $0xb8;
	[tilespmem:$0x1F000] =	vst v63  }
0x5a: {  	s0 =	smov.u32 s31  }
0x5b: {  	p0 =	sne.s32 s31, $0xFFFFFC00;
	s31 =	sadd.s32 $0x400, s31;
	_ =	swait.ge [sflag:s21], $0x2000  }
0x5c: {  	s0 =	sshra.s32 s0, $0x2;
	[sflag:s21] =	ssyncset.done $0x0  }
0x5d: {  	s1 =	sadd.s32 $0x4F80, s0;
	[sflag:s21] =	ssyncadd.s32 $0xFFFFE000  }
0x5e: {  	[spmem:s3] =	stream.indirect.scatter.add.f32 [tilespmem:s26], [sflag:$0x4], $0x40, s1, s24, $0xb8;
	[tilespmem:$0x1F000] =	vst v63  }
0x5f: {  	_ =	swait.ge [sflag:s22], $0x2000  }
0x60: {  	[sflag:s22] =	ssyncset.done $0x0  }
0x61: {  	s1 =	sadd.s32 $0x2800, s0;
	[sflag:s22] =	ssyncadd.s32 $0xFFFFE000  }
0x62: {  	[tilespmem:s25], [sflag:$0x1] =	stream.indirect.gather [spmem:s2], $0x40, s1, s24, $0xb8;
	[tilespmem:$0x1F000] =	vst v63  }
0x63: {  	_ =	swait.ge [sflag:s20], $0x2000  }
0x64: {  	[sflag:s20] =	ssyncset.done $0x0  }
.Ltmp1:
0x65: {  	s1 =	sadd.s32 $0x5000, s0;
	[sflag:s20] =	ssyncadd.s32 $0xFFFFE000;
	(pc) =	sbr.rel @p0 .LBB2_4-.Ltmp1, $4  }
0x66: {  	[spmem:s3] =	stream.indirect.scatter.add.f32 [tilespmem:s25], [sflag:$0x3], $0x40, s1, s24, $0xb8;
	[tilespmem:$0x1F000] =	vst v63  }
0x67: {  	_ =	swait.ge [sflag:s23], $0x2000  }
0x68: {  	[sflag:s23] =	ssyncset.done $0x0  }
0x69: {  	s1 =	sadd.s32 $0x2880, s0;
	[sflag:s23] =	ssyncadd.s32 $0xFFFFE000  }
0x6a: {  	[tilespmem:s26], [sflag:$0x2] =	stream.indirect.gather [spmem:s2], $0x40, s1, s24, $0xb8;
	[tilespmem:$0x1F000] =	vst v63  }
0x6b: {  	_ =	swait.ge [sflag:s21], $0x2000  }
0x6c: {  	[sflag:s21] =	ssyncset.done $0x0  }
0x6d: {  	[sflag:s21] =	ssyncadd.s32 $0xFFFFE000  }
0x6e: {  	[spmem:s3] =	stream.indirect.scatter.add.f32 [tilespmem:s26], [sflag:$0x4], $0x40, s28, s24, $0xb8;
	[tilespmem:$0x1F000] =	vst v63  }
0x6f: {  	_ =	swait.ge [sflag:s22], $0x2000  }
0x70: {  	[sflag:s22] =	ssyncset.done $0x0  }
0x71: {  	[sflag:s22] =	ssyncadd.s32 $0xFFFFE000  }
0x72: {  	_ =	swait.ge [sflag:s23], $0x2000  }
0x73: {  	s30 =	sadd.s32 $0x1, s30;
	[sflag:s23] =	ssyncset.done $0x0  }
0x74: {  	s0 =	sor.u32 $0x1C05, s8;
	p0 =	sne.s32 s30, s16;
	[sflag:s23] =	ssyncadd.s32 $0xFFFFE000  }
.Ltmp2:
0x75: {  	s31 =	sshrl.u32 s10, $0x3;
	[bflag:$0x0] =	sbarrier.arrive $0xFFFF;
	(pc) =	sbr.rel @p0 .LBB2_1-.Ltmp2, $4  }
0x76: {  	[hbm:s15], [sflag:s0] =	dma.local [spmem:s31], $0x1400  }
0x77: {  	_ =	swait.ge [sflag:s29], $0x1400  }
0x78: {  	[sflag:s29] =	ssyncset.done $0x0  }
0x79: {  	[sflag:s29] =	ssyncadd.s32 $0xFFFFEC00  }
0x7a: {  	_ =	sfence.sel $0x180000  }
0x7b: {  	[bflag:$0x0] =	sbarrier.arrive $0xFFFF  }
0x7c: {  	_ =	strace $0x9000004D  }
0x7d: {  	s0 =	stileid.u32;
	[bflag:$0x2] =	sbarrier.arrive $0xFFFF  }
0x7e: {  	p0 =	sne.s32 s0, $0x0;
	s0 =	rddreg [dreg:$0x4]  }
0x7f: {  	s0 =	sadd.s32 @!p0 $0x100000, s0  }
0x80: {  	[sflag:s0] =	ssyncadd.tile.s32 @!p0 $0x1;
	_ =	shalt  }
.Lfunc_end2:
_tile_overlayer_lowered:
.L_overlay_start_2:
0x81: {  	(tag) =	ssettag $0x2  }
0x82: {  	s0 =	rddreg [dreg:$0x0];
	s2 =	stileid.u32  }
0x83: {  	s1 =	rddreg [dreg:$0x1];
	p0 =	sne.s32 s2, $0x0  }
0x84: {  	s3 =	rddreg [dreg:$0x2];
	[bflag:$0x3] =	sbarrier.arrive $0xFFFF;
	s2 =	simm.s32 @!p0 $0x1C05  }
0x85: {  	[timem:s3], [sflag:s2] =	dma.local @!p0 [hbm:s0], s1  }
0x86: {  	s0 =	simm.s32 @!p0 $0x5  }
0x87: {  	_ =	swait.ge @!p0 [sflag:s0], s1  }
0x88: {  	s1 =	ssub.s32 @!p0 $0x0, s1;
	[sflag:s0] =	ssyncset.done @!p0 $0x0  }
0x89: {  	[sflag:s0] =	ssyncadd.s32 @!p0 s1  }
0x8a: {  	[bflag:$0x3] =	sbarrier.arrive $0xFFFF  }
0x8b: {  	_ =	shalt  }

// kernel: kernel.19.cloned.1.call-start
scs
__scs_entry_jumppad:
0x0: {  	(pc) =	sbr.rel $0x88, $3  }
0x1: {  	(tag) =	ssettag $0x0;
	lr =	simm.s32 $0x1  }
0x2: {  	[smem:$0x3F95] =	sst lr;
	_ =	strace $0xD0000000  }
0x3: {  	_ = 	snop  }
0x4: {  	_ = 	snop  }
0x5: {  	_ = 	snop  }
0x6: {  	_ = 	snop  }
0x7: {  	_ = 	snop  }
__scs_overlays_trampoline_lowered:
0x8: {  	[smem:$0x3FA4] =	sst s0  }
0x9: {  	[smem:$0x3FA5] =	sst s1  }
0xa: {  	[smem:$0x3FA6] =	sst s2  }
0xb: {  	[smem:$0x3FA7] =	sst s3  }
0xc: {  	[smem:$0x3FA8] =	sst s4  }
0xd: {  	[smem:$0x3FA9] =	sst s5  }
0xe: {  	[smem:$0x3FAA] =	sst s6  }
0xf: {  	[smem:$0x3FAB] =	sst s7  }
0x10: {  	[smem:$0x3FAC] =	sst s8  }
0x11: {  	[smem:$0x3FAD] =	sst s9;
	s0 =	simm.s32 @!p0 $0x0  }
0x12: {  	s1 =	sld [smem:$0x3F93];
	s0 =	simm.s32 @p0 $0x1  }
0x13: {  	[smem:$0x3FAE] =	sst s0;
	s0 =	simm.s32 @!p1 $0x0  }
0x14: {  	s2 =	sld [smem:$0x3F92];
	s0 =	simm.s32 @p1 $0x1  }
0x15: {  	[smem:$0x3FAF] =	sst s0;
	s0 =	simm.s32 @!p2 $0x0  }
0x16: {  	s3 =	sld [smem:$0x3FDB];
	s0 =	simm.s32 @p2 $0x1  }
0x17: {  	s4 =	simm.s32 $0x1BF5;
	[smem:$0x3FB1] =	sst s0  }
0x18: {  	s0 =	sld [smem:$0x3F94];
	_ =	swait.ge [sflag:s4], $0x0  }
0x19: {  	s7 =	sld [smem:$0x3F95]  }
0x1a: {  	s8 =	sadd.s32 $0xFFFFE003, lr  }
0x1b: {  	s9 =	sadd.s32 $0xFFFFFEF7, lr;
	s5 =	simm.s32 $0xFFFFFFFF;
	p2 =	slt.u32 s8, $0xFFFFF086  }
0x1c: {  	p1 =	slt.u32 s9, $0xF7A;
	s5 =	simm.s32 @!p2 $0x0  }
0x1d: {  	s5 =	simm.s32 @p1 $0x1;
	p0 =	seq.s32 s7, s2  }
0x1e: {  	s7 =	smul.u32 @!p0 $0xF7A, s2;
	p2 =	seq.s32 @!p0 s5, $0x0  }
0x1f: {  	s9 =	smul.u32 $0xF7A, s1;
	s8 =	simm.s32 @!p0 $0x1BF5;
	p2 =	por !p2, p0  }
0x20: {  	[sflag:s8] =	ssyncset.s32 @!p0 $0xFFFFF086;
	s6 =	sadd.s32 @!p0 s3, s7;
	s7 =	simm.s32 @!p0 $0x108  }
0x21: {  	s3 =	sadd.s32 s3, s9;
	s6 =	sadd.s32 @!p0 $0x88, s6;
	s7 =	simm.s32 @p2 $0x1082  }
0x22: {  	[simem:s7], [sflag:s8] =	dma.local @!p0 [hbm:s6], $0xF7A  }
0x23: {  	s9 =	sor.u32 $0xD0000000, s2;
	s6 =	simm.s32 $0x108;
	_ =	swait.ge @!p0 [sflag:s8], $0x0  }
0x24: {  	s3 =	sadd.s32 $0x88, s3;
	s6 =	simm.s32 @!p1 $0x1082;
	[sflag:s4] =	ssyncset.s32 $0xFFFFF086  }
0x25: {  	[simem:s6], [sflag:s4] =	dma.local [hbm:s3], $0xF7A  }
0x26: {  	[smem:$0x3F95] =	sst s1;
	(tag) =	ssettag s2;
	_ =	strace s9  }
0x27: {  	s1 =	sld [smem:$0x3FA5]  }
0x28: {  	s2 =	sld [smem:$0x3FA6]  }
0x29: {  	s4 =	sld [smem:$0x3FA8]  }
0x2a: {  	p0 =	seq.s32 s5, $0x0;
	s5 =	sld [smem:$0x3FA9]  }
0x2b: {  	s6 =	sld [smem:$0x3FAA]  }
0x2c: {  	s7 =	sld [smem:$0x3FAB]  }
0x2d: {  	s3 =	simm.s32 $0x108;
	s8 =	sld [smem:$0x3FAC]  }
0x2e: {  	s3 =	simm.s32 @!p0 $0x1082;
	s9 =	sld [smem:$0x3FAD]  }
0x2f: {  	lr =	sadd.s32 s0, s3;
	s0 =	sld [smem:$0x3FA4]  }
0x30: {  	s3 =	sld [smem:$0x3FA7]  }
0x31: {  	[smem:$0x3FB0] =	sst s10  }
0x32: {  	s10 =	sld [smem:$0x3FAE];
	_ =	sdelay $0x3  }
0x33: {  	p0 =	seq.s32 s10, $0x1;
	s10 =	sld [smem:$0x3FB0];
	_ =	sdelay $0x3  }
0x34: {  	[smem:$0x3FB0] =	sst s10  }
0x35: {  	s10 =	sld [smem:$0x3FAF];
	_ =	sdelay $0x3  }
0x36: {  	p1 =	seq.s32 s10, $0x1;
	s10 =	sld [smem:$0x3FB0];
	_ =	sdelay $0x3  }
0x37: {  	[smem:$0x3FB0] =	sst s10  }
0x38: {  	s10 =	sld [smem:$0x3FB1]  }
0x39: {  	_ = 	snop;
	(pc) =	sbr.ind lr, $3  }
0x3a: {  	_ = 	snop  }
0x3b: {  	_ = 	snop  }
0x3c: {  	p2 =	seq.s32 s10, $0x1;
	s10 =	sld [smem:$0x3FB0]  }
0x3d: {  	_ =	shalt  }
0x3e: {  	_ =	shalt  }
0x3f: {  	_ =	shalt  }
0x40: {  	_ =	shalt  }
0x41: {  	_ =	shalt  }
0x42: {  	_ =	shalt  }
0x43: {  	_ =	shalt  }
0x44: {  	_ =	shalt  }
0x45: {  	_ =	shalt  }
0x46: {  	_ =	shalt  }
0x47: {  	_ =	shalt  }
0x48: {  	_ =	shalt  }
0x49: {  	_ =	shalt  }
0x4a: {  	_ =	shalt  }
0x4b: {  	_ =	shalt  }
0x4c: {  	_ =	shalt  }
0x4d: {  	_ =	shalt  }
0x4e: {  	_ =	shalt  }
0x4f: {  	_ =	shalt  }
0x50: {  	_ =	shalt  }
0x51: {  	_ =	shalt  }
0x52: {  	_ =	shalt  }
0x53: {  	_ =	shalt  }
0x54: {  	_ =	shalt  }
0x55: {  	_ =	shalt  }
0x56: {  	_ =	shalt  }
0x57: {  	_ =	shalt  }
0x58: {  	_ =	shalt  }
0x59: {  	_ =	shalt  }
0x5a: {  	_ =	shalt  }
0x5b: {  	_ =	shalt  }
0x5c: {  	_ =	shalt  }
0x5d: {  	_ =	shalt  }
0x5e: {  	_ =	shalt  }
0x5f: {  	_ =	shalt  }
0x60: {  	_ =	shalt  }
0x61: {  	_ =	shalt  }
0x62: {  	_ =	shalt  }
0x63: {  	_ =	shalt  }
0x64: {  	_ =	shalt  }
0x65: {  	_ =	shalt  }
0x66: {  	_ =	shalt  }
0x67: {  	_ =	shalt  }
0x68: {  	_ =	shalt  }
0x69: {  	_ =	shalt  }
0x6a: {  	_ =	shalt  }
0x6b: {  	_ =	shalt  }
0x6c: {  	_ =	shalt  }
0x6d: {  	_ =	shalt  }
0x6e: {  	_ =	shalt  }
0x6f: {  	_ =	shalt  }
0x70: {  	_ =	shalt  }
0x71: {  	_ =	shalt  }
0x72: {  	_ =	shalt  }
0x73: {  	_ =	shalt  }
0x74: {  	_ =	shalt  }
0x75: {  	_ =	shalt  }
0x76: {  	_ =	shalt  }
0x77: {  	_ =	shalt  }
0x78: {  	_ =	shalt  }
0x79: {  	_ =	shalt  }
0x7a: {  	_ =	shalt  }
0x7b: {  	_ =	shalt  }
0x7c: {  	_ =	shalt  }
0x7d: {  	_ =	shalt  }
0x7e: {  	_ =	shalt  }
0x7f: {  	_ =	shalt  }
0x80: {  	_ =	shalt  }
0x81: {  	_ =	shalt  }
0x82: {  	_ =	shalt  }
0x83: {  	_ =	shalt  }
0x84: {  	_ =	shalt  }
0x85: {  	_ =	shalt  }
0x86: {  	_ =	shalt  }
0x87: {  	_ =	shalt  }
.Lfunc_end0:
.L_simem_size_0:
called_computation.3_lowered:
.L_overlay_start_0:
0x88: {  	s2 =	sld [smem:$0x3FD9]  }
0x89: {  	s3 =	sld [smem:$0x3FFE];
	_ =	sdelay $0x1  }
0x8a: {  	s1 =	srdreg.scid  }
0x8b: {  	s0 =	sand.u32 $0x1, s1  }
0x8c: {  	s17 =	sshll.u32 s0, $0xA;
	s2 =	sadd.s32 s3, s2  }
0x8d: {  	s2 =	sadd.s32 s2, s17  }
0x8e: {  	[smem:$0x3FBC] =	sst s2  }
0x8f: {  	_ = 	snop  }
0x90: {  	s2 =	sld [smem:$0x3FD0];
	(tm) =	ssettm $0x1  }
0x91: {  	s18 =	sld [smem:$0x3FFB];
	_ =	sdelay $0x3  }
0x92: {  	_ =	strace s18  }
0x93: {  	s3 =	sld [smem:$0x3FFC];
	_ =	sdelay $0x3  }
0x94: {  	_ =	strace s3  }
0x95: {  	s3 =	sld [smem:$0x3FFD];
	_ =	sdelay $0x3  }
0x96: {  	_ =	strace s3  }
0x97: {  	_ =	strace $0x8FFFFFFF  }
0x98: {  	s19 =	sld [smem:$0x3FDB];
	_ =	sdelay $0x1  }
0x99: {  	s4 =	simm.s32 $_scs_section_size  }
0x9a: {  	s5 =	simm.s32 $_size__tile_overlayer_lowered;
	s6 =	simm.s32 $_tile_overlayer_lowered  }
0x9b: {  	s22 =	simm.s32 $0x1BFF;
	s21 =	sshll.u32 s6, $0x1;
	s3 =	sadd.s32 s4, s19  }
0x9c: {  	s7 =	simm.s32 $0x0;
	s20 =	sshll.u32 s5, $0x1;
	s5 =	sadd.s32 s21, s3  }
0x9d: {  	[timem:s7], [sflag:s22] =	dma.local [hbm:s5], s20  }
0x9e: {  	_ =	swait.ge [sflag:s22], s20  }
0x9f: {  	s4 =	ssub.s32 $0x0, s20;
	[sflag:s22] =	ssyncset.done $0x0  }
0xa0: {  	[sflag:s22] =	ssyncadd.s32 s4;
	_ =	sdelay $0x1  }
0xa1: {  	s23 =	simm.s32 $0x1B8B  }
0xa2: {  	_ =	swait.ge [sflag:s23], $0x1  }
0xa3: {  	[sflag:s23] =	ssyncset.done $0x0  }
0xa4: {  	s25 =	simm.s32 $0x1B8E;
	s24 =	sld [smem:$0x3FFE];
	[sflag:s23] =	ssyncadd.s32 $0xFFFFFFFF  }
0xa5: {  	s26 =	simm.s32 $execute0_lowered;
	[smem:$0x3FD2] =	sst s25  }
0xa6: {  	s5 =	sshll.u32 s26, $0x1;
	_ =	strace $0x8000004F;
	[dreg:$0x1] =	wrdreg $0xFFFFFFFF  }
0xa7: {  	s28 =	simm.s32 $_size_execute0_lowered;
	s3 =	sadd.s32 s3, s5;
	[dreg:$0x0] =	wrdreg $0x0  }
0xa8: {  	s5 =	sshll.u32 s28, $0x1;
	[dreg:$0x2] =	wrdreg s3  }
0xa9: {  	[dreg:$0x3] =	wrdreg s5  }
0xaa: {  	[dreg:$0x4] =	wrdreg $0xC0  }
0xab: {  	_ =	task [dreg:s7], $0x5FFFF  }
0xac: {  	[dreg:$0x1] =	wrdreg $0xFFFFFFFF  }
0xad: {  	[dreg:$0x0] =	wrdreg $0x60  }
0xae: {  	[dreg:$0x2] =	wrdreg s24  }
0xaf: {  	[dreg:$0x3] =	wrdreg s2  }
0xb0: {  	[dreg:$0x4] =	wrdreg $0xB0000  }
0xb1: {  	[dreg:$0x5] =	wrdreg $0x150000  }
0xb2: {  	[dreg:$0x6] =	wrdreg $0x9  }
0xb3: {  	_ =	task.clear_ibuf [dreg:s7], $0x7FFFF;
	_ =	strace $0x9000004F  }
0xb4: {  	s29 =	simm.s32 $0x9;
	_ =	strace $0x80000051  }
0xb5: {  	_ =	swait.ge [sflag:s29], $0x1  }
0xb6: {  	[sflag:s29] =	ssyncadd.s32 $0xFFFFFFFF  }
0xb7: {  	_ =	strace $0x90000051  }
0xb8: {  	_ =	sfence  }
0xb9: {  	s30 =	sld [smem:$0x0];
	_ =	sdelay $0x2  }
0xba: {  	s31 =	sshll.u32 s1, $0xD;
	s1 =	sshrl.u32 s1, $0x2  }
0xbb: {  	s3 =	sand.u32 $0x4000, s31;
	s1 =	sadd.s32 s1, s30  }
0xbc: {  	s0 =	sor.u32 s3, s0;
	s1 =	sshll.u32 s1, $0x11  }
0xbd: {  	s0 =	sor.u32 s1, s0  }
0xbe: {  	s0 =	sadd.s32 $0x8F2B, s0  }
0xbf: {  	[sflag:s0] =	ssyncadd.remote.s32 $0x1  }
0xc0: {  	_ =	sfence.sel $0xFFFF  }
0xc1: {  	[dreg:$0x0] =	wrdreg $0xFFFFFFFF;
	(pc) =	sbr.abs _section_cstart, $3  }
0xc2: {  	[dreg:$0x1] =	wrdreg $0xFFFFFFFF  }
0xc3: {  	_ =	task.clear_ibuf [dreg:s7], $0x2FFFF;
	_ =	strace $0x9FFFFFFF  }
0xc4: {  	(tm) =	ssettm $0x7FFFFFFF  }
0xc5: {  	_ =	shalt  }
tec
execute0_lowered:
.L_overlay_start_1:
0x0: {  	(tag) =	ssettag $0x1  }
0x1: {  	s1 =	rddreg [dreg:$0x0]  }
0x2: {  	s0 =	srdreg.scid;
	s6 =	rddreg [dreg:$0x1]  }
0x3: {  	s2 =	rddreg [dreg:$0x2];
	s25 =	stileid.u32  }
0x4: {  	s3 =	rddreg [dreg:$0x3];
	s17 =	simm.s32 $0x2800;
	s19 =	simm.s32 $0x9000  }
0x5: {  	s20 =	simm.s32 $0x1;
	s21 =	simm.s32 $0x2;
	s22 =	simm.s32 $0x3  }
0x6: {  	s23 =	simm.s32 $0x4;
	s24 =	simm.s32 $0x80;
	s10 =	smul.u32 $0xA000, s25  }
0x7: {  	s28 =	simm.s32 $0x4F80;
	s29 =	simm.s32 $0x5;
	s8 =	smul.u32 $0x1400, s25  }
0x8: {  	s30 =	simm.s32 $0x0;
	s5 =	sand.u32 $0x1, s0;
	s13 =	smul.u32 $0x28000, s25  }
0x9: {  	s4 =	sshll.u32 s5, $0x4;
	s11 =	smul.u32 $0x14000, s5;
	s5 =	ssub.s32 $0x2, s5  }
0xa: {  	s7 =	sor.u32 s25, s4;
	s4 =	simm.s32 $0x0;
	s9 =	sshrl.u32 s10, $0x3  }
0xb: {  	s26 =	sshrl.u32 s5, $0x1;
	s18 =	sadd.s32 s10, s2;
	s31 =	sshrl.u32 s13, $0x2  }
0xc: {  	s10 =	sadd.s32 s10, s3;
	s7 =	smul.u32 $0x500, s7;
	[smem:$0x7FF] =	sst s4  }
0xd: {  	s9 =	sadd.s32 s9, s1;
	s8 =	sadd.s32 s8, s11;
	s16 =	ssub.s32 s5, s26  }
0xe: {  	s14 =	sadd.s32 s31, s3;
	s18 =	sshrl.u32 s18, $0x3;
	s26 =	simm.s32 $0x7000  }
0xf: {  	_ =	strace $0x80000050;
	s11 =	sadd.s32 $0x2000, s14;
	s13 =	sadd.s32 $0x6000, s14  }
0x10: {  	s16 =	smax.u32 s16, $0x1;
	s12 =	sadd.s32 s7, s1;
	s1 =	sadd.s32 s8, s1  }
0x11: {  	s6 =	sadd.s32 s6, s7;
	s7 =	sadd.s32 $0x5D400, s9;
	s8 =	sshll.u32 s25, $0x6  }
0x12: {  	s25 =	simm.s32 $0x5000;
	s5 =	sadd.s32 $0x3400, s12;
	s9 =	sor.u32 $0x1C03, s8  }
0x13: {  	v0 =	vimm.f32 $0.0e+00;
	s12 =	sadd.s32 $0x4000, s14;
	s14 =	sadd.s32 $0x8000, s14;
	s15 =	sadd.s32 $0x71400, s1  }
.LBB2_1:
0x14: {  	[tilespmem:s4], [sflag:$0x1] =	stream.linear.gather [hbm4b:s5+s4], $0x2800, $0x38;
	[tilespmem:$0x1F000] =	vst v63  }
0x15: {  	s1 =	simm.s32 $0x100;
	s31 =	simm.s32 $0x0  }
0x16: {  	[tilespmem:s17], [sflag:$0x2] =	stream.linear.gather [hbm4b:s6+s4], $0x2800, $0x38;
	[tilespmem:$0x1F000] =	vst v63  }
0x17: {  	[spmem:s18], [sflag:s9] =	dma.local [hbm:s7], $0x1400  }
.LBB2_2:
0x18: {  	p0 =	sne.s32 s1, $0x7F00;
	[tilespmem:s31+$0x9030] =	vst v0;
	s0 =	smov.u32 s1;
	s1 =	sadd.s32 $0x100, s1  }
.Ltmp0:
0x19: {  	[tilespmem:s31+$0x9020] =	vst v0;
	(pc) =	sbr.rel @p0 .LBB2_2-.Ltmp0, $3  }
0x1a: {  	[tilespmem:s31+$0x9000] =	vst v0  }
0x1b: {  	[tilespmem:s31+$0x9010] =	vst v0;
	_ =	sdelay $0x1  }
0x1c: {  	s31 =	sshra.s32 s0, $0x2  }
0x1d: {  	[tilespmem:s31+$0x9030] =	vst v0  }
0x1e: {  	[tilespmem:s31+$0x9020] =	vst v0  }
0x1f: {  	[tilespmem:s31+$0x9000] =	vst v0  }
0x20: {  	[tilespmem:s31+$0x9010] =	vst v0  }
0x21: {  	[spmem:s10] =	stream.linear.scatter [tilespmem:s19], [sflag:$0x4], $0x2000, $0x38;
	[tilespmem:$0x1F000] =	vst v63  }
0x22: {  	_ = 	snop  }
0x23: {  	[spmem:s11] =	stream.linear.scatter [tilespmem:s19], [sflag:$0x4], $0x2000, $0x38;
	[tilespmem:$0x1F000] =	vst v63  }
0x24: {  	_ = 	snop  }
0x25: {  	[spmem:s12] =	stream.linear.scatter [tilespmem:s19], [sflag:$0x4], $0x2000, $0x38;
	[tilespmem:$0x1F000] =	vst v63  }
0x26: {  	_ = 	snop  }
0x27: {  	[spmem:s13] =	stream.linear.scatter [tilespmem:s19], [sflag:$0x4], $0x2000, $0x38;
	[tilespmem:$0x1F000] =	vst v63  }
0x28: {  	_ = 	snop  }
0x29: {  	[spmem:s14] =	stream.linear.scatter [tilespmem:s19], [sflag:$0x4], $0x2000, $0x38;
	[tilespmem:$0x1F000] =	vst v63  }
0x2a: {  	_ =	swait.ge [sflag:s20], $0x2800  }
0x2b: {  	[sflag:s20] =	ssyncset.done $0x0  }
0x2c: {  	[sflag:s20] =	ssyncadd.s32 $0xFFFFD800  }
0x2d: {  	_ =	swait.ge [sflag:s21], $0x2800  }
0x2e: {  	[sflag:s21] =	ssyncset.done $0x0  }
0x2f: {  	[sflag:s21] =	ssyncadd.s32 $0xFFFFD800  }
0x30: {  	_ =	swait.ge [sflag:s22], $0x1400  }
0x31: {  	[sflag:s22] =	ssyncset.done $0x0  }
0x32: {  	[sflag:s22] =	ssyncadd.s32 $0xFFFFEC00  }
0x33: {  	_ =	swait.ge [sflag:s23], $0x2000  }
0x34: {  	[sflag:s23] =	ssyncset.done $0x0  }
0x35: {  	[sflag:s23] =	ssyncadd.s32 $0xFFFFE000  }
0x36: {  	_ =	swait.ge [sflag:s23], $0x2000  }
0x37: {  	[sflag:s23] =	ssyncset.done $0x0  }
0x38: {  	[sflag:s23] =	ssyncadd.s32 $0xFFFFE000  }
0x39: {  	_ =	swait.ge [sflag:s23], $0x2000  }
0x3a: {  	[sflag:s23] =	ssyncset.done $0x0  }
0x3b: {  	[sflag:s23] =	ssyncadd.s32 $0xFFFFE000  }
0x3c: {  	_ =	swait.ge [sflag:s23], $0x2000  }
0x3d: {  	[sflag:s23] =	ssyncset.done $0x0  }
0x3e: {  	[sflag:s23] =	ssyncadd.s32 $0xFFFFE000  }
0x3f: {  	_ =	swait.ge [sflag:s23], $0x2000  }
0x40: {  	[sflag:s23] =	ssyncset.done $0x0  }
0x41: {  	[sflag:s23] =	ssyncadd.s32 $0xFFFFE000  }
0x42: {  	[bflag:$0x0] =	sbarrier.arrive $0xFFFF  }
0x43: {  	[tilespmem:s25], [sflag:$0x1] =	stream.indirect.gather [spmem:s2], $0x40, s4, s24, $0xb8;
	[tilespmem:$0x1F000] =	vst v63  }
0x44: {  	_ =	swait.ge [sflag:s20], $0x2000  }
0x45: {  	[sflag:s20] =	ssyncset.done $0x0  }
0x46: {  	[sflag:s20] =	ssyncadd.s32 $0xFFFFE000  }
0x47: {  	[spmem:s3] =	stream.indirect.scatter.add.f32 [tilespmem:s25], [sflag:$0x3], $0x40, s17, s24, $0xb8;
	[tilespmem:$0x1F000] =	vst v63  }
0x48: {  	_ = 	snop  }
0x49: {  	[tilespmem:s26], [sflag:$0x2] =	stream.indirect.gather [spmem:s2], $0x40, s24, s24, $0xb8;
	[tilespmem:$0x1F000] =	vst v63  }
0x4a: {  	_ =	swait.ge [sflag:s21], $0x2000  }
0x4b: {  	[sflag:s21] =	ssyncset.done $0x0  }
0x4c: {  	s0 =	simm.s32 $0x2880;
	[sflag:s21] =	ssyncadd.s32 $0xFFFFE000  }
0x4d: {  	[spmem:s3] =	stream.indirect.scatter.add.f32 [tilespmem:s26], [sflag:$0x4], $0x40, s0, s24, $0xb8;
	[tilespmem:$0x1F000] =	vst v63  }
0x4e: {  	_ =	swait.ge [sflag:s22], $0x2000  }
0x4f: {  	[sflag:s22] =	ssyncset.done $0x0  }
0x50: {  	s1 =	simm.s32 $0x100;
	[sflag:s22] =	ssyncadd.s32 $0xFFFFE000  }
0x51: {  	[tilespmem:s25], [sflag:$0x1] =	stream.indirect.gather [spmem:s2], $0x40, s1, s24, $0xb8;
	[tilespmem:$0x1F000] =	vst v63  }
0x52: {  	_ =	swait.ge [sflag:s20], $0x2000  }
0x53: {  	[sflag:s20] =	ssyncset.done $0x0  }
0x54: {  	s1 =	simm.s32 $0x2900;
	[sflag:s20] =	ssyncadd.s32 $0xFFFFE000  }
0x55: {  	[spmem:s3] =	stream.indirect.scatter.add.f32 [tilespmem:s25], [sflag:$0x3], $0x40, s1, s24, $0xb8;
	[tilespmem:$0x1F000] =	vst v63  }
0x56: {  	_ =	swait.ge [sflag:s23], $0x2000  }
0x57: {  	[sflag:s23] =	ssyncset.done $0x0  }
0x58: {  	s31 =	simm.s32 $0xFFFF6800;
	s1 =	simm.s32 $0x180;
	[sflag:s23] =	ssyncadd.s32 $0xFFFFE000  }
.LBB2_4:
0x59: {  	[tilespmem:s26], [sflag:$0x2] =	stream.indirect.gather [spmem:s2], $0x40, s1, s24, $0xb8;
	[tilespmem:$0x1F000] =	vst v63  }
0x5a: {  	s0 =	smov.u32 s31  }
0x5b: {  	p0 =	sne.s32 s31, $0xFFFFFC00;
	s31 =	sadd.s32 $0x400, s31;
	_ =	swait.ge [sflag:s21], $0x2000  }
0x5c: {  	s0 =	sshra.s32 s0, $0x2;
	[sflag:s21] =	ssyncset.done $0x0  }
0x5d: {  	s1 =	sadd.s32 $0x4F80, s0;
	[sflag:s21] =	ssyncadd.s32 $0xFFFFE000  }
0x5e: {  	[spmem:s3] =	stream.indirect.scatter.add.f32 [tilespmem:s26], [sflag:$0x4], $0x40, s1, s24, $0xb8;
	[tilespmem:$0x1F000] =	vst v63  }
0x5f: {  	_ =	swait.ge [sflag:s22], $0x2000  }
0x60: {  	[sflag:s22] =	ssyncset.done $0x0  }
0x61: {  	s1 =	sadd.s32 $0x2800, s0;
	[sflag:s22] =	ssyncadd.s32 $0xFFFFE000  }
0x62: {  	[tilespmem:s25], [sflag:$0x1] =	stream.indirect.gather [spmem:s2], $0x40, s1, s24, $0xb8;
	[tilespmem:$0x1F000] =	vst v63  }
0x63: {  	_ =	swait.ge [sflag:s20], $0x2000  }
0x64: {  	[sflag:s20] =	ssyncset.done $0x0  }
.Ltmp1:
0x65: {  	s1 =	sadd.s32 $0x5000, s0;
	[sflag:s20] =	ssyncadd.s32 $0xFFFFE000;
	(pc) =	sbr.rel @p0 .LBB2_4-.Ltmp1, $4  }
0x66: {  	[spmem:s3] =	stream.indirect.scatter.add.f32 [tilespmem:s25], [sflag:$0x3], $0x40, s1, s24, $0xb8;
	[tilespmem:$0x1F000] =	vst v63  }
0x67: {  	_ =	swait.ge [sflag:s23], $0x2000  }
0x68: {  	[sflag:s23] =	ssyncset.done $0x0  }
0x69: {  	s1 =	sadd.s32 $0x2880, s0;
	[sflag:s23] =	ssyncadd.s32 $0xFFFFE000  }
0x6a: {  	[tilespmem:s26], [sflag:$0x2] =	stream.indirect.gather [spmem:s2], $0x40, s1, s24, $0xb8;
	[tilespmem:$0x1F000] =	vst v63  }
0x6b: {  	_ =	swait.ge [sflag:s21], $0x2000  }
0x6c: {  	[sflag:s21] =	ssyncset.done $0x0  }
0x6d: {  	[sflag:s21] =	ssyncadd.s32 $0xFFFFE000  }
0x6e: {  	[spmem:s3] =	stream.indirect.scatter.add.f32 [tilespmem:s26], [sflag:$0x4], $0x40, s28, s24, $0xb8;
	[tilespmem:$0x1F000] =	vst v63  }
0x6f: {  	_ =	swait.ge [sflag:s22], $0x2000  }
0x70: {  	[sflag:s22] =	ssyncset.done $0x0  }
0x71: {  	[sflag:s22] =	ssyncadd.s32 $0xFFFFE000  }
0x72: {  	_ =	swait.ge [sflag:s23], $0x2000  }
0x73: {  	s30 =	sadd.s32 $0x1, s30;
	[sflag:s23] =	ssyncset.done $0x0  }
0x74: {  	s0 =	sor.u32 $0x1C05, s8;
	p0 =	sne.s32 s30, s16;
	[sflag:s23] =	ssyncadd.s32 $0xFFFFE000  }
.Ltmp2:
0x75: {  	s31 =	sshrl.u32 s10, $0x3;
	[bflag:$0x0] =	sbarrier.arrive $0xFFFF;
	(pc) =	sbr.rel @p0 .LBB2_1-.Ltmp2, $4  }
0x76: {  	[hbm:s15], [sflag:s0] =	dma.local [spmem:s31], $0x1400  }
0x77: {  	_ =	swait.ge [sflag:s29], $0x1400  }
0x78: {  	[sflag:s29] =	ssyncset.done $0x0  }
0x79: {  	[sflag:s29] =	ssyncadd.s32 $0xFFFFEC00  }
0x7a: {  	_ =	sfence.sel $0x180000  }
0x7b: {  	[bflag:$0x0] =	sbarrier.arrive $0xFFFF  }
0x7c: {  	_ =	strace $0x90000050  }
0x7d: {  	s0 =	stileid.u32;
	[bflag:$0x2] =	sbarrier.arrive $0xFFFF  }
0x7e: {  	p0 =	sne.s32 s0, $0x0;
	s0 =	rddreg [dreg:$0x4]  }
0x7f: {  	s0 =	sadd.s32 @!p0 $0x100000, s0  }
0x80: {  	[sflag:s0] =	ssyncadd.tile.s32 @!p0 $0x1;
	_ =	shalt  }
.Lfunc_end2:
_tile_overlayer_lowered:
.L_overlay_start_2:
0x81: {  	(tag) =	ssettag $0x2  }
0x82: {  	s0 =	rddreg [dreg:$0x0];
	s2 =	stileid.u32  }
0x83: {  	s1 =	rddreg [dreg:$0x1];
	p0 =	sne.s32 s2, $0x0  }
0x84: {  	s3 =	rddreg [dreg:$0x2];
	[bflag:$0x3] =	sbarrier.arrive $0xFFFF;
	s2 =	simm.s32 @!p0 $0x1C05  }
0x85: {  	[timem:s3], [sflag:s2] =	dma.local @!p0 [hbm:s0], s1  }
0x86: {  	s0 =	simm.s32 @!p0 $0x5  }
0x87: {  	_ =	swait.ge @!p0 [sflag:s0], s1  }
0x88: {  	s1 =	ssub.s32 @!p0 $0x0, s1;
	[sflag:s0] =	ssyncset.done @!p0 $0x0  }
0x89: {  	[sflag:s0] =	ssyncadd.s32 @!p0 s1  }
0x8a: {  	[bflag:$0x3] =	sbarrier.arrive $0xFFFF  }
0x8b: {  	_ =	shalt  }

</sc_bundles>
